<compile_context>
chip_gen: v7x
topology: tpu7x:2x2x1
jax: 0.10.2.dev20260603
libtpu: 0.0.44.dev20260713+nightly
codegen_flags: <defaults>
</compile_context>

<pallas_src>
import functools

import jax
import jax.numpy as jnp
from jax import lax
from jax.experimental import pallas as pl
from jax.experimental.pallas import tpu as pltpu
from jax.experimental.pallas import tpu_sc as plsc

NC = 2
NS = 16
NW = NC * NS

F32 = jnp.float32
I32 = jnp.int32

def _fill_myrows(myrows, row0, n_chunks, zbw):
  spr = zbw // 16
  ivec = lax.iota(I32, 16)
  one_i = jnp.full((16,), 1, I32)

  def fr(i, _):
    z = i // spr
    off = (i % spr) * 16
    myrows[z, pl.ds(off, 16)] = ivec + one_i * (row0 + i * 16)
    return 0
  lax.fori_loop(0, n_chunks * spr, fr, 0)


def _fill_zeros(zb, n_rows, d_vecs):
  def fz(i, _):
    for c in range(d_vecs):
      zb[i, pl.ds(c * 16, 16)] = jnp.zeros((16,), F32)
    return 0
  lax.fori_loop(0, n_rows, fz, 0)


def _out_rows(out, cid, row0, z, zbw):
  off = pl.multiple_of(row0 + z * zbw, zbw)
  return out.at[cid, pl.ds(off, zbw)]


def _make_degree_kernel(NP, C, B, GS):
  mesh = plsc.VectorSubcoreMesh(core_axis_name="c", subcore_axis_name="s",
                                num_cores=NC, num_subcores=NS)
  rpt = NP // NS
  ZBW = 64
  n_zchunks = rpt // ZBW
  n_groups = C // GS

  @functools.partial(
      pl.kernel,
      mesh=mesh,
      out_type=jax.ShapeDtypeStruct((NC, NP, 128), F32),
      scratch_types=[
          pltpu.VMEM_SHARED((NP, 128), F32),
          pltpu.VMEM((GS, B), I32),
          pltpu.VMEM((GS, B), I32),
          pltpu.VMEM((n_zchunks, ZBW), I32),
          pltpu.VMEM((B, 128), F32),
          pltpu.VMEM((B, 128), F32),
          pltpu.VMEM((ZBW, 128), F32),
          pltpu.SemaphoreType.DMA,
          pltpu.SemaphoreType.DMA,
          pltpu.SemaphoreType.DMA,
          pltpu.SemaphoreType.DMA,
      ],
  )
  def deg_kernel(src3, dst3, out, acc, sidx, didx, myrows, ones_l, ones_r,
                 zb, sem, sem2, sem3, sem4):
    cid = lax.axis_index("c")
    tid = lax.axis_index("s")
    wid = cid * NS + tid
    row0 = tid * rpt

    def fill_ones(i, _):
      for c in range(8):
        v = 1.0 if c < 4 else 0.0
        ones_l[i, pl.ds(c * 16, 16)] = jnp.full((16,), v, F32)
        ones_r[i, pl.ds(c * 16, 16)] = jnp.full((16,), 1.0 - v, F32)
      return 0
    lax.fori_loop(0, B, fill_ones, 0)

    _fill_zeros(zb, ZBW, 8)
    _fill_myrows(myrows, row0, n_zchunks, ZBW)

    def zero(z, _):
      pltpu.sync_copy(zb, acc.at[myrows.at[z]])
      return 0
    lax.fori_loop(0, n_zchunks, zero, 0)
    plsc.subcore_barrier()

    def group(g, _):
      goff = pl.multiple_of(g * GS, GS)
      pltpu.async_copy(src3.at[wid, pl.ds(goff, GS)], sidx, sem).wait()
      pltpu.async_copy(dst3.at[wid, pl.ds(goff, GS)], didx, sem).wait()

      def body(t, _):
        j0 = 2 * t
        j1 = 2 * t + 1
        a0 = pltpu.async_copy(ones_l, acc.at[sidx.at[j0]], sem, add=True)
        a1 = pltpu.async_copy(ones_r, acc.at[didx.at[j0]], sem2, add=True)
        a2 = pltpu.async_copy(ones_l, acc.at[sidx.at[j1]], sem3, add=True)
        a3 = pltpu.async_copy(ones_r, acc.at[didx.at[j1]], sem4, add=True)
        a0.wait()
        a1.wait()
        a2.wait()
        a3.wait()
        return 0
      lax.fori_loop(0, GS // 2, body, 0)
      return 0
    lax.fori_loop(0, n_groups, group, 0)
    plsc.subcore_barrier()

    def readout(z, _):
      pltpu.async_copy(acc.at[myrows.at[z]], zb, sem).wait()
      pltpu.sync_copy(zb, _out_rows(out, cid, row0, z, ZBW))
      return 0
    lax.fori_loop(0, n_zchunks, readout, 0)

  return deg_kernel


def _make_scatter_kernel(D, NP, C, B, GS):
  mesh = plsc.VectorSubcoreMesh(core_axis_name="c", subcore_axis_name="s",
                                num_cores=NC, num_subcores=NS)
  rpt = NP // NS
  ZBW = 128
  n_zchunks = rpt // ZBW
  n_groups = C // GS

  @functools.partial(
      pl.kernel,
      mesh=mesh,
      out_type=jax.ShapeDtypeStruct((NC, NP, D), F32),
      scratch_types=[
          pltpu.VMEM_SHARED((NP, D), F32),
          pltpu.VMEM((GS, B), I32),
          pltpu.VMEM((GS, B), I32),
          pltpu.VMEM((n_zchunks, ZBW), I32),
          pltpu.VMEM((B, D), F32),
          pltpu.VMEM((B, D), F32),
          pltpu.SemaphoreType.DMA,
          pltpu.SemaphoreType.DMA,
          pltpu.SemaphoreType.DMA,
      ],
  )
  def mp_kernel(z_hbm, src3, dst3, out, acc, sidx, didx, myrows, rows_a,
                rows_b, sem, sem_a, sem_b):
    cid = lax.axis_index("c")
    tid = lax.axis_index("s")
    wid = cid * NS + tid
    row0 = tid * rpt

    _fill_zeros(rows_a, ZBW, D // 16)
    _fill_myrows(myrows, row0, n_zchunks, ZBW)

    def zero(z, _):
      pltpu.sync_copy(rows_a, acc.at[myrows.at[z]])
      return 0
    lax.fori_loop(0, n_zchunks, zero, 0)
    plsc.subcore_barrier()

    def group(g, _):
      goff = pl.multiple_of(g * GS, GS)
      pltpu.async_copy(src3.at[wid, pl.ds(goff, GS)], sidx, sem).wait()
      pltpu.async_copy(dst3.at[wid, pl.ds(goff, GS)], didx, sem).wait()

      pltpu.async_copy(z_hbm.at[sidx.at[0]], rows_a, sem_a)

      def pair(t, _):
        j0 = 2 * t
        j1 = 2 * t + 1
        gb = pltpu.async_copy(z_hbm.at[sidx.at[j1]], rows_b, sem_b)
        pltpu.make_async_copy(z_hbm.at[sidx.at[j0]], rows_a, sem_a).wait()
        pltpu.sync_copy(rows_a, acc.at[didx.at[j0]], add=True)

        @pl.when(t < GS // 2 - 1)
        def _():
          pltpu.async_copy(z_hbm.at[sidx.at[j0 + 2]], rows_a, sem_a)

        gb.wait()
        pltpu.sync_copy(rows_b, acc.at[didx.at[j1]], add=True)
        return 0
      lax.fori_loop(0, GS // 2, pair, 0)
      return 0
    lax.fori_loop(0, n_groups, group, 0)
    plsc.subcore_barrier()

    def readout(z, _):
      pltpu.async_copy(acc.at[myrows.at[z]], rows_a, sem).wait()
      pltpu.sync_copy(rows_a, _out_rows(out, cid, row0, z, ZBW))
      return 0
    lax.fori_loop(0, n_zchunks, readout, 0)

  return mp_kernel


def _norms_from_hist(hist_blk):
  deg = hist_blk[0] + hist_blk[1]
  norm_src = lax.rsqrt(jnp.maximum(deg[:, 0], 1.0))
  norm_dst = lax.rsqrt(jnp.maximum(deg[:, 64], 1.0))
  return norm_src, norm_dst


def _matmul_body(x_ref, w_ref, o_ref):
  o_ref[...] = x_ref[...] @ w_ref[...]


def _scale_body(hist_ref, y_ref, o_ref):
  norm_src, _ = _norms_from_hist(hist_ref[...])
  o_ref[...] = y_ref[...] * norm_src[:, None]


def _make_layer_mid_body(N, RB):
  def _layer_mid_body(p_ref, hist_ref, b1_ref, w2_ref, o_ref):
    norm_src, norm_dst = _norms_from_hist(hist_ref[...])
    agg = p_ref[0] + p_ref[1]
    h = jnp.maximum(agg * norm_dst[:, None] + b1_ref[...], 0.0)
    z = (h * norm_src[:, None]) @ w2_ref[...]
    row = pl.program_id(0) * RB + lax.broadcasted_iota(I32, (RB, 1), 0)
    o_ref[...] = jnp.where(row < N, z, 0.0)
  return _layer_mid_body


def _layer_out_body(p_ref, hist_ref, b2_ref, o_ref):
  _, norm_dst = _norms_from_hist(hist_ref[...])
  agg = p_ref[0] + p_ref[1]
  o_ref[...] = agg * norm_dst[:, None] + b2_ref[...]


def kernel(in_feat, edge_index, W1, b1, W2, b2):
  N, D_IN = in_feat.shape
  E = edge_index.shape[1]
  D_H = W1.shape[1]
  D_OUT = W2.shape[1]

  NP = ((N + 1023) // 1024) * 1024
  B = 128
  GS = 16
  C = -(-E // (NW * B * GS)) * GS
  EP = NW * C * B

  spare = NP - N
  trash_rows = (N + jnp.arange(EP, dtype=I32) % spare).astype(I32)
  src_p = trash_rows.at[:E].set(edge_index[0])
  dst_p = trash_rows.at[:E].set(edge_index[1])
  src3 = src_p.reshape(NW, C, B)
  dst3 = dst_p.reshape(NW, C, B)

  x_p = jnp.zeros((NP, D_IN), F32).at[:N].set(in_feat)

  RB = 1024
  n_blocks = NP // RB
  hist_spec = pl.BlockSpec((NC, RB, 128), lambda i: (0, i, 0))
  row_spec = pl.BlockSpec((RB, D_IN), lambda i: (i, 0))
  part_spec = pl.BlockSpec((NC, RB, D_H), lambda i: (0, i, 0))

  y1 = pl.pallas_call(
      _matmul_body,
      grid=(n_blocks,),
      in_specs=[row_spec, pl.BlockSpec((D_IN, D_H), lambda i: (0, 0))],
      out_specs=pl.BlockSpec((RB, D_H), lambda i: (i, 0)),
      out_shape=jax.ShapeDtypeStruct((NP, D_H), F32),
  )(x_p, W1)

  hist = _make_degree_kernel(NP, 2 * C, 64, 2 * GS)(
      src_p.reshape(NW, 2 * C, 64), dst_p.reshape(NW, 2 * C, 64))

  z1 = pl.pallas_call(
      _scale_body,
      grid=(n_blocks,),
      in_specs=[hist_spec, pl.BlockSpec((RB, D_H), lambda i: (i, 0))],
      out_specs=pl.BlockSpec((RB, D_H), lambda i: (i, 0)),
      out_shape=jax.ShapeDtypeStruct((NP, D_H), F32),
  )(hist, y1)

  mp_kernel = _make_scatter_kernel(D_H, NP, C, B, 40)
  p1 = mp_kernel(z1, src3, dst3)

  z2 = pl.pallas_call(
      _make_layer_mid_body(N, RB),
      grid=(n_blocks,),
      in_specs=[part_spec, hist_spec,
                pl.BlockSpec((1, D_H), lambda i: (0, 0)),
                pl.BlockSpec((D_H, D_OUT), lambda i: (0, 0))],
      out_specs=pl.BlockSpec((RB, D_OUT), lambda i: (i, 0)),
      out_shape=jax.ShapeDtypeStruct((NP, D_OUT), F32),
  )(p1, hist, b1.reshape(1, D_H), W2)

  p2 = mp_kernel(z2, src3, dst3)

  out = pl.pallas_call(
      _layer_out_body,
      grid=(n_blocks,),
      in_specs=[pl.BlockSpec((NC, RB, D_OUT), lambda i: (0, i, 0)), hist_spec,
                pl.BlockSpec((1, D_OUT), lambda i: (0, 0))],
      out_specs=pl.BlockSpec((RB, D_OUT), lambda i: (i, 0)),
      out_shape=jax.ShapeDtypeStruct((NP, D_OUT), F32),
  )(p2, hist, b2.reshape(1, D_OUT))

  return out[:N]

# --- scband reference (transcript-rebuilt; emitter-appended) ---
"""Pipeline reference for scband-gcn-71236327571563 (READ-ONLY COPY).

The authoritative reference and input builder live on the scoring server;
editing this copy changes nothing except your own understanding.
"""

import jax, jax.numpy as jnp
import numpy as np

N = 10000
E = 320000
D_IN = 128
D_H = 128
D_OUT = 128


def setup_inputs(seed: int = 0) -> dict:
    key = jax.random.key(seed)
    k1, k2, k3, k4, k5, k6 = jax.random.split(key, 6)
    in_feat = jax.random.normal(k1, (N, D_IN), dtype=jnp.float32)
    edge_index = jax.random.randint(k2, (2, E), 0, N, dtype=jnp.int32)
    # GraphConv weights (xavier-ish init)
    W1 = jax.random.normal(k3, (D_IN, D_H), dtype=jnp.float32) * (1.0 / np.sqrt(D_IN))
    b1 = jnp.zeros((D_H,), dtype=jnp.float32)
    W2 = jax.random.normal(k4, (D_H, D_OUT), dtype=jnp.float32) * (1.0 / np.sqrt(D_H))
    b2 = jnp.zeros((D_OUT,), dtype=jnp.float32)
    return {"in_feat": in_feat, "edge_index": edge_index, "W1": W1, "b1": b1, "W2": W2, "b2": b2}


def _graph_conv(x, src, dst, W, b):
    # DGL GraphConv with norm='both': h = D_in^{-1/2} A D_out^{-1/2} x W + b
    ones = jnp.ones((src.shape[0],), dtype=jnp.float32)
    deg_out = jax.ops.segment_sum(ones, src, num_segments=N)
    deg_in = jax.ops.segment_sum(ones, dst, num_segments=N)
    norm_src = jnp.maximum(deg_out, 1.0) ** -0.5
    norm_dst = jnp.maximum(deg_in, 1.0) ** -0.5
    x = x * norm_src[:, None]
    x = x @ W  # mult W first (in_feats >= out_feats path in DGL)
    msg = jnp.take(x, src, axis=0)
    agg = jax.ops.segment_sum(msg, dst, num_segments=N)
    return agg * norm_dst[:, None] + b


def reference(in_feat, edge_index, W1, b1, W2, b2):
    src = edge_index[0]
    dst = edge_index[1]
    h = _graph_conv(in_feat, src, dst, W1, b1)
    h = jax.nn.relu(h)
    # F.dropout(h, training=self.training) -> identity in eval mode
    h = _graph_conv(h, src, dst, W2, b2)
    return h

if __name__ == "__main__":
    import jax
    _d = setup_inputs()
    print(jax.jit(kernel)(*tuple(_d.values())))

</pallas_src>

<mosaic_0001>
#map = affine_map<(d0, d1) -> (0, 0)>
#map1 = affine_map<(d0, d1) -> (0, 0, 0)>
module attributes {stable_mosaic.version = 14 : i64} {
  func.func @mp_kernel(%arg0: i32, %arg1: i32, %arg2: memref<10240x128xf32, #tpu.memory_space<hbm>>, %arg3: memref<32x80x128xi32, #tpu.memory_space<hbm>>, %arg4: memref<32x80x128xi32, #tpu.memory_space<hbm>>, %arg5: memref<2x10240x128xf32, #tpu.memory_space<hbm>>, %arg6: memref<10240x128xf32, #tpu.memory_space<vmem_shared>>, %arg7: memref<40x128xi32, #tpu.memory_space<vmem>>, %arg8: memref<40x128xi32, #tpu.memory_space<vmem>>, %arg9: memref<5x128xi32, #tpu.memory_space<vmem>>, %arg10: memref<128x128xf32, #tpu.memory_space<vmem>>, %arg11: memref<128x128xf32, #tpu.memory_space<vmem>>, %arg12: memref<!tpu.dma_semaphore, #tpu.memory_space<semaphore_mem>>, %arg13: memref<!tpu.dma_semaphore, #tpu.memory_space<semaphore_mem>>, %arg14: memref<!tpu.dma_semaphore, #tpu.memory_space<semaphore_mem>>) attributes {dimension_semantics = [#tpu.dimension_semantics<core_parallel>, #tpu.dimension_semantics<subcore_parallel>], iteration_bounds = array<i64: 2, 16>, scalar_prefetch = 0 : i64, scratch_operands = 9 : i64, tpu.core_type = #tpu.core_type<sc_vector_subcore>, window_params = [{transform_indices = #map}, {transform_indices = #map1}, {transform_indices = #map1}, {transform_indices = #map1}]} {
    %mul3A = arith.constant 16 : i32
    %mul3A_0 = arith.muli %arg0, %mul3A : i32
    %add3A = arith.addi %mul3A_0, %arg1 : i32
    %mul3A_1 = arith.constant 640 : i32
    %mul3A_2 = arith.muli %arg1, %mul3A_1 : i32
    %scan3A = arith.constant 0 : i32
    %scan3A_3 = arith.constant 0 : i32
    %scan3A_4 = arith.constant 128 : i32
    %scan3A_5 = arith.addi %scan3A_3, %scan3A_4 : i32
    %scan3A_6 = arith.constant 1 : i32
    %scan3A_7 = scf.for %scan3A_39 = %scan3A_3 to %scan3A_5 step %scan3A_6 iter_args(%scan3A_40 = %scan3A) -> (i32)  : i32 {
      %broadcast_in_dim3A_41 = arith.constant 0.000000e+00 : f32
      %broadcast_in_dim3A_42 = vector.broadcast %broadcast_in_dim3A_41 : f32 to vector<16xf32>
      %swap3A = arith.index_cast %scan3A_39 : i32 to index
      %swap3A_43 = arith.constant 0 : index
      %swap3A_44 = tpu.vector_load %arg10[%swap3A, %swap3A_43] {strides = array<i32>} : memref<128x128xf32, #tpu.memory_space<vmem>>, vector<1x16xf32>,
      %swap3A_45 = vector.shape_cast %swap3A_44 : vector<1x16xf32> to vector<16xf32>
      %swap3A_46 = vector.shape_cast %broadcast_in_dim3A_42 : vector<16xf32> to vector<1x16xf32>
      tpu.vector_store %arg10[%swap3A, %swap3A_43], %swap3A_46 {strides = array<i32>} : memref<128x128xf32, #tpu.memory_space<vmem>>, vector<1x16xf32>,
      %broadcast_in_dim3A_47 = arith.constant 0.000000e+00 : f32
      %broadcast_in_dim3A_48 = vector.broadcast %broadcast_in_dim3A_47 : f32 to vector<16xf32>
      %swap3A_49 = arith.index_cast %scan3A_39 : i32 to index
      %swap3A_50 = arith.constant 16 : index
      %swap3A_51 = tpu.vector_load %arg10[%swap3A_49, %swap3A_50] {strides = array<i32>} : memref<128x128xf32, #tpu.memory_space<vmem>>, vector<1x16xf32>,
      %swap3A_52 = vector.shape_cast %swap3A_51 : vector<1x16xf32> to vector<16xf32>
      %swap3A_53 = vector.shape_cast %broadcast_in_dim3A_48 : vector<16xf32> to vector<1x16xf32>
      tpu.vector_store %arg10[%swap3A_49, %swap3A_50], %swap3A_53 {strides = array<i32>} : memref<128x128xf32, #tpu.memory_space<vmem>>, vector<1x16xf32>,
      %broadcast_in_dim3A_54 = arith.constant 0.000000e+00 : f32
      %broadcast_in_dim3A_55 = vector.broadcast %broadcast_in_dim3A_54 : f32 to vector<16xf32>
      %swap3A_56 = arith.index_cast %scan3A_39 : i32 to index
      %swap3A_57 = arith.constant 32 : index
      %swap3A_58 = tpu.vector_load %arg10[%swap3A_56, %swap3A_57] {strides = array<i32>} : memref<128x128xf32, #tpu.memory_space<vmem>>, vector<1x16xf32>,
      %swap3A_59 = vector.shape_cast %swap3A_58 : vector<1x16xf32> to vector<16xf32>
      %swap3A_60 = vector.shape_cast %broadcast_in_dim3A_55 : vector<16xf32> to vector<1x16xf32>
      tpu.vector_store %arg10[%swap3A_56, %swap3A_57], %swap3A_60 {strides = array<i32>} : memref<128x128xf32, #tpu.memory_space<vmem>>, vector<1x16xf32>,
      %broadcast_in_dim3A_61 = arith.constant 0.000000e+00 : f32
      %broadcast_in_dim3A_62 = vector.broadcast %broadcast_in_dim3A_61 : f32 to vector<16xf32>
      %swap3A_63 = arith.index_cast %scan3A_39 : i32 to index
      %swap3A_64 = arith.constant 48 : index
      %swap3A_65 = tpu.vector_load %arg10[%swap3A_63, %swap3A_64] {strides = array<i32>} : memref<128x128xf32, #tpu.memory_space<vmem>>, vector<1x16xf32>,
      %swap3A_66 = vector.shape_cast %swap3A_65 : vector<1x16xf32> to vector<16xf32>
      %swap3A_67 = vector.shape_cast %broadcast_in_dim3A_62 : vector<16xf32> to vector<1x16xf32>
      tpu.vector_store %arg10[%swap3A_63, %swap3A_64], %swap3A_67 {strides = array<i32>} : memref<128x128xf32, #tpu.memory_space<vmem>>, vector<1x16xf32>,
      %broadcast_in_dim3A_68 = arith.constant 0.000000e+00 : f32
      %broadcast_in_dim3A_69 = vector.broadcast %broadcast_in_dim3A_68 : f32 to vector<16xf32>
      %swap3A_70 = arith.index_cast %scan3A_39 : i32 to index
      %swap3A_71 = arith.constant 64 : index
      %swap3A_72 = tpu.vector_load %arg10[%swap3A_70, %swap3A_71] {strides = array<i32>} : memref<128x128xf32, #tpu.memory_space<vmem>>, vector<1x16xf32>,
      %swap3A_73 = vector.shape_cast %swap3A_72 : vector<1x16xf32> to vector<16xf32>
      %swap3A_74 = vector.shape_cast %broadcast_in_dim3A_69 : vector<16xf32> to vector<1x16xf32>
      tpu.vector_store %arg10[%swap3A_70, %swap3A_71], %swap3A_74 {strides = array<i32>} : memref<128x128xf32, #tpu.memory_space<vmem>>, vector<1x16xf32>,
      %broadcast_in_dim3A_75 = arith.constant 0.000000e+00 : f32
      %broadcast_in_dim3A_76 = vector.broadcast %broadcast_in_dim3A_75 : f32 to vector<16xf32>
      %swap3A_77 = arith.index_cast %scan3A_39 : i32 to index
      %swap3A_78 = arith.constant 80 : index
      %swap3A_79 = tpu.vector_load %arg10[%swap3A_77, %swap3A_78] {strides = array<i32>} : memref<128x128xf32, #tpu.memory_space<vmem>>, vector<1x16xf32>,
      %swap3A_80 = vector.shape_cast %swap3A_79 : vector<1x16xf32> to vector<16xf32>
      %swap3A_81 = vector.shape_cast %broadcast_in_dim3A_76 : vector<16xf32> to vector<1x16xf32>
      tpu.vector_store %arg10[%swap3A_77, %swap3A_78], %swap3A_81 {strides = array<i32>} : memref<128x128xf32, #tpu.memory_space<vmem>>, vector<1x16xf32>,
      %broadcast_in_dim3A_82 = arith.constant 0.000000e+00 : f32
      %broadcast_in_dim3A_83 = vector.broadcast %broadcast_in_dim3A_82 : f32 to vector<16xf32>
      %swap3A_84 = arith.index_cast %scan3A_39 : i32 to index
      %swap3A_85 = arith.constant 96 : index
      %swap3A_86 = tpu.vector_load %arg10[%swap3A_84, %swap3A_85] {strides = array<i32>} : memref<128x128xf32, #tpu.memory_space<vmem>>, vector<1x16xf32>,
      %swap3A_87 = vector.shape_cast %swap3A_86 : vector<1x16xf32> to vector<16xf32>
      %swap3A_88 = vector.shape_cast %broadcast_in_dim3A_83 : vector<16xf32> to vector<1x16xf32>
      tpu.vector_store %arg10[%swap3A_84, %swap3A_85], %swap3A_88 {strides = array<i32>} : memref<128x128xf32, #tpu.memory_space<vmem>>, vector<1x16xf32>,
      %broadcast_in_dim3A_89 = arith.constant 0.000000e+00 : f32
      %broadcast_in_dim3A_90 = vector.broadcast %broadcast_in_dim3A_89 : f32 to vector<16xf32>
      %swap3A_91 = arith.index_cast %scan3A_39 : i32 to index
      %swap3A_92 = arith.constant 112 : index
      %swap3A_93 = tpu.vector_load %arg10[%swap3A_91, %swap3A_92] {strides = array<i32>} : memref<128x128xf32, #tpu.memory_space<vmem>>, vector<1x16xf32>,
      %swap3A_94 = vector.shape_cast %swap3A_93 : vector<1x16xf32> to vector<16xf32>
      %swap3A_95 = vector.shape_cast %broadcast_in_dim3A_90 : vector<16xf32> to vector<1x16xf32>
      tpu.vector_store %arg10[%swap3A_91, %swap3A_92], %swap3A_95 {strides = array<i32>} : memref<128x128xf32, #tpu.memory_space<vmem>>, vector<1x16xf32>,
      %scan3A_96 = arith.constant 0 : i32
      scf.yield %scan3A_96 : i32
    }
    %scan3A_8 = arith.constant 128 : i32
    %iota3A = tpu.iota {dimensions = array<i32: 0>} : vector<16xi32>
    %broadcast_in_dim3A = arith.constant 1 : i32
    %broadcast_in_dim3A_9 = vector.broadcast %broadcast_in_dim3A : i32 to vector<16xi32>
    %scan3A_10 = arith.constant 0 : i32
    %scan3A_11 = arith.constant 0 : i32
    %scan3A_12 = arith.constant 40 : i32
    %scan3A_13 = arith.addi %scan3A_11, %scan3A_12 : i32
    %scan3A_14 = arith.constant 1 : i32
    %scan3A_15 = scf.for %scan3A_39 = %scan3A_11 to %scan3A_13 step %scan3A_14 iter_args(%scan3A_40 = %scan3A_10) -> (i32)  : i32 {
      %jit3A = arith.constant 8 : i32
      %div3A = arith.divsi %scan3A_39, %jit3A : i32
      %sign3A = arith.constant 0 : i32
      %sign3A_41 = arith.cmpi sgt, %scan3A_39, %sign3A : i32
      %sign3A_42 = arith.extui %sign3A_41 : i1 to i32
      %sign3A_43 = arith.constant 0 : i32
      %sign3A_44 = arith.cmpi slt, %scan3A_39, %sign3A_43 : i32
      %sign3A_45 = arith.extui %sign3A_44 : i1 to i32
      %sign3A_46 = arith.subi %sign3A_42, %sign3A_45 : i32
      %sign3A_47 = arith.constant 0 : i32
      %sign3A_48 = arith.cmpi sgt, %jit3A, %sign3A_47 : i32
      %sign3A_49 = arith.extui %sign3A_48 : i1 to i32
      %sign3A_50 = arith.constant 0 : i32
      %sign3A_51 = arith.cmpi slt, %jit3A, %sign3A_50 : i32
      %sign3A_52 = arith.extui %sign3A_51 : i1 to i32
      %sign3A_53 = arith.subi %sign3A_49, %sign3A_52 : i32
      %ne3A = arith.cmpi ne, %sign3A_46, %sign3A_53 : i32
      %rem3A = arith.remsi %scan3A_39, %jit3A : i32
      %ne3A_54 = arith.constant 0 : i32
      %ne3A_55 = arith.cmpi ne, %rem3A, %ne3A_54 : i32
      %and3A = arith.andi %ne3A, %ne3A_55 : i1
      %sub3A = arith.constant 1 : i32
      %sub3A_56 = arith.subi %div3A, %sub3A : i32
      %select_n3A = arith.select %and3A, %sub3A_56, %div3A : i32
      %jit3A_57 = arith.constant 8 : i32
      %eq3A = arith.constant 0 : i32
      %eq3A_58 = arith.cmpi eq, %jit3A_57, %eq3A : i32
      %jit3A_59 = arith.constant 1 : i32
      %select_n3A_60 = arith.select %eq3A_58, %jit3A_59, %jit3A_57 : i32
      %rem3A_61 = arith.remsi %scan3A_39, %select_n3A_60 : i32
      %ne3A_62 = arith.constant 0 : i32
      %ne3A_63 = arith.cmpi ne, %rem3A_61, %ne3A_62 : i32
      %lt3A = arith.constant 0 : i32
      %lt3A_64 = arith.cmpi slt, %rem3A_61, %lt3A : i32
      %lt3A_65 = arith.constant 0 : i32
      %lt3A_66 = arith.cmpi slt, %select_n3A_60, %lt3A_65 : i32
      %ne3A_67 = arith.xori %lt3A_64, %lt3A_66 : i1
      %and3A_68 = arith.andi %ne3A_67, %ne3A_63 : i1
      %add3A_69 = arith.addi %rem3A_61, %select_n3A_60 : i32
      %select_n3A_70 = arith.select %and3A_68, %add3A_69, %rem3A_61 : i32
      %mul3A_71 = arith.constant 16 : i32
      %mul3A_72 = arith.muli %select_n3A_70, %mul3A_71 : i32
      %mul3A_73 = arith.constant 16 : i32
      %mul3A_74 = arith.muli %scan3A_39, %mul3A_73 : i32
      %add3A_75 = arith.addi %mul3A_2, %mul3A_74 : i32
      %mul3A_76 = vector.broadcast %add3A_75 : i32 to vector<16xi32>
      %mul3A_77 = arith.muli %broadcast_in_dim3A_9, %mul3A_76 : vector<16xi32>
      %add3A_78 = arith.addi %iota3A, %mul3A_77 : vector<16xi32>
      %swap3A = arith.index_cast %select_n3A : i32 to index
      %swap3A_79 = arith.index_cast %mul3A_72 : i32 to index
      %swap3A_80 = tpu.vector_load %arg9[%swap3A, %swap3A_79] {strides = array<i32>} : memref<5x128xi32, #tpu.memory_space<vmem>>, vector<1x16xi32>,
      %swap3A_81 = vector.shape_cast %swap3A_80 : vector<1x16xi32> to vector<16xi32>
      %swap3A_82 = vector.shape_cast %add3A_78 : vector<16xi32> to vector<1x16xi32>
      tpu.vector_store %arg9[%swap3A, %swap3A_79], %swap3A_82 {strides = array<i32>} : memref<5x128xi32, #tpu.memory_space<vmem>>, vector<1x16xi32>,
      %scan3A_83 = arith.constant 0 : i32
      scf.yield %scan3A_83 : i32
    }
    %scan3A_16 = arith.constant 40 : i32
    %scan3A_17 = arith.constant 0 : i32
    %scan3A_18 = arith.constant 0 : i32
    %scan3A_19 = arith.constant 5 : i32
    %scan3A_20 = arith.addi %scan3A_18, %scan3A_19 : i32
    %scan3A_21 = arith.constant 1 : i32
    %scan3A_22 = scf.for %scan3A_39 = %scan3A_18 to %scan3A_20 step %scan3A_21 iter_args(%scan3A_40 = %scan3A_17) -> (i32)  : i32 {
      "tpu.region"() ({
        %run_scoped3A = tpu.sem_alloc : memref<!tpu.dma_semaphore, #tpu.memory_space<semaphore_mem>>
        %dma_start3A = arith.constant 0 : i32
        %dma_start3A_42 = tpu.memref_slice %arg9[%scan3A_39, %dma_start3A] : memref<5x128xi32, #tpu.memory_space<vmem>> -> memref<1x128xi32, #tpu.memory_space<vmem>>
        %dma_start3A_43 = tpu.memref_squeeze %dma_start3A_42 : memref<1x128xi32, #tpu.memory_space<vmem>> -> memref<128xi32, #tpu.memory_space<vmem>>
        %dma_start3A_44 = arith.constant 0 : i32
        %dma_start3A_45 = arith.constant 0 : i32
        %dma_start3A_46 = tpu.memref_slice %arg6[%dma_start3A_44, %dma_start3A_45] : memref<10240x128xf32, #tpu.memory_space<vmem_shared>> -> memref<10240x128xf32, #tpu.memory_space<vmem_shared>>
        tpu.enqueue_indirect_dma source(%arg10 : memref<128x128xf32, #tpu.memory_space<vmem>>) target(%dma_start3A_46 : memref<10240x128xf32, #tpu.memory_space<vmem_shared>>) offsets(%dma_start3A_43 : memref<128xi32, #tpu.memory_space<vmem>>) semaphore(%run_scoped3A : memref<!tpu.dma_semaphore, #tpu.memory_space<semaphore_mem>>)
        %dma_wait3A = arith.constant 0 : i32
        %dma_wait3A_47 = tpu.memref_slice %arg9[%scan3A_39, %dma_wait3A] : memref<5x128xi32, #tpu.memory_space<vmem>> -> memref<1x128xi32, #tpu.memory_space<vmem>>
        %dma_wait3A_48 = tpu.memref_squeeze %dma_wait3A_47 : memref<1x128xi32, #tpu.memory_space<vmem>> -> memref<128xi32, #tpu.memory_space<vmem>>
        %dma_wait3A_49 = arith.constant 0 : i32
        %dma_wait3A_50 = arith.constant 0 : i32
        %dma_wait3A_51 = tpu.memref_slice %arg6[%dma_wait3A_49, %dma_wait3A_50] : memref<10240x128xf32, #tpu.memory_space<vmem_shared>> -> memref<10240x128xf32, #tpu.memory_space<vmem_shared>>
        tpu.wait_indirect_dma semaphore(%run_scoped3A : memref<!tpu.dma_semaphore, #tpu.memory_space<semaphore_mem>>) src(%arg10 : memref<128x128xf32, #tpu.memory_space<vmem>>) dst(%dma_wait3A_51 : memref<10240x128xf32, #tpu.memory_space<vmem_shared>>)
        tpu.yield
      }) : () -> ()
      %scan3A_41 = arith.constant 0 : i32
      scf.yield %scan3A_41 : i32
    }
    %scan3A_23 = arith.constant 5 : i32
    %barrier3A = arith.constant 0 : index
    tpu.barrier barrier_id(%barrier3A)
    %scan3A_24 = arith.constant 0 : i32
    %scan3A_25 = arith.constant 0 : i32
    %scan3A_26 = arith.constant 2 : i32
    %scan3A_27 = arith.addi %scan3A_25, %scan3A_26 : i32
    %scan3A_28 = arith.constant 1 : i32
    %scan3A_29 = scf.for %scan3A_39 = %scan3A_25 to %scan3A_27 step %scan3A_28 iter_args(%scan3A_40 = %scan3A_24) -> (i32)  : i32 {
      %mul3A_41 = arith.constant 40 : i32
      %mul3A_42 = arith.muli %scan3A_39, %mul3A_41 : i32
      %multiple_of3A = tpu.assume_multiple %mul3A_42, 40 : i32
      %dma_start3A = arith.constant 0 : i32
      %dma_start3A_43 = tpu.memref_slice %arg3[%add3A, %multiple_of3A, %dma_start3A] : memref<32x80x128xi32, #tpu.memory_space<hbm>> -> memref<1x40x128xi32, #tpu.memory_space<hbm>>
      %dma_start3A_44 = tpu.memref_squeeze %dma_start3A_43 : memref<1x40x128xi32, #tpu.memory_space<hbm>> -> memref<40x128xi32, #tpu.memory_space<hbm>>
      %dma_start3A_45 = arith.constant 0 : i32
      %dma_start3A_46 = tpu.memref_slice %arg3[%add3A, %multiple_of3A, %dma_start3A_45] : memref<32x80x128xi32, #tpu.memory_space<hbm>> -> memref<1x40x128xi32, #tpu.memory_space<hbm>>
      %dma_start3A_47 = tpu.memref_squeeze %dma_start3A_46 : memref<1x40x128xi32, #tpu.memory_space<hbm>> -> memref<40x128xi32, #tpu.memory_space<hbm>>
      tpu.enqueue_dma source(%dma_start3A_47 : memref<40x128xi32, #tpu.memory_space<hbm>>) target(%arg7 : memref<40x128xi32, #tpu.memory_space<vmem>>) target_semaphore(%arg12 : memref<!tpu.dma_semaphore, #tpu.memory_space<semaphore_mem>>)
      %dma_wait3A = arith.constant 0 : i32
      %dma_wait3A_48 = tpu.memref_slice %arg3[%add3A, %multiple_of3A, %dma_wait3A] : memref<32x80x128xi32, #tpu.memory_space<hbm>> -> memref<1x40x128xi32, #tpu.memory_space<hbm>>
      %dma_wait3A_49 = tpu.memref_squeeze %dma_wait3A_48 : memref<1x40x128xi32, #tpu.memory_space<hbm>> -> memref<40x128xi32, #tpu.memory_space<hbm>>
      %dma_wait3A_50 = arith.constant 0 : i32
      %dma_wait3A_51 = tpu.memref_slice %arg3[%add3A, %multiple_of3A, %dma_wait3A_50] : memref<32x80x128xi32, #tpu.memory_space<hbm>> -> memref<1x40x128xi32, #tpu.memory_space<hbm>>
      %dma_wait3A_52 = tpu.memref_squeeze %dma_wait3A_51 : memref<1x40x128xi32, #tpu.memory_space<hbm>> -> memref<40x128xi32, #tpu.memory_space<hbm>>
      tpu.wait_dma2 semaphore(%arg12 : memref<!tpu.dma_semaphore, #tpu.memory_space<semaphore_mem>>) src(%dma_wait3A_52 : memref<40x128xi32, #tpu.memory_space<hbm>>) dst(%arg7 : memref<40x128xi32, #tpu.memory_space<vmem>>)
      %dma_start3A_53 = arith.constant 0 : i32
      %dma_start3A_54 = tpu.memref_slice %arg4[%add3A, %multiple_of3A, %dma_start3A_53] : memref<32x80x128xi32, #tpu.memory_space<hbm>> -> memref<1x40x128xi32, #tpu.memory_space<hbm>>
      %dma_start3A_55 = tpu.memref_squeeze %dma_start3A_54 : memref<1x40x128xi32, #tpu.memory_space<hbm>> -> memref<40x128xi32, #tpu.memory_space<hbm>>
      %dma_start3A_56 = arith.constant 0 : i32
      %dma_start3A_57 = tpu.memref_slice %arg4[%add3A, %multiple_of3A, %dma_start3A_56] : memref<32x80x128xi32, #tpu.memory_space<hbm>> -> memref<1x40x128xi32, #tpu.memory_space<hbm>>
      %dma_start3A_58 = tpu.memref_squeeze %dma_start3A_57 : memref<1x40x128xi32, #tpu.memory_space<hbm>> -> memref<40x128xi32, #tpu.memory_space<hbm>>
      tpu.enqueue_dma source(%dma_start3A_58 : memref<40x128xi32, #tpu.memory_space<hbm>>) target(%arg8 : memref<40x128xi32, #tpu.memory_space<vmem>>) target_semaphore(%arg12 : memref<!tpu.dma_semaphore, #tpu.memory_space<semaphore_mem>>)
      %dma_wait3A_59 = arith.constant 0 : i32
      %dma_wait3A_60 = tpu.memref_slice %arg4[%add3A, %multiple_of3A, %dma_wait3A_59] : memref<32x80x128xi32, #tpu.memory_space<hbm>> -> memref<1x40x128xi32, #tpu.memory_space<hbm>>
      %dma_wait3A_61 = tpu.memref_squeeze %dma_wait3A_60 : memref<1x40x128xi32, #tpu.memory_space<hbm>> -> memref<40x128xi32, #tpu.memory_space<hbm>>
      %dma_wait3A_62 = arith.constant 0 : i32
      %dma_wait3A_63 = tpu.memref_slice %arg4[%add3A, %multiple_of3A, %dma_wait3A_62] : memref<32x80x128xi32, #tpu.memory_space<hbm>> -> memref<1x40x128xi32, #tpu.memory_space<hbm>>
      %dma_wait3A_64 = tpu.memref_squeeze %dma_wait3A_63 : memref<1x40x128xi32, #tpu.memory_space<hbm>> -> memref<40x128xi32, #tpu.memory_space<hbm>>
      tpu.wait_dma2 semaphore(%arg12 : memref<!tpu.dma_semaphore, #tpu.memory_space<semaphore_mem>>) src(%dma_wait3A_64 : memref<40x128xi32, #tpu.memory_space<hbm>>) dst(%arg8 : memref<40x128xi32, #tpu.memory_space<vmem>>)
      %dma_start3A_65 = arith.constant 0 : i32
      %dma_start3A_66 = arith.constant 0 : i32
      %dma_start3A_67 = tpu.memref_slice %arg7[%dma_start3A_65, %dma_start3A_66] : memref<40x128xi32, #tpu.memory_space<vmem>> -> memref<1x128xi32, #tpu.memory_space<vmem>>
      %dma_start3A_68 = tpu.memref_squeeze %dma_start3A_67 : memref<1x128xi32, #tpu.memory_space<vmem>> -> memref<128xi32, #tpu.memory_space<vmem>>
      %dma_start3A_69 = arith.constant 0 : i32
      %dma_start3A_70 = arith.constant 0 : i32
      %dma_start3A_71 = tpu.memref_slice %arg2[%dma_start3A_69, %dma_start3A_70] : memref<10240x128xf32, #tpu.memory_space<hbm>> -> memref<10240x128xf32, #tpu.memory_space<hbm>>
      tpu.enqueue_indirect_dma source(%dma_start3A_71 : memref<10240x128xf32, #tpu.memory_space<hbm>>) target(%arg10 : memref<128x128xf32, #tpu.memory_space<vmem>>) offsets(%dma_start3A_68 : memref<128xi32, #tpu.memory_space<vmem>>) semaphore(%arg13 : memref<!tpu.dma_semaphore, #tpu.memory_space<semaphore_mem>>)
      %scan3A_72 = arith.constant 0 : i32
      %scan3A_73 = arith.constant 0 : i32
      %scan3A_74 = arith.constant 20 : i32
      %scan3A_75 = arith.addi %scan3A_73, %scan3A_74 : i32
      %scan3A_76 = arith.constant 1 : i32
      %scan3A_77 = scf.for %scan3A_80 = %scan3A_73 to %scan3A_75 step %scan3A_76 iter_args(%scan3A_81 = %scan3A_72) -> (i32)  : i32 {
        %mul3A_82 = arith.constant 2 : i32
        %mul3A_83 = arith.muli %mul3A_82, %scan3A_80 : i32
        %mul3A_84 = arith.constant 2 : i32
        %mul3A_85 = arith.muli %mul3A_84, %scan3A_80 : i32
        %add3A_86 = arith.constant 1 : i32
        %add3A_87 = arith.addi %mul3A_85, %add3A_86 : i32
        %dma_start3A_88 = arith.constant 0 : i32
        %dma_start3A_89 = tpu.memref_slice %arg7[%add3A_87, %dma_start3A_88] : memref<40x128xi32, #tpu.memory_space<vmem>> -> memref<1x128xi32, #tpu.memory_space<vmem>>
        %dma_start3A_90 = tpu.memref_squeeze %dma_start3A_89 : memref<1x128xi32, #tpu.memory_space<vmem>> -> memref<128xi32, #tpu.memory_space<vmem>>
        %dma_start3A_91 = arith.constant 0 : i32
        %dma_start3A_92 = arith.constant 0 : i32
        %dma_start3A_93 = tpu.memref_slice %arg2[%dma_start3A_91, %dma_start3A_92] : memref<10240x128xf32, #tpu.memory_space<hbm>> -> memref<10240x128xf32, #tpu.memory_space<hbm>>
        tpu.enqueue_indirect_dma source(%dma_start3A_93 : memref<10240x128xf32, #tpu.memory_space<hbm>>) target(%arg11 : memref<128x128xf32, #tpu.memory_space<vmem>>) offsets(%dma_start3A_90 : memref<128xi32, #tpu.memory_space<vmem>>) semaphore(%arg14 : memref<!tpu.dma_semaphore, #tpu.memory_space<semaphore_mem>>)
        %dma_wait3A_94 = arith.constant 0 : i32
        %dma_wait3A_95 = tpu.memref_slice %arg7[%mul3A_83, %dma_wait3A_94] : memref<40x128xi32, #tpu.memory_space<vmem>> -> memref<1x128xi32, #tpu.memory_space<vmem>>
        %dma_wait3A_96 = tpu.memref_squeeze %dma_wait3A_95 : memref<1x128xi32, #tpu.memory_space<vmem>> -> memref<128xi32, #tpu.memory_space<vmem>>
        %dma_wait3A_97 = arith.constant 0 : i32
        %dma_wait3A_98 = arith.constant 0 : i32
        %dma_wait3A_99 = tpu.memref_slice %arg2[%dma_wait3A_97, %dma_wait3A_98] : memref<10240x128xf32, #tpu.memory_space<hbm>> -> memref<10240x128xf32, #tpu.memory_space<hbm>>
        tpu.wait_indirect_dma semaphore(%arg13 : memref<!tpu.dma_semaphore, #tpu.memory_space<semaphore_mem>>) src(%dma_wait3A_99 : memref<10240x128xf32, #tpu.memory_space<hbm>>) dst(%arg10 : memref<128x128xf32, #tpu.memory_space<vmem>>)
        "tpu.region"() ({
          %run_scoped3A = tpu.sem_alloc : memref<!tpu.dma_semaphore, #tpu.memory_space<semaphore_mem>>
          %dma_start3A_109 = arith.constant 0 : i32
          %dma_start3A_110 = tpu.memref_slice %arg8[%mul3A_83, %dma_start3A_109] : memref<40x128xi32, #tpu.memory_space<vmem>> -> memref<1x128xi32, #tpu.memory_space<vmem>>
          %dma_start3A_111 = tpu.memref_squeeze %dma_start3A_110 : memref<1x128xi32, #tpu.memory_space<vmem>> -> memref<128xi32, #tpu.memory_space<vmem>>
          %dma_start3A_112 = arith.constant 0 : i32
          %dma_start3A_113 = arith.constant 0 : i32
          %dma_start3A_114 = tpu.memref_slice %arg6[%dma_start3A_112, %dma_start3A_113] : memref<10240x128xf32, #tpu.memory_space<vmem_shared>> -> memref<10240x128xf32, #tpu.memory_space<vmem_shared>>
          tpu.enqueue_indirect_dma source(%arg10 : memref<128x128xf32, #tpu.memory_space<vmem>>) target(%dma_start3A_114 : memref<10240x128xf32, #tpu.memory_space<vmem_shared>>) offsets(%dma_start3A_111 : memref<128xi32, #tpu.memory_space<vmem>>) semaphore(%run_scoped3A : memref<!tpu.dma_semaphore, #tpu.memory_space<semaphore_mem>>) {add = true}
          %dma_wait3A_115 = arith.constant 0 : i32
          %dma_wait3A_116 = tpu.memref_slice %arg8[%mul3A_83, %dma_wait3A_115] : memref<40x128xi32, #tpu.memory_space<vmem>> -> memref<1x128xi32, #tpu.memory_space<vmem>>
          %dma_wait3A_117 = tpu.memref_squeeze %dma_wait3A_116 : memref<1x128xi32, #tpu.memory_space<vmem>> -> memref<128xi32, #tpu.memory_space<vmem>>
          %dma_wait3A_118 = arith.constant 0 : i32
          %dma_wait3A_119 = arith.constant 0 : i32
          %dma_wait3A_120 = tpu.memref_slice %arg6[%dma_wait3A_118, %dma_wait3A_119] : memref<10240x128xf32, #tpu.memory_space<vmem_shared>> -> memref<10240x128xf32, #tpu.memory_space<vmem_shared>>
          tpu.wait_indirect_dma semaphore(%run_scoped3A : memref<!tpu.dma_semaphore, #tpu.memory_space<semaphore_mem>>) src(%arg10 : memref<128x128xf32, #tpu.memory_space<vmem>>) dst(%dma_wait3A_120 : memref<10240x128xf32, #tpu.memory_space<vmem_shared>>)
          tpu.yield
        }) : () -> ()
        %lt3A = arith.constant 19 : i32
        %lt3A_100 = arith.cmpi slt, %scan3A_80, %lt3A : i32
        %convert_element_type3A = arith.extui %lt3A_100 : i1 to i32
        %cond3A = arith.constant 0 : i32
        %cond3A_101 = arith.cmpi ne, %convert_element_type3A, %cond3A : i32
        scf.if %cond3A_101 {
          %add3A_109 = arith.constant 2 : i32
          %add3A_110 = arith.addi %mul3A_83, %add3A_109 : i32
          %dma_start3A_111 = arith.constant 0 : i32
          %dma_start3A_112 = tpu.memref_slice %arg7[%add3A_110, %dma_start3A_111] : memref<40x128xi32, #tpu.memory_space<vmem>> -> memref<1x128xi32, #tpu.memory_space<vmem>>
          %dma_start3A_113 = tpu.memref_squeeze %dma_start3A_112 : memref<1x128xi32, #tpu.memory_space<vmem>> -> memref<128xi32, #tpu.memory_space<vmem>>
          %dma_start3A_114 = arith.constant 0 : i32
          %dma_start3A_115 = arith.constant 0 : i32
          %dma_start3A_116 = tpu.memref_slice %arg2[%dma_start3A_114, %dma_start3A_115] : memref<10240x128xf32, #tpu.memory_space<hbm>> -> memref<10240x128xf32, #tpu.memory_space<hbm>>
          tpu.enqueue_indirect_dma source(%dma_start3A_116 : memref<10240x128xf32, #tpu.memory_space<hbm>>) target(%arg10 : memref<128x128xf32, #tpu.memory_space<vmem>>) offsets(%dma_start3A_113 : memref<128xi32, #tpu.memory_space<vmem>>) semaphore(%arg13 : memref<!tpu.dma_semaphore, #tpu.memory_space<semaphore_mem>>)
        } else {
        }
        %dma_wait3A_102 = arith.constant 0 : i32
        %dma_wait3A_103 = tpu.memref_slice %arg7[%add3A_87, %dma_wait3A_102] : memref<40x128xi32, #tpu.memory_space<vmem>> -> memref<1x128xi32, #tpu.memory_space<vmem>>
        %dma_wait3A_104 = tpu.memref_squeeze %dma_wait3A_103 : memref<1x128xi32, #tpu.memory_space<vmem>> -> memref<128xi32, #tpu.memory_space<vmem>>
        %dma_wait3A_105 = arith.constant 0 : i32
        %dma_wait3A_106 = arith.constant 0 : i32
        %dma_wait3A_107 = tpu.memref_slice %arg2[%dma_wait3A_105, %dma_wait3A_106] : memref<10240x128xf32, #tpu.memory_space<hbm>> -> memref<10240x128xf32, #tpu.memory_space<hbm>>
        tpu.wait_indirect_dma semaphore(%arg14 : memref<!tpu.dma_semaphore, #tpu.memory_space<semaphore_mem>>) src(%dma_wait3A_107 : memref<10240x128xf32, #tpu.memory_space<hbm>>) dst(%arg11 : memref<128x128xf32, #tpu.memory_space<vmem>>)
        "tpu.region"() ({
          %run_scoped3A = tpu.sem_alloc : memref<!tpu.dma_semaphore, #tpu.memory_space<semaphore_mem>>
          %dma_start3A_109 = arith.constant 0 : i32
          %dma_start3A_110 = tpu.memref_slice %arg8[%add3A_87, %dma_start3A_109] : memref<40x128xi32, #tpu.memory_space<vmem>> -> memref<1x128xi32, #tpu.memory_space<vmem>>
          %dma_start3A_111 = tpu.memref_squeeze %dma_start3A_110 : memref<1x128xi32, #tpu.memory_space<vmem>> -> memref<128xi32, #tpu.memory_space<vmem>>
          %dma_start3A_112 = arith.constant 0 : i32
          %dma_start3A_113 = arith.constant 0 : i32
          %dma_start3A_114 = tpu.memref_slice %arg6[%dma_start3A_112, %dma_start3A_113] : memref<10240x128xf32, #tpu.memory_space<vmem_shared>> -> memref<10240x128xf32, #tpu.memory_space<vmem_shared>>
          tpu.enqueue_indirect_dma source(%arg11 : memref<128x128xf32, #tpu.memory_space<vmem>>) target(%dma_start3A_114 : memref<10240x128xf32, #tpu.memory_space<vmem_shared>>) offsets(%dma_start3A_111 : memref<128xi32, #tpu.memory_space<vmem>>) semaphore(%run_scoped3A : memref<!tpu.dma_semaphore, #tpu.memory_space<semaphore_mem>>) {add = true}
          %dma_wait3A_115 = arith.constant 0 : i32
          %dma_wait3A_116 = tpu.memref_slice %arg8[%add3A_87, %dma_wait3A_115] : memref<40x128xi32, #tpu.memory_space<vmem>> -> memref<1x128xi32, #tpu.memory_space<vmem>>
          %dma_wait3A_117 = tpu.memref_squeeze %dma_wait3A_116 : memref<1x128xi32, #tpu.memory_space<vmem>> -> memref<128xi32, #tpu.memory_space<vmem>>
          %dma_wait3A_118 = arith.constant 0 : i32
          %dma_wait3A_119 = arith.constant 0 : i32
          %dma_wait3A_120 = tpu.memref_slice %arg6[%dma_wait3A_118, %dma_wait3A_119] : memref<10240x128xf32, #tpu.memory_space<vmem_shared>> -> memref<10240x128xf32, #tpu.memory_space<vmem_shared>>
          tpu.wait_indirect_dma semaphore(%run_scoped3A : memref<!tpu.dma_semaphore, #tpu.memory_space<semaphore_mem>>) src(%arg11 : memref<128x128xf32, #tpu.memory_space<vmem>>) dst(%dma_wait3A_120 : memref<10240x128xf32, #tpu.memory_space<vmem_shared>>)
          tpu.yield
        }) : () -> ()
        %scan3A_108 = arith.constant 0 : i32
        scf.yield %scan3A_108 : i32
      }
      %scan3A_78 = arith.constant 20 : i32
      %scan3A_79 = arith.constant 0 : i32
      scf.yield %scan3A_79 : i32
    }
    %scan3A_30 = arith.constant 2 : i32
    %barrier3A_31 = arith.constant 0 : index
    tpu.barrier barrier_id(%barrier3A_31)
    %scan3A_32 = arith.constant 0 : i32
    %scan3A_33 = arith.constant 0 : i32
    %scan3A_34 = arith.constant 5 : i32
    %scan3A_35 = arith.addi %scan3A_33, %scan3A_34 : i32
    %scan3A_36 = arith.constant 1 : i32
    %scan3A_37 = scf.for %scan3A_39 = %scan3A_33 to %scan3A_35 step %scan3A_36 iter_args(%scan3A_40 = %scan3A_32) -> (i32)  : i32 {
      %dma_start3A = arith.constant 0 : i32
      %dma_start3A_41 = tpu.memref_slice %arg9[%scan3A_39, %dma_start3A] : memref<5x128xi32, #tpu.memory_space<vmem>> -> memref<1x128xi32, #tpu.memory_space<vmem>>
      %dma_start3A_42 = tpu.memref_squeeze %dma_start3A_41 : memref<1x128xi32, #tpu.memory_space<vmem>> -> memref<128xi32, #tpu.memory_space<vmem>>
      %dma_start3A_43 = arith.constant 0 : i32
      %dma_start3A_44 = arith.constant 0 : i32
      %dma_start3A_45 = tpu.memref_slice %arg6[%dma_start3A_43, %dma_start3A_44] : memref<10240x128xf32, #tpu.memory_space<vmem_shared>> -> memref<10240x128xf32, #tpu.memory_space<vmem_shared>>
      tpu.enqueue_indirect_dma source(%dma_start3A_45 : memref<10240x128xf32, #tpu.memory_space<vmem_shared>>) target(%arg10 : memref<128x128xf32, #tpu.memory_space<vmem>>) offsets(%dma_start3A_42 : memref<128xi32, #tpu.memory_space<vmem>>) semaphore(%arg12 : memref<!tpu.dma_semaphore, #tpu.memory_space<semaphore_mem>>)
      %dma_wait3A = arith.constant 0 : i32
      %dma_wait3A_46 = tpu.memref_slice %arg9[%scan3A_39, %dma_wait3A] : memref<5x128xi32, #tpu.memory_space<vmem>> -> memref<1x128xi32, #tpu.memory_space<vmem>>
      %dma_wait3A_47 = tpu.memref_squeeze %dma_wait3A_46 : memref<1x128xi32, #tpu.memory_space<vmem>> -> memref<128xi32, #tpu.memory_space<vmem>>
      %dma_wait3A_48 = arith.constant 0 : i32
      %dma_wait3A_49 = arith.constant 0 : i32
      %dma_wait3A_50 = tpu.memref_slice %arg6[%dma_wait3A_48, %dma_wait3A_49] : memref<10240x128xf32, #tpu.memory_space<vmem_shared>> -> memref<10240x128xf32, #tpu.memory_space<vmem_shared>>
      tpu.wait_indirect_dma semaphore(%arg12 : memref<!tpu.dma_semaphore, #tpu.memory_space<semaphore_mem>>) src(%dma_wait3A_50 : memref<10240x128xf32, #tpu.memory_space<vmem_shared>>) dst(%arg10 : memref<128x128xf32, #tpu.memory_space<vmem>>)
      %mul3A_51 = arith.constant 128 : i32
      %mul3A_52 = arith.muli %scan3A_39, %mul3A_51 : i32
      %add3A_53 = arith.addi %mul3A_2, %mul3A_52 : i32
      %multiple_of3A = tpu.assume_multiple %add3A_53, 128 : i32
      "tpu.region"() ({
        %run_scoped3A = tpu.sem_alloc : memref<!tpu.dma_semaphore, #tpu.memory_space<semaphore_mem>>
        %dma_start3A_55 = arith.constant 0 : i32
        %dma_start3A_56 = tpu.memref_slice %arg5[%arg0, %multiple_of3A, %dma_start3A_55] : memref<2x10240x128xf32, #tpu.memory_space<hbm>> -> memref<1x128x128xf32, #tpu.memory_space<hbm>>
        %dma_start3A_57 = tpu.memref_squeeze %dma_start3A_56 : memref<1x128x128xf32, #tpu.memory_space<hbm>> -> memref<128x128xf32, #tpu.memory_space<hbm>>
        %dma_start3A_58 = arith.constant 0 : i32
        %dma_start3A_59 = tpu.memref_slice %arg5[%arg0, %multiple_of3A, %dma_start3A_58] : memref<2x10240x128xf32, #tpu.memory_space<hbm>> -> memref<1x128x128xf32, #tpu.memory_space<hbm>>
        %dma_start3A_60 = tpu.memref_squeeze %dma_start3A_59 : memref<1x128x128xf32, #tpu.memory_space<hbm>> -> memref<128x128xf32, #tpu.memory_space<hbm>>
        tpu.enqueue_dma source(%arg10 : memref<128x128xf32, #tpu.memory_space<vmem>>) target(%dma_start3A_60 : memref<128x128xf32, #tpu.memory_space<hbm>>) target_semaphore(%run_scoped3A : memref<!tpu.dma_semaphore, #tpu.memory_space<semaphore_mem>>)
        %dma_wait3A_61 = arith.constant 0 : i32
        %dma_wait3A_62 = tpu.memref_slice %arg5[%arg0, %multiple_of3A, %dma_wait3A_61] : memref<2x10240x128xf32, #tpu.memory_space<hbm>> -> memref<1x128x128xf32, #tpu.memory_space<hbm>>
        %dma_wait3A_63 = tpu.memref_squeeze %dma_wait3A_62 : memref<1x128x128xf32, #tpu.memory_space<hbm>> -> memref<128x128xf32, #tpu.memory_space<hbm>>
        %dma_wait3A_64 = arith.constant 0 : i32
        %dma_wait3A_65 = tpu.memref_slice %arg5[%arg0, %multiple_of3A, %dma_wait3A_64] : memref<2x10240x128xf32, #tpu.memory_space<hbm>> -> memref<1x128x128xf32, #tpu.memory_space<hbm>>
        %dma_wait3A_66 = tpu.memref_squeeze %dma_wait3A_65 : memref<1x128x128xf32, #tpu.memory_space<hbm>> -> memref<128x128xf32, #tpu.memory_space<hbm>>
        tpu.wait_dma2 semaphore(%run_scoped3A : memref<!tpu.dma_semaphore, #tpu.memory_space<semaphore_mem>>) src(%arg10 : memref<128x128xf32, #tpu.memory_space<vmem>>) dst(%dma_wait3A_66 : memref<128x128xf32, #tpu.memory_space<hbm>>)
        tpu.yield
      }) : () -> ()
      %scan3A_54 = arith.constant 0 : i32
      scf.yield %scan3A_54 : i32
    }
    %scan3A_38 = arith.constant 5 : i32
    return
  }
}

#map = affine_map<(d0, d1) -> (0, 0, 0)>
module attributes {stable_mosaic.version = 14 : i64} {
  func.func @deg_kernel(%arg0: i32, %arg1: i32, %arg2: memref<32x160x64xi32, #tpu.memory_space<hbm>>, %arg3: memref<32x160x64xi32, #tpu.memory_space<hbm>>, %arg4: memref<2x10240x128xf32, #tpu.memory_space<hbm>>, %arg5: memref<10240x128xf32, #tpu.memory_space<vmem_shared>>, %arg6: memref<32x64xi32, #tpu.memory_space<vmem>>, %arg7: memref<32x64xi32, #tpu.memory_space<vmem>>, %arg8: memref<10x64xi32, #tpu.memory_space<vmem>>, %arg9: memref<64x128xf32, #tpu.memory_space<vmem>>, %arg10: memref<64x128xf32, #tpu.memory_space<vmem>>, %arg11: memref<64x128xf32, #tpu.memory_space<vmem>>, %arg12: memref<!tpu.dma_semaphore, #tpu.memory_space<semaphore_mem>>, %arg13: memref<!tpu.dma_semaphore, #tpu.memory_space<semaphore_mem>>, %arg14: memref<!tpu.dma_semaphore, #tpu.memory_space<semaphore_mem>>, %arg15: memref<!tpu.dma_semaphore, #tpu.memory_space<semaphore_mem>>) attributes {dimension_semantics = [#tpu.dimension_semantics<core_parallel>, #tpu.dimension_semantics<subcore_parallel>], iteration_bounds = array<i64: 2, 16>, scalar_prefetch = 0 : i64, scratch_operands = 11 : i64, tpu.core_type = #tpu.core_type<sc_vector_subcore>, window_params = [{transform_indices = #map}, {transform_indices = #map}, {transform_indices = #map}]} {
    %mul3A = arith.constant 16 : i32
    %mul3A_0 = arith.muli %arg0, %mul3A : i32
    %add3A = arith.addi %mul3A_0, %arg1 : i32
    %mul3A_1 = arith.constant 640 : i32
    %mul3A_2 = arith.muli %arg1, %mul3A_1 : i32
    %scan3A = arith.constant 0 : i32
    %scan3A_3 = arith.constant 0 : i32
    %scan3A_4 = arith.constant 64 : i32
    %scan3A_5 = arith.addi %scan3A_3, %scan3A_4 : i32
    %scan3A_6 = arith.constant 1 : i32
    %scan3A_7 = scf.for %scan3A_46 = %scan3A_3 to %scan3A_5 step %scan3A_6 iter_args(%scan3A_47 = %scan3A) -> (i32)  : i32 {
      %broadcast_in_dim3A_48 = arith.constant 1.000000e+00 : f32
      %broadcast_in_dim3A_49 = vector.broadcast %broadcast_in_dim3A_48 : f32 to vector<16xf32>
      %swap3A = arith.index_cast %scan3A_46 : i32 to index
      %swap3A_50 = arith.constant 0 : index
      %swap3A_51 = tpu.vector_load %arg9[%swap3A, %swap3A_50] {strides = array<i32>} : memref<64x128xf32, #tpu.memory_space<vmem>>, vector<1x16xf32>,
      %swap3A_52 = vector.shape_cast %swap3A_51 : vector<1x16xf32> to vector<16xf32>
      %swap3A_53 = vector.shape_cast %broadcast_in_dim3A_49 : vector<16xf32> to vector<1x16xf32>
      tpu.vector_store %arg9[%swap3A, %swap3A_50], %swap3A_53 {strides = array<i32>} : memref<64x128xf32, #tpu.memory_space<vmem>>, vector<1x16xf32>,
      %broadcast_in_dim3A_54 = arith.constant 0.000000e+00 : f32
      %broadcast_in_dim3A_55 = vector.broadcast %broadcast_in_dim3A_54 : f32 to vector<16xf32>
      %swap3A_56 = arith.index_cast %scan3A_46 : i32 to index
      %swap3A_57 = arith.constant 0 : index
      %swap3A_58 = tpu.vector_load %arg10[%swap3A_56, %swap3A_57] {strides = array<i32>} : memref<64x128xf32, #tpu.memory_space<vmem>>, vector<1x16xf32>,
      %swap3A_59 = vector.shape_cast %swap3A_58 : vector<1x16xf32> to vector<16xf32>
      %swap3A_60 = vector.shape_cast %broadcast_in_dim3A_55 : vector<16xf32> to vector<1x16xf32>
      tpu.vector_store %arg10[%swap3A_56, %swap3A_57], %swap3A_60 {strides = array<i32>} : memref<64x128xf32, #tpu.memory_space<vmem>>, vector<1x16xf32>,
      %broadcast_in_dim3A_61 = arith.constant 1.000000e+00 : f32
      %broadcast_in_dim3A_62 = vector.broadcast %broadcast_in_dim3A_61 : f32 to vector<16xf32>
      %swap3A_63 = arith.index_cast %scan3A_46 : i32 to index
      %swap3A_64 = arith.constant 16 : index
      %swap3A_65 = tpu.vector_load %arg9[%swap3A_63, %swap3A_64] {strides = array<i32>} : memref<64x128xf32, #tpu.memory_space<vmem>>, vector<1x16xf32>,
      %swap3A_66 = vector.shape_cast %swap3A_65 : vector<1x16xf32> to vector<16xf32>
      %swap3A_67 = vector.shape_cast %broadcast_in_dim3A_62 : vector<16xf32> to vector<1x16xf32>
      tpu.vector_store %arg9[%swap3A_63, %swap3A_64], %swap3A_67 {strides = array<i32>} : memref<64x128xf32, #tpu.memory_space<vmem>>, vector<1x16xf32>,
      %broadcast_in_dim3A_68 = arith.constant 0.000000e+00 : f32
      %broadcast_in_dim3A_69 = vector.broadcast %broadcast_in_dim3A_68 : f32 to vector<16xf32>
      %swap3A_70 = arith.index_cast %scan3A_46 : i32 to index
      %swap3A_71 = arith.constant 16 : index
      %swap3A_72 = tpu.vector_load %arg10[%swap3A_70, %swap3A_71] {strides = array<i32>} : memref<64x128xf32, #tpu.memory_space<vmem>>, vector<1x16xf32>,
      %swap3A_73 = vector.shape_cast %swap3A_72 : vector<1x16xf32> to vector<16xf32>
      %swap3A_74 = vector.shape_cast %broadcast_in_dim3A_69 : vector<16xf32> to vector<1x16xf32>
      tpu.vector_store %arg10[%swap3A_70, %swap3A_71], %swap3A_74 {strides = array<i32>} : memref<64x128xf32, #tpu.memory_space<vmem>>, vector<1x16xf32>,
      %broadcast_in_dim3A_75 = arith.constant 1.000000e+00 : f32
      %broadcast_in_dim3A_76 = vector.broadcast %broadcast_in_dim3A_75 : f32 to vector<16xf32>
      %swap3A_77 = arith.index_cast %scan3A_46 : i32 to index
      %swap3A_78 = arith.constant 32 : index
      %swap3A_79 = tpu.vector_load %arg9[%swap3A_77, %swap3A_78] {strides = array<i32>} : memref<64x128xf32, #tpu.memory_space<vmem>>, vector<1x16xf32>,
      %swap3A_80 = vector.shape_cast %swap3A_79 : vector<1x16xf32> to vector<16xf32>
      %swap3A_81 = vector.shape_cast %broadcast_in_dim3A_76 : vector<16xf32> to vector<1x16xf32>
      tpu.vector_store %arg9[%swap3A_77, %swap3A_78], %swap3A_81 {strides = array<i32>} : memref<64x128xf32, #tpu.memory_space<vmem>>, vector<1x16xf32>,
      %broadcast_in_dim3A_82 = arith.constant 0.000000e+00 : f32
      %broadcast_in_dim3A_83 = vector.broadcast %broadcast_in_dim3A_82 : f32 to vector<16xf32>
      %swap3A_84 = arith.index_cast %scan3A_46 : i32 to index
      %swap3A_85 = arith.constant 32 : index
      %swap3A_86 = tpu.vector_load %arg10[%swap3A_84, %swap3A_85] {strides = array<i32>} : memref<64x128xf32, #tpu.memory_space<vmem>>, vector<1x16xf32>,
      %swap3A_87 = vector.shape_cast %swap3A_86 : vector<1x16xf32> to vector<16xf32>
      %swap3A_88 = vector.shape_cast %broadcast_in_dim3A_83 : vector<16xf32> to vector<1x16xf32>
      tpu.vector_store %arg10[%swap3A_84, %swap3A_85], %swap3A_88 {strides = array<i32>} : memref<64x128xf32, #tpu.memory_space<vmem>>, vector<1x16xf32>,
      %broadcast_in_dim3A_89 = arith.constant 1.000000e+00 : f32
      %broadcast_in_dim3A_90 = vector.broadcast %broadcast_in_dim3A_89 : f32 to vector<16xf32>
      %swap3A_91 = arith.index_cast %scan3A_46 : i32 to index
      %swap3A_92 = arith.constant 48 : index
      %swap3A_93 = tpu.vector_load %arg9[%swap3A_91, %swap3A_92] {strides = array<i32>} : memref<64x128xf32, #tpu.memory_space<vmem>>, vector<1x16xf32>,
      %swap3A_94 = vector.shape_cast %swap3A_93 : vector<1x16xf32> to vector<16xf32>
      %swap3A_95 = vector.shape_cast %broadcast_in_dim3A_90 : vector<16xf32> to vector<1x16xf32>
      tpu.vector_store %arg9[%swap3A_91, %swap3A_92], %swap3A_95 {strides = array<i32>} : memref<64x128xf32, #tpu.memory_space<vmem>>, vector<1x16xf32>,
      %broadcast_in_dim3A_96 = arith.constant 0.000000e+00 : f32
      %broadcast_in_dim3A_97 = vector.broadcast %broadcast_in_dim3A_96 : f32 to vector<16xf32>
      %swap3A_98 = arith.index_cast %scan3A_46 : i32 to index
      %swap3A_99 = arith.constant 48 : index
      %swap3A_100 = tpu.vector_load %arg10[%swap3A_98, %swap3A_99] {strides = array<i32>} : memref<64x128xf32, #tpu.memory_space<vmem>>, vector<1x16xf32>,
      %swap3A_101 = vector.shape_cast %swap3A_100 : vector<1x16xf32> to vector<16xf32>
      %swap3A_102 = vector.shape_cast %broadcast_in_dim3A_97 : vector<16xf32> to vector<1x16xf32>
      tpu.vector_store %arg10[%swap3A_98, %swap3A_99], %swap3A_102 {strides = array<i32>} : memref<64x128xf32, #tpu.memory_space<vmem>>, vector<1x16xf32>,
      %broadcast_in_dim3A_103 = arith.constant 0.000000e+00 : f32
      %broadcast_in_dim3A_104 = vector.broadcast %broadcast_in_dim3A_103 : f32 to vector<16xf32>
      %swap3A_105 = arith.index_cast %scan3A_46 : i32 to index
      %swap3A_106 = arith.constant 64 : index
      %swap3A_107 = tpu.vector_load %arg9[%swap3A_105, %swap3A_106] {strides = array<i32>} : memref<64x128xf32, #tpu.memory_space<vmem>>, vector<1x16xf32>,
      %swap3A_108 = vector.shape_cast %swap3A_107 : vector<1x16xf32> to vector<16xf32>
      %swap3A_109 = vector.shape_cast %broadcast_in_dim3A_104 : vector<16xf32> to vector<1x16xf32>
      tpu.vector_store %arg9[%swap3A_105, %swap3A_106], %swap3A_109 {strides = array<i32>} : memref<64x128xf32, #tpu.memory_space<vmem>>, vector<1x16xf32>,
      %broadcast_in_dim3A_110 = arith.constant 1.000000e+00 : f32
      %broadcast_in_dim3A_111 = vector.broadcast %broadcast_in_dim3A_110 : f32 to vector<16xf32>
      %swap3A_112 = arith.index_cast %scan3A_46 : i32 to index
      %swap3A_113 = arith.constant 64 : index
      %swap3A_114 = tpu.vector_load %arg10[%swap3A_112, %swap3A_113] {strides = array<i32>} : memref<64x128xf32, #tpu.memory_space<vmem>>, vector<1x16xf32>,
      %swap3A_115 = vector.shape_cast %swap3A_114 : vector<1x16xf32> to vector<16xf32>
      %swap3A_116 = vector.shape_cast %broadcast_in_dim3A_111 : vector<16xf32> to vector<1x16xf32>
      tpu.vector_store %arg10[%swap3A_112, %swap3A_113], %swap3A_116 {strides = array<i32>} : memref<64x128xf32, #tpu.memory_space<vmem>>, vector<1x16xf32>,
      %broadcast_in_dim3A_117 = arith.constant 0.000000e+00 : f32
      %broadcast_in_dim3A_118 = vector.broadcast %broadcast_in_dim3A_117 : f32 to vector<16xf32>
      %swap3A_119 = arith.index_cast %scan3A_46 : i32 to index
      %swap3A_120 = arith.constant 80 : index
      %swap3A_121 = tpu.vector_load %arg9[%swap3A_119, %swap3A_120] {strides = array<i32>} : memref<64x128xf32, #tpu.memory_space<vmem>>, vector<1x16xf32>,
      %swap3A_122 = vector.shape_cast %swap3A_121 : vector<1x16xf32> to vector<16xf32>
      %swap3A_123 = vector.shape_cast %broadcast_in_dim3A_118 : vector<16xf32> to vector<1x16xf32>
      tpu.vector_store %arg9[%swap3A_119, %swap3A_120], %swap3A_123 {strides = array<i32>} : memref<64x128xf32, #tpu.memory_space<vmem>>, vector<1x16xf32>,
      %broadcast_in_dim3A_124 = arith.constant 1.000000e+00 : f32
      %broadcast_in_dim3A_125 = vector.broadcast %broadcast_in_dim3A_124 : f32 to vector<16xf32>
      %swap3A_126 = arith.index_cast %scan3A_46 : i32 to index
      %swap3A_127 = arith.constant 80 : index
      %swap3A_128 = tpu.vector_load %arg10[%swap3A_126, %swap3A_127] {strides = array<i32>} : memref<64x128xf32, #tpu.memory_space<vmem>>, vector<1x16xf32>,
      %swap3A_129 = vector.shape_cast %swap3A_128 : vector<1x16xf32> to vector<16xf32>
      %swap3A_130 = vector.shape_cast %broadcast_in_dim3A_125 : vector<16xf32> to vector<1x16xf32>
      tpu.vector_store %arg10[%swap3A_126, %swap3A_127], %swap3A_130 {strides = array<i32>} : memref<64x128xf32, #tpu.memory_space<vmem>>, vector<1x16xf32>,
      %broadcast_in_dim3A_131 = arith.constant 0.000000e+00 : f32
      %broadcast_in_dim3A_132 = vector.broadcast %broadcast_in_dim3A_131 : f32 to vector<16xf32>
      %swap3A_133 = arith.index_cast %scan3A_46 : i32 to index
      %swap3A_134 = arith.constant 96 : index
      %swap3A_135 = tpu.vector_load %arg9[%swap3A_133, %swap3A_134] {strides = array<i32>} : memref<64x128xf32, #tpu.memory_space<vmem>>, vector<1x16xf32>,
      %swap3A_136 = vector.shape_cast %swap3A_135 : vector<1x16xf32> to vector<16xf32>
      %swap3A_137 = vector.shape_cast %broadcast_in_dim3A_132 : vector<16xf32> to vector<1x16xf32>
      tpu.vector_store %arg9[%swap3A_133, %swap3A_134], %swap3A_137 {strides = array<i32>} : memref<64x128xf32, #tpu.memory_space<vmem>>, vector<1x16xf32>,
      %broadcast_in_dim3A_138 = arith.constant 1.000000e+00 : f32
      %broadcast_in_dim3A_139 = vector.broadcast %broadcast_in_dim3A_138 : f32 to vector<16xf32>
      %swap3A_140 = arith.index_cast %scan3A_46 : i32 to index
      %swap3A_141 = arith.constant 96 : index
      %swap3A_142 = tpu.vector_load %arg10[%swap3A_140, %swap3A_141] {strides = array<i32>} : memref<64x128xf32, #tpu.memory_space<vmem>>, vector<1x16xf32>,
      %swap3A_143 = vector.shape_cast %swap3A_142 : vector<1x16xf32> to vector<16xf32>
      %swap3A_144 = vector.shape_cast %broadcast_in_dim3A_139 : vector<16xf32> to vector<1x16xf32>
      tpu.vector_store %arg10[%swap3A_140, %swap3A_141], %swap3A_144 {strides = array<i32>} : memref<64x128xf32, #tpu.memory_space<vmem>>, vector<1x16xf32>,
      %broadcast_in_dim3A_145 = arith.constant 0.000000e+00 : f32
      %broadcast_in_dim3A_146 = vector.broadcast %broadcast_in_dim3A_145 : f32 to vector<16xf32>
      %swap3A_147 = arith.index_cast %scan3A_46 : i32 to index
      %swap3A_148 = arith.constant 112 : index
      %swap3A_149 = tpu.vector_load %arg9[%swap3A_147, %swap3A_148] {strides = array<i32>} : memref<64x128xf32, #tpu.memory_space<vmem>>, vector<1x16xf32>,
      %swap3A_150 = vector.shape_cast %swap3A_149 : vector<1x16xf32> to vector<16xf32>
      %swap3A_151 = vector.shape_cast %broadcast_in_dim3A_146 : vector<16xf32> to vector<1x16xf32>
      tpu.vector_store %arg9[%swap3A_147, %swap3A_148], %swap3A_151 {strides = array<i32>} : memref<64x128xf32, #tpu.memory_space<vmem>>, vector<1x16xf32>,
      %broadcast_in_dim3A_152 = arith.constant 1.000000e+00 : f32
      %broadcast_in_dim3A_153 = vector.broadcast %broadcast_in_dim3A_152 : f32 to vector<16xf32>
      %swap3A_154 = arith.index_cast %scan3A_46 : i32 to index
      %swap3A_155 = arith.constant 112 : index
      %swap3A_156 = tpu.vector_load %arg10[%swap3A_154, %swap3A_155] {strides = array<i32>} : memref<64x128xf32, #tpu.memory_space<vmem>>, vector<1x16xf32>,
      %swap3A_157 = vector.shape_cast %swap3A_156 : vector<1x16xf32> to vector<16xf32>
      %swap3A_158 = vector.shape_cast %broadcast_in_dim3A_153 : vector<16xf32> to vector<1x16xf32>
      tpu.vector_store %arg10[%swap3A_154, %swap3A_155], %swap3A_158 {strides = array<i32>} : memref<64x128xf32, #tpu.memory_space<vmem>>, vector<1x16xf32>,
      %scan3A_159 = arith.constant 0 : i32
      scf.yield %scan3A_159 : i32
    }
    %scan3A_8 = arith.constant 64 : i32
    %scan3A_9 = arith.constant 0 : i32
    %scan3A_10 = arith.constant 0 : i32
    %scan3A_11 = arith.constant 64 : i32
    %scan3A_12 = arith.addi %scan3A_10, %scan3A_11 : i32
    %scan3A_13 = arith.constant 1 : i32
    %scan3A_14 = scf.for %scan3A_46 = %scan3A_10 to %scan3A_12 step %scan3A_13 iter_args(%scan3A_47 = %scan3A_9) -> (i32)  : i32 {
      %broadcast_in_dim3A_48 = arith.constant 0.000000e+00 : f32
      %broadcast_in_dim3A_49 = vector.broadcast %broadcast_in_dim3A_48 : f32 to vector<16xf32>
      %swap3A = arith.index_cast %scan3A_46 : i32 to index
      %swap3A_50 = arith.constant 0 : index
      %swap3A_51 = tpu.vector_load %arg11[%swap3A, %swap3A_50] {strides = array<i32>} : memref<64x128xf32, #tpu.memory_space<vmem>>, vector<1x16xf32>,
      %swap3A_52 = vector.shape_cast %swap3A_51 : vector<1x16xf32> to vector<16xf32>
      %swap3A_53 = vector.shape_cast %broadcast_in_dim3A_49 : vector<16xf32> to vector<1x16xf32>
      tpu.vector_store %arg11[%swap3A, %swap3A_50], %swap3A_53 {strides = array<i32>} : memref<64x128xf32, #tpu.memory_space<vmem>>, vector<1x16xf32>,
      %broadcast_in_dim3A_54 = arith.constant 0.000000e+00 : f32
      %broadcast_in_dim3A_55 = vector.broadcast %broadcast_in_dim3A_54 : f32 to vector<16xf32>
      %swap3A_56 = arith.index_cast %scan3A_46 : i32 to index
      %swap3A_57 = arith.constant 16 : index
      %swap3A_58 = tpu.vector_load %arg11[%swap3A_56, %swap3A_57] {strides = array<i32>} : memref<64x128xf32, #tpu.memory_space<vmem>>, vector<1x16xf32>,
      %swap3A_59 = vector.shape_cast %swap3A_58 : vector<1x16xf32> to vector<16xf32>
      %swap3A_60 = vector.shape_cast %broadcast_in_dim3A_55 : vector<16xf32> to vector<1x16xf32>
      tpu.vector_store %arg11[%swap3A_56, %swap3A_57], %swap3A_60 {strides = array<i32>} : memref<64x128xf32, #tpu.memory_space<vmem>>, vector<1x16xf32>,
      %broadcast_in_dim3A_61 = arith.constant 0.000000e+00 : f32
      %broadcast_in_dim3A_62 = vector.broadcast %broadcast_in_dim3A_61 : f32 to vector<16xf32>
      %swap3A_63 = arith.index_cast %scan3A_46 : i32 to index
      %swap3A_64 = arith.constant 32 : index
      %swap3A_65 = tpu.vector_load %arg11[%swap3A_63, %swap3A_64] {strides = array<i32>} : memref<64x128xf32, #tpu.memory_space<vmem>>, vector<1x16xf32>,
      %swap3A_66 = vector.shape_cast %swap3A_65 : vector<1x16xf32> to vector<16xf32>
      %swap3A_67 = vector.shape_cast %broadcast_in_dim3A_62 : vector<16xf32> to vector<1x16xf32>
      tpu.vector_store %arg11[%swap3A_63, %swap3A_64], %swap3A_67 {strides = array<i32>} : memref<64x128xf32, #tpu.memory_space<vmem>>, vector<1x16xf32>,
      %broadcast_in_dim3A_68 = arith.constant 0.000000e+00 : f32
      %broadcast_in_dim3A_69 = vector.broadcast %broadcast_in_dim3A_68 : f32 to vector<16xf32>
      %swap3A_70 = arith.index_cast %scan3A_46 : i32 to index
      %swap3A_71 = arith.constant 48 : index
      %swap3A_72 = tpu.vector_load %arg11[%swap3A_70, %swap3A_71] {strides = array<i32>} : memref<64x128xf32, #tpu.memory_space<vmem>>, vector<1x16xf32>,
      %swap3A_73 = vector.shape_cast %swap3A_72 : vector<1x16xf32> to vector<16xf32>
      %swap3A_74 = vector.shape_cast %broadcast_in_dim3A_69 : vector<16xf32> to vector<1x16xf32>
      tpu.vector_store %arg11[%swap3A_70, %swap3A_71], %swap3A_74 {strides = array<i32>} : memref<64x128xf32, #tpu.memory_space<vmem>>, vector<1x16xf32>,
      %broadcast_in_dim3A_75 = arith.constant 0.000000e+00 : f32
      %broadcast_in_dim3A_76 = vector.broadcast %broadcast_in_dim3A_75 : f32 to vector<16xf32>
      %swap3A_77 = arith.index_cast %scan3A_46 : i32 to index
      %swap3A_78 = arith.constant 64 : index
      %swap3A_79 = tpu.vector_load %arg11[%swap3A_77, %swap3A_78] {strides = array<i32>} : memref<64x128xf32, #tpu.memory_space<vmem>>, vector<1x16xf32>,
      %swap3A_80 = vector.shape_cast %swap3A_79 : vector<1x16xf32> to vector<16xf32>
      %swap3A_81 = vector.shape_cast %broadcast_in_dim3A_76 : vector<16xf32> to vector<1x16xf32>
      tpu.vector_store %arg11[%swap3A_77, %swap3A_78], %swap3A_81 {strides = array<i32>} : memref<64x128xf32, #tpu.memory_space<vmem>>, vector<1x16xf32>,
      %broadcast_in_dim3A_82 = arith.constant 0.000000e+00 : f32
      %broadcast_in_dim3A_83 = vector.broadcast %broadcast_in_dim3A_82 : f32 to vector<16xf32>
      %swap3A_84 = arith.index_cast %scan3A_46 : i32 to index
      %swap3A_85 = arith.constant 80 : index
      %swap3A_86 = tpu.vector_load %arg11[%swap3A_84, %swap3A_85] {strides = array<i32>} : memref<64x128xf32, #tpu.memory_space<vmem>>, vector<1x16xf32>,
      %swap3A_87 = vector.shape_cast %swap3A_86 : vector<1x16xf32> to vector<16xf32>
      %swap3A_88 = vector.shape_cast %broadcast_in_dim3A_83 : vector<16xf32> to vector<1x16xf32>
      tpu.vector_store %arg11[%swap3A_84, %swap3A_85], %swap3A_88 {strides = array<i32>} : memref<64x128xf32, #tpu.memory_space<vmem>>, vector<1x16xf32>,
      %broadcast_in_dim3A_89 = arith.constant 0.000000e+00 : f32
      %broadcast_in_dim3A_90 = vector.broadcast %broadcast_in_dim3A_89 : f32 to vector<16xf32>
      %swap3A_91 = arith.index_cast %scan3A_46 : i32 to index
      %swap3A_92 = arith.constant 96 : index
      %swap3A_93 = tpu.vector_load %arg11[%swap3A_91, %swap3A_92] {strides = array<i32>} : memref<64x128xf32, #tpu.memory_space<vmem>>, vector<1x16xf32>,
      %swap3A_94 = vector.shape_cast %swap3A_93 : vector<1x16xf32> to vector<16xf32>
      %swap3A_95 = vector.shape_cast %broadcast_in_dim3A_90 : vector<16xf32> to vector<1x16xf32>
      tpu.vector_store %arg11[%swap3A_91, %swap3A_92], %swap3A_95 {strides = array<i32>} : memref<64x128xf32, #tpu.memory_space<vmem>>, vector<1x16xf32>,
      %broadcast_in_dim3A_96 = arith.constant 0.000000e+00 : f32
      %broadcast_in_dim3A_97 = vector.broadcast %broadcast_in_dim3A_96 : f32 to vector<16xf32>
      %swap3A_98 = arith.index_cast %scan3A_46 : i32 to index
      %swap3A_99 = arith.constant 112 : index
      %swap3A_100 = tpu.vector_load %arg11[%swap3A_98, %swap3A_99] {strides = array<i32>} : memref<64x128xf32, #tpu.memory_space<vmem>>, vector<1x16xf32>,
      %swap3A_101 = vector.shape_cast %swap3A_100 : vector<1x16xf32> to vector<16xf32>
      %swap3A_102 = vector.shape_cast %broadcast_in_dim3A_97 : vector<16xf32> to vector<1x16xf32>
      tpu.vector_store %arg11[%swap3A_98, %swap3A_99], %swap3A_102 {strides = array<i32>} : memref<64x128xf32, #tpu.memory_space<vmem>>, vector<1x16xf32>,
      %scan3A_103 = arith.constant 0 : i32
      scf.yield %scan3A_103 : i32
    }
    %scan3A_15 = arith.constant 64 : i32
    %iota3A = tpu.iota {dimensions = array<i32: 0>} : vector<16xi32>
    %broadcast_in_dim3A = arith.constant 1 : i32
    %broadcast_in_dim3A_16 = vector.broadcast %broadcast_in_dim3A : i32 to vector<16xi32>
    %scan3A_17 = arith.constant 0 : i32
    %scan3A_18 = arith.constant 0 : i32
    %scan3A_19 = arith.constant 40 : i32
    %scan3A_20 = arith.addi %scan3A_18, %scan3A_19 : i32
    %scan3A_21 = arith.constant 1 : i32
    %scan3A_22 = scf.for %scan3A_46 = %scan3A_18 to %scan3A_20 step %scan3A_21 iter_args(%scan3A_47 = %scan3A_17) -> (i32)  : i32 {
      %jit3A = arith.constant 4 : i32
      %div3A = arith.divsi %scan3A_46, %jit3A : i32
      %sign3A = arith.constant 0 : i32
      %sign3A_48 = arith.cmpi sgt, %scan3A_46, %sign3A : i32
      %sign3A_49 = arith.extui %sign3A_48 : i1 to i32
      %sign3A_50 = arith.constant 0 : i32
      %sign3A_51 = arith.cmpi slt, %scan3A_46, %sign3A_50 : i32
      %sign3A_52 = arith.extui %sign3A_51 : i1 to i32
      %sign3A_53 = arith.subi %sign3A_49, %sign3A_52 : i32
      %sign3A_54 = arith.constant 0 : i32
      %sign3A_55 = arith.cmpi sgt, %jit3A, %sign3A_54 : i32
      %sign3A_56 = arith.extui %sign3A_55 : i1 to i32
      %sign3A_57 = arith.constant 0 : i32
      %sign3A_58 = arith.cmpi slt, %jit3A, %sign3A_57 : i32
      %sign3A_59 = arith.extui %sign3A_58 : i1 to i32
      %sign3A_60 = arith.subi %sign3A_56, %sign3A_59 : i32
      %ne3A = arith.cmpi ne, %sign3A_53, %sign3A_60 : i32
      %rem3A = arith.remsi %scan3A_46, %jit3A : i32
      %ne3A_61 = arith.constant 0 : i32
      %ne3A_62 = arith.cmpi ne, %rem3A, %ne3A_61 : i32
      %and3A = arith.andi %ne3A, %ne3A_62 : i1
      %sub3A = arith.constant 1 : i32
      %sub3A_63 = arith.subi %div3A, %sub3A : i32
      %select_n3A = arith.select %and3A, %sub3A_63, %div3A : i32
      %jit3A_64 = arith.constant 4 : i32
      %eq3A = arith.constant 0 : i32
      %eq3A_65 = arith.cmpi eq, %jit3A_64, %eq3A : i32
      %jit3A_66 = arith.constant 1 : i32
      %select_n3A_67 = arith.select %eq3A_65, %jit3A_66, %jit3A_64 : i32
      %rem3A_68 = arith.remsi %scan3A_46, %select_n3A_67 : i32
      %ne3A_69 = arith.constant 0 : i32
      %ne3A_70 = arith.cmpi ne, %rem3A_68, %ne3A_69 : i32
      %lt3A = arith.constant 0 : i32
      %lt3A_71 = arith.cmpi slt, %rem3A_68, %lt3A : i32
      %lt3A_72 = arith.constant 0 : i32
      %lt3A_73 = arith.cmpi slt, %select_n3A_67, %lt3A_72 : i32
      %ne3A_74 = arith.xori %lt3A_71, %lt3A_73 : i1
      %and3A_75 = arith.andi %ne3A_74, %ne3A_70 : i1
      %add3A_76 = arith.addi %rem3A_68, %select_n3A_67 : i32
      %select_n3A_77 = arith.select %and3A_75, %add3A_76, %rem3A_68 : i32
      %mul3A_78 = arith.constant 16 : i32
      %mul3A_79 = arith.muli %select_n3A_77, %mul3A_78 : i32
      %mul3A_80 = arith.constant 16 : i32
      %mul3A_81 = arith.muli %scan3A_46, %mul3A_80 : i32
      %add3A_82 = arith.addi %mul3A_2, %mul3A_81 : i32
      %mul3A_83 = vector.broadcast %add3A_82 : i32 to vector<16xi32>
      %mul3A_84 = arith.muli %broadcast_in_dim3A_16, %mul3A_83 : vector<16xi32>
      %add3A_85 = arith.addi %iota3A, %mul3A_84 : vector<16xi32>
      %swap3A = arith.index_cast %select_n3A : i32 to index
      %swap3A_86 = arith.index_cast %mul3A_79 : i32 to index
      %swap3A_87 = tpu.vector_load %arg8[%swap3A, %swap3A_86] {strides = array<i32>} : memref<10x64xi32, #tpu.memory_space<vmem>>, vector<1x16xi32>,
      %swap3A_88 = vector.shape_cast %swap3A_87 : vector<1x16xi32> to vector<16xi32>
      %swap3A_89 = vector.shape_cast %add3A_85 : vector<16xi32> to vector<1x16xi32>
      tpu.vector_store %arg8[%swap3A, %swap3A_86], %swap3A_89 {strides = array<i32>} : memref<10x64xi32, #tpu.memory_space<vmem>>, vector<1x16xi32>,
      %scan3A_90 = arith.constant 0 : i32
      scf.yield %scan3A_90 : i32
    }
    %scan3A_23 = arith.constant 40 : i32
    %scan3A_24 = arith.constant 0 : i32
    %scan3A_25 = arith.constant 0 : i32
    %scan3A_26 = arith.constant 10 : i32
    %scan3A_27 = arith.addi %scan3A_25, %scan3A_26 : i32
    %scan3A_28 = arith.constant 1 : i32
    %scan3A_29 = scf.for %scan3A_46 = %scan3A_25 to %scan3A_27 step %scan3A_28 iter_args(%scan3A_47 = %scan3A_24) -> (i32)  : i32 {
      "tpu.region"() ({
        %run_scoped3A = tpu.sem_alloc : memref<!tpu.dma_semaphore, #tpu.memory_space<semaphore_mem>>
        %dma_start3A = arith.constant 0 : i32
        %dma_start3A_49 = tpu.memref_slice %arg8[%scan3A_46, %dma_start3A] : memref<10x64xi32, #tpu.memory_space<vmem>> -> memref<1x64xi32, #tpu.memory_space<vmem>>
        %dma_start3A_50 = tpu.memref_squeeze %dma_start3A_49 : memref<1x64xi32, #tpu.memory_space<vmem>> -> memref<64xi32, #tpu.memory_space<vmem>>
        %dma_start3A_51 = arith.constant 0 : i32
        %dma_start3A_52 = arith.constant 0 : i32
        %dma_start3A_53 = tpu.memref_slice %arg5[%dma_start3A_51, %dma_start3A_52] : memref<10240x128xf32, #tpu.memory_space<vmem_shared>> -> memref<10240x128xf32, #tpu.memory_space<vmem_shared>>
        tpu.enqueue_indirect_dma source(%arg11 : memref<64x128xf32, #tpu.memory_space<vmem>>) target(%dma_start3A_53 : memref<10240x128xf32, #tpu.memory_space<vmem_shared>>) offsets(%dma_start3A_50 : memref<64xi32, #tpu.memory_space<vmem>>) semaphore(%run_scoped3A : memref<!tpu.dma_semaphore, #tpu.memory_space<semaphore_mem>>)
        %dma_wait3A = arith.constant 0 : i32
        %dma_wait3A_54 = tpu.memref_slice %arg8[%scan3A_46, %dma_wait3A] : memref<10x64xi32, #tpu.memory_space<vmem>> -> memref<1x64xi32, #tpu.memory_space<vmem>>
        %dma_wait3A_55 = tpu.memref_squeeze %dma_wait3A_54 : memref<1x64xi32, #tpu.memory_space<vmem>> -> memref<64xi32, #tpu.memory_space<vmem>>
        %dma_wait3A_56 = arith.constant 0 : i32
        %dma_wait3A_57 = arith.constant 0 : i32
        %dma_wait3A_58 = tpu.memref_slice %arg5[%dma_wait3A_56, %dma_wait3A_57] : memref<10240x128xf32, #tpu.memory_space<vmem_shared>> -> memref<10240x128xf32, #tpu.memory_space<vmem_shared>>
        tpu.wait_indirect_dma semaphore(%run_scoped3A : memref<!tpu.dma_semaphore, #tpu.memory_space<semaphore_mem>>) src(%arg11 : memref<64x128xf32, #tpu.memory_space<vmem>>) dst(%dma_wait3A_58 : memref<10240x128xf32, #tpu.memory_space<vmem_shared>>)
        tpu.yield
      }) : () -> ()
      %scan3A_48 = arith.constant 0 : i32
      scf.yield %scan3A_48 : i32
    }
    %scan3A_30 = arith.constant 10 : i32
    %barrier3A = arith.constant 0 : index
    tpu.barrier barrier_id(%barrier3A)
    %scan3A_31 = arith.constant 0 : i32
    %scan3A_32 = arith.constant 0 : i32
    %scan3A_33 = arith.constant 5 : i32
    %scan3A_34 = arith.addi %scan3A_32, %scan3A_33 : i32
    %scan3A_35 = arith.constant 1 : i32
    %scan3A_36 = scf.for %scan3A_46 = %scan3A_32 to %scan3A_34 step %scan3A_35 iter_args(%scan3A_47 = %scan3A_31) -> (i32)  : i32 {
      %mul3A_48 = arith.constant 32 : i32
      %mul3A_49 = arith.muli %scan3A_46, %mul3A_48 : i32
      %multiple_of3A = tpu.assume_multiple %mul3A_49, 32 : i32
      %dma_start3A = arith.constant 0 : i32
      %dma_start3A_50 = tpu.memref_slice %arg2[%add3A, %multiple_of3A, %dma_start3A] : memref<32x160x64xi32, #tpu.memory_space<hbm>> -> memref<1x32x64xi32, #tpu.memory_space<hbm>>
      %dma_start3A_51 = tpu.memref_squeeze %dma_start3A_50 : memref<1x32x64xi32, #tpu.memory_space<hbm>> -> memref<32x64xi32, #tpu.memory_space<hbm>>
      %dma_start3A_52 = arith.constant 0 : i32
      %dma_start3A_53 = tpu.memref_slice %arg2[%add3A, %multiple_of3A, %dma_start3A_52] : memref<32x160x64xi32, #tpu.memory_space<hbm>> -> memref<1x32x64xi32, #tpu.memory_space<hbm>>
      %dma_start3A_54 = tpu.memref_squeeze %dma_start3A_53 : memref<1x32x64xi32, #tpu.memory_space<hbm>> -> memref<32x64xi32, #tpu.memory_space<hbm>>
      tpu.enqueue_dma source(%dma_start3A_54 : memref<32x64xi32, #tpu.memory_space<hbm>>) target(%arg6 : memref<32x64xi32, #tpu.memory_space<vmem>>) target_semaphore(%arg12 : memref<!tpu.dma_semaphore, #tpu.memory_space<semaphore_mem>>)
      %dma_wait3A = arith.constant 0 : i32
      %dma_wait3A_55 = tpu.memref_slice %arg2[%add3A, %multiple_of3A, %dma_wait3A] : memref<32x160x64xi32, #tpu.memory_space<hbm>> -> memref<1x32x64xi32, #tpu.memory_space<hbm>>
      %dma_wait3A_56 = tpu.memref_squeeze %dma_wait3A_55 : memref<1x32x64xi32, #tpu.memory_space<hbm>> -> memref<32x64xi32, #tpu.memory_space<hbm>>
      %dma_wait3A_57 = arith.constant 0 : i32
      %dma_wait3A_58 = tpu.memref_slice %arg2[%add3A, %multiple_of3A, %dma_wait3A_57] : memref<32x160x64xi32, #tpu.memory_space<hbm>> -> memref<1x32x64xi32, #tpu.memory_space<hbm>>
      %dma_wait3A_59 = tpu.memref_squeeze %dma_wait3A_58 : memref<1x32x64xi32, #tpu.memory_space<hbm>> -> memref<32x64xi32, #tpu.memory_space<hbm>>
      tpu.wait_dma2 semaphore(%arg12 : memref<!tpu.dma_semaphore, #tpu.memory_space<semaphore_mem>>) src(%dma_wait3A_59 : memref<32x64xi32, #tpu.memory_space<hbm>>) dst(%arg6 : memref<32x64xi32, #tpu.memory_space<vmem>>)
      %dma_start3A_60 = arith.constant 0 : i32
      %dma_start3A_61 = tpu.memref_slice %arg3[%add3A, %multiple_of3A, %dma_start3A_60] : memref<32x160x64xi32, #tpu.memory_space<hbm>> -> memref<1x32x64xi32, #tpu.memory_space<hbm>>
      %dma_start3A_62 = tpu.memref_squeeze %dma_start3A_61 : memref<1x32x64xi32, #tpu.memory_space<hbm>> -> memref<32x64xi32, #tpu.memory_space<hbm>>
      %dma_start3A_63 = arith.constant 0 : i32
      %dma_start3A_64 = tpu.memref_slice %arg3[%add3A, %multiple_of3A, %dma_start3A_63] : memref<32x160x64xi32, #tpu.memory_space<hbm>> -> memref<1x32x64xi32, #tpu.memory_space<hbm>>
      %dma_start3A_65 = tpu.memref_squeeze %dma_start3A_64 : memref<1x32x64xi32, #tpu.memory_space<hbm>> -> memref<32x64xi32, #tpu.memory_space<hbm>>
      tpu.enqueue_dma source(%dma_start3A_65 : memref<32x64xi32, #tpu.memory_space<hbm>>) target(%arg7 : memref<32x64xi32, #tpu.memory_space<vmem>>) target_semaphore(%arg12 : memref<!tpu.dma_semaphore, #tpu.memory_space<semaphore_mem>>)
      %dma_wait3A_66 = arith.constant 0 : i32
      %dma_wait3A_67 = tpu.memref_slice %arg3[%add3A, %multiple_of3A, %dma_wait3A_66] : memref<32x160x64xi32, #tpu.memory_space<hbm>> -> memref<1x32x64xi32, #tpu.memory_space<hbm>>
      %dma_wait3A_68 = tpu.memref_squeeze %dma_wait3A_67 : memref<1x32x64xi32, #tpu.memory_space<hbm>> -> memref<32x64xi32, #tpu.memory_space<hbm>>
      %dma_wait3A_69 = arith.constant 0 : i32
      %dma_wait3A_70 = tpu.memref_slice %arg3[%add3A, %multiple_of3A, %dma_wait3A_69] : memref<32x160x64xi32, #tpu.memory_space<hbm>> -> memref<1x32x64xi32, #tpu.memory_space<hbm>>
      %dma_wait3A_71 = tpu.memref_squeeze %dma_wait3A_70 : memref<1x32x64xi32, #tpu.memory_space<hbm>> -> memref<32x64xi32, #tpu.memory_space<hbm>>
      tpu.wait_dma2 semaphore(%arg12 : memref<!tpu.dma_semaphore, #tpu.memory_space<semaphore_mem>>) src(%dma_wait3A_71 : memref<32x64xi32, #tpu.memory_space<hbm>>) dst(%arg7 : memref<32x64xi32, #tpu.memory_space<vmem>>)
      %scan3A_72 = arith.constant 0 : i32
      %scan3A_73 = arith.constant 0 : i32
      %scan3A_74 = arith.constant 16 : i32
      %scan3A_75 = arith.addi %scan3A_73, %scan3A_74 : i32
      %scan3A_76 = arith.constant 1 : i32
      %scan3A_77 = scf.for %scan3A_80 = %scan3A_73 to %scan3A_75 step %scan3A_76 iter_args(%scan3A_81 = %scan3A_72) -> (i32)  : i32 {
        %mul3A_82 = arith.constant 2 : i32
        %mul3A_83 = arith.muli %mul3A_82, %scan3A_80 : i32
        %mul3A_84 = arith.constant 2 : i32
        %mul3A_85 = arith.muli %mul3A_84, %scan3A_80 : i32
        %add3A_86 = arith.constant 1 : i32
        %add3A_87 = arith.addi %mul3A_85, %add3A_86 : i32
        %dma_start3A_88 = arith.constant 0 : i32
        %dma_start3A_89 = tpu.memref_slice %arg6[%mul3A_83, %dma_start3A_88] : memref<32x64xi32, #tpu.memory_space<vmem>> -> memref<1x64xi32, #tpu.memory_space<vmem>>
        %dma_start3A_90 = tpu.memref_squeeze %dma_start3A_89 : memref<1x64xi32, #tpu.memory_space<vmem>> -> memref<64xi32, #tpu.memory_space<vmem>>
        %dma_start3A_91 = arith.constant 0 : i32
        %dma_start3A_92 = arith.constant 0 : i32
        %dma_start3A_93 = tpu.memref_slice %arg5[%dma_start3A_91, %dma_start3A_92] : memref<10240x128xf32, #tpu.memory_space<vmem_shared>> -> memref<10240x128xf32, #tpu.memory_space<vmem_shared>>
        tpu.enqueue_indirect_dma source(%arg9 : memref<64x128xf32, #tpu.memory_space<vmem>>) target(%dma_start3A_93 : memref<10240x128xf32, #tpu.memory_space<vmem_shared>>) offsets(%dma_start3A_90 : memref<64xi32, #tpu.memory_space<vmem>>) semaphore(%arg12 : memref<!tpu.dma_semaphore, #tpu.memory_space<semaphore_mem>>) {add = true}
        %dma_start3A_94 = arith.constant 0 : i32
        %dma_start3A_95 = tpu.memref_slice %arg7[%mul3A_83, %dma_start3A_94] : memref<32x64xi32, #tpu.memory_space<vmem>> -> memref<1x64xi32, #tpu.memory_space<vmem>>
        %dma_start3A_96 = tpu.memref_squeeze %dma_start3A_95 : memref<1x64xi32, #tpu.memory_space<vmem>> -> memref<64xi32, #tpu.memory_space<vmem>>
        %dma_start3A_97 = arith.constant 0 : i32
        %dma_start3A_98 = arith.constant 0 : i32
        %dma_start3A_99 = tpu.memref_slice %arg5[%dma_start3A_97, %dma_start3A_98] : memref<10240x128xf32, #tpu.memory_space<vmem_shared>> -> memref<10240x128xf32, #tpu.memory_space<vmem_shared>>
        tpu.enqueue_indirect_dma source(%arg10 : memref<64x128xf32, #tpu.memory_space<vmem>>) target(%dma_start3A_99 : memref<10240x128xf32, #tpu.memory_space<vmem_shared>>) offsets(%dma_start3A_96 : memref<64xi32, #tpu.memory_space<vmem>>) semaphore(%arg13 : memref<!tpu.dma_semaphore, #tpu.memory_space<semaphore_mem>>) {add = true}
        %dma_start3A_100 = arith.constant 0 : i32
        %dma_start3A_101 = tpu.memref_slice %arg6[%add3A_87, %dma_start3A_100] : memref<32x64xi32, #tpu.memory_space<vmem>> -> memref<1x64xi32, #tpu.memory_space<vmem>>
        %dma_start3A_102 = tpu.memref_squeeze %dma_start3A_101 : memref<1x64xi32, #tpu.memory_space<vmem>> -> memref<64xi32, #tpu.memory_space<vmem>>
        %dma_start3A_103 = arith.constant 0 : i32
        %dma_start3A_104 = arith.constant 0 : i32
        %dma_start3A_105 = tpu.memref_slice %arg5[%dma_start3A_103, %dma_start3A_104] : memref<10240x128xf32, #tpu.memory_space<vmem_shared>> -> memref<10240x128xf32, #tpu.memory_space<vmem_shared>>
        tpu.enqueue_indirect_dma source(%arg9 : memref<64x128xf32, #tpu.memory_space<vmem>>) target(%dma_start3A_105 : memref<10240x128xf32, #tpu.memory_space<vmem_shared>>) offsets(%dma_start3A_102 : memref<64xi32, #tpu.memory_space<vmem>>) semaphore(%arg14 : memref<!tpu.dma_semaphore, #tpu.memory_space<semaphore_mem>>) {add = true}
        %dma_start3A_106 = arith.constant 0 : i32
        %dma_start3A_107 = tpu.memref_slice %arg7[%add3A_87, %dma_start3A_106] : memref<32x64xi32, #tpu.memory_space<vmem>> -> memref<1x64xi32, #tpu.memory_space<vmem>>
        %dma_start3A_108 = tpu.memref_squeeze %dma_start3A_107 : memref<1x64xi32, #tpu.memory_space<vmem>> -> memref<64xi32, #tpu.memory_space<vmem>>
        %dma_start3A_109 = arith.constant 0 : i32
        %dma_start3A_110 = arith.constant 0 : i32
        %dma_start3A_111 = tpu.memref_slice %arg5[%dma_start3A_109, %dma_start3A_110] : memref<10240x128xf32, #tpu.memory_space<vmem_shared>> -> memref<10240x128xf32, #tpu.memory_space<vmem_shared>>
        tpu.enqueue_indirect_dma source(%arg10 : memref<64x128xf32, #tpu.memory_space<vmem>>) target(%dma_start3A_111 : memref<10240x128xf32, #tpu.memory_space<vmem_shared>>) offsets(%dma_start3A_108 : memref<64xi32, #tpu.memory_space<vmem>>) semaphore(%arg15 : memref<!tpu.dma_semaphore, #tpu.memory_space<semaphore_mem>>) {add = true}
        %dma_wait3A_112 = arith.constant 0 : i32
        %dma_wait3A_113 = tpu.memref_slice %arg6[%mul3A_83, %dma_wait3A_112] : memref<32x64xi32, #tpu.memory_space<vmem>> -> memref<1x64xi32, #tpu.memory_space<vmem>>
        %dma_wait3A_114 = tpu.memref_squeeze %dma_wait3A_113 : memref<1x64xi32, #tpu.memory_space<vmem>> -> memref<64xi32, #tpu.memory_space<vmem>>
        %dma_wait3A_115 = arith.constant 0 : i32
        %dma_wait3A_116 = arith.constant 0 : i32
        %dma_wait3A_117 = tpu.memref_slice %arg5[%dma_wait3A_115, %dma_wait3A_116] : memref<10240x128xf32, #tpu.memory_space<vmem_shared>> -> memref<10240x128xf32, #tpu.memory_space<vmem_shared>>
        tpu.wait_indirect_dma semaphore(%arg12 : memref<!tpu.dma_semaphore, #tpu.memory_space<semaphore_mem>>) src(%arg9 : memref<64x128xf32, #tpu.memory_space<vmem>>) dst(%dma_wait3A_117 : memref<10240x128xf32, #tpu.memory_space<vmem_shared>>)
        %dma_wait3A_118 = arith.constant 0 : i32
        %dma_wait3A_119 = tpu.memref_slice %arg7[%mul3A_83, %dma_wait3A_118] : memref<32x64xi32, #tpu.memory_space<vmem>> -> memref<1x64xi32, #tpu.memory_space<vmem>>
        %dma_wait3A_120 = tpu.memref_squeeze %dma_wait3A_119 : memref<1x64xi32, #tpu.memory_space<vmem>> -> memref<64xi32, #tpu.memory_space<vmem>>
        %dma_wait3A_121 = arith.constant 0 : i32
        %dma_wait3A_122 = arith.constant 0 : i32
        %dma_wait3A_123 = tpu.memref_slice %arg5[%dma_wait3A_121, %dma_wait3A_122] : memref<10240x128xf32, #tpu.memory_space<vmem_shared>> -> memref<10240x128xf32, #tpu.memory_space<vmem_shared>>
        tpu.wait_indirect_dma semaphore(%arg13 : memref<!tpu.dma_semaphore, #tpu.memory_space<semaphore_mem>>) src(%arg10 : memref<64x128xf32, #tpu.memory_space<vmem>>) dst(%dma_wait3A_123 : memref<10240x128xf32, #tpu.memory_space<vmem_shared>>)
        %dma_wait3A_124 = arith.constant 0 : i32
        %dma_wait3A_125 = tpu.memref_slice %arg6[%add3A_87, %dma_wait3A_124] : memref<32x64xi32, #tpu.memory_space<vmem>> -> memref<1x64xi32, #tpu.memory_space<vmem>>
        %dma_wait3A_126 = tpu.memref_squeeze %dma_wait3A_125 : memref<1x64xi32, #tpu.memory_space<vmem>> -> memref<64xi32, #tpu.memory_space<vmem>>
        %dma_wait3A_127 = arith.constant 0 : i32
        %dma_wait3A_128 = arith.constant 0 : i32
        %dma_wait3A_129 = tpu.memref_slice %arg5[%dma_wait3A_127, %dma_wait3A_128] : memref<10240x128xf32, #tpu.memory_space<vmem_shared>> -> memref<10240x128xf32, #tpu.memory_space<vmem_shared>>
        tpu.wait_indirect_dma semaphore(%arg14 : memref<!tpu.dma_semaphore, #tpu.memory_space<semaphore_mem>>) src(%arg9 : memref<64x128xf32, #tpu.memory_space<vmem>>) dst(%dma_wait3A_129 : memref<10240x128xf32, #tpu.memory_space<vmem_shared>>)
        %dma_wait3A_130 = arith.constant 0 : i32
        %dma_wait3A_131 = tpu.memref_slice %arg7[%add3A_87, %dma_wait3A_130] : memref<32x64xi32, #tpu.memory_space<vmem>> -> memref<1x64xi32, #tpu.memory_space<vmem>>
        %dma_wait3A_132 = tpu.memref_squeeze %dma_wait3A_131 : memref<1x64xi32, #tpu.memory_space<vmem>> -> memref<64xi32, #tpu.memory_space<vmem>>
        %dma_wait3A_133 = arith.constant 0 : i32
        %dma_wait3A_134 = arith.constant 0 : i32
        %dma_wait3A_135 = tpu.memref_slice %arg5[%dma_wait3A_133, %dma_wait3A_134] : memref<10240x128xf32, #tpu.memory_space<vmem_shared>> -> memref<10240x128xf32, #tpu.memory_space<vmem_shared>>
        tpu.wait_indirect_dma semaphore(%arg15 : memref<!tpu.dma_semaphore, #tpu.memory_space<semaphore_mem>>) src(%arg10 : memref<64x128xf32, #tpu.memory_space<vmem>>) dst(%dma_wait3A_135 : memref<10240x128xf32, #tpu.memory_space<vmem_shared>>)
        %scan3A_136 = arith.constant 0 : i32
        scf.yield %scan3A_136 : i32
      }
      %scan3A_78 = arith.constant 16 : i32
      %scan3A_79 = arith.constant 0 : i32
      scf.yield %scan3A_79 : i32
    }
    %scan3A_37 = arith.constant 5 : i32
    %barrier3A_38 = arith.constant 0 : index
    tpu.barrier barrier_id(%barrier3A_38)
    %scan3A_39 = arith.constant 0 : i32
    %scan3A_40 = arith.constant 0 : i32
    %scan3A_41 = arith.constant 10 : i32
    %scan3A_42 = arith.addi %scan3A_40, %scan3A_41 : i32
    %scan3A_43 = arith.constant 1 : i32
    %scan3A_44 = scf.for %scan3A_46 = %scan3A_40 to %scan3A_42 step %scan3A_43 iter_args(%scan3A_47 = %scan3A_39) -> (i32)  : i32 {
      %dma_start3A = arith.constant 0 : i32
      %dma_start3A_48 = tpu.memref_slice %arg8[%scan3A_46, %dma_start3A] : memref<10x64xi32, #tpu.memory_space<vmem>> -> memref<1x64xi32, #tpu.memory_space<vmem>>
      %dma_start3A_49 = tpu.memref_squeeze %dma_start3A_48 : memref<1x64xi32, #tpu.memory_space<vmem>> -> memref<64xi32, #tpu.memory_space<vmem>>
      %dma_start3A_50 = arith.constant 0 : i32
      %dma_start3A_51 = arith.constant 0 : i32
      %dma_start3A_52 = tpu.memref_slice %arg5[%dma_start3A_50, %dma_start3A_51] : memref<10240x128xf32, #tpu.memory_space<vmem_shared>> -> memref<10240x128xf32, #tpu.memory_space<vmem_shared>>
      tpu.enqueue_indirect_dma source(%dma_start3A_52 : memref<10240x128xf32, #tpu.memory_space<vmem_shared>>) target(%arg11 : memref<64x128xf32, #tpu.memory_space<vmem>>) offsets(%dma_start3A_49 : memref<64xi32, #tpu.memory_space<vmem>>) semaphore(%arg12 : memref<!tpu.dma_semaphore, #tpu.memory_space<semaphore_mem>>)
      %dma_wait3A = arith.constant 0 : i32
      %dma_wait3A_53 = tpu.memref_slice %arg8[%scan3A_46, %dma_wait3A] : memref<10x64xi32, #tpu.memory_space<vmem>> -> memref<1x64xi32, #tpu.memory_space<vmem>>
      %dma_wait3A_54 = tpu.memref_squeeze %dma_wait3A_53 : memref<1x64xi32, #tpu.memory_space<vmem>> -> memref<64xi32, #tpu.memory_space<vmem>>
      %dma_wait3A_55 = arith.constant 0 : i32
      %dma_wait3A_56 = arith.constant 0 : i32
      %dma_wait3A_57 = tpu.memref_slice %arg5[%dma_wait3A_55, %dma_wait3A_56] : memref<10240x128xf32, #tpu.memory_space<vmem_shared>> -> memref<10240x128xf32, #tpu.memory_space<vmem_shared>>
      tpu.wait_indirect_dma semaphore(%arg12 : memref<!tpu.dma_semaphore, #tpu.memory_space<semaphore_mem>>) src(%dma_wait3A_57 : memref<10240x128xf32, #tpu.memory_space<vmem_shared>>) dst(%arg11 : memref<64x128xf32, #tpu.memory_space<vmem>>)
      %mul3A_58 = arith.constant 64 : i32
      %mul3A_59 = arith.muli %scan3A_46, %mul3A_58 : i32
      %add3A_60 = arith.addi %mul3A_2, %mul3A_59 : i32
      %multiple_of3A = tpu.assume_multiple %add3A_60, 64 : i32
      "tpu.region"() ({
        %run_scoped3A = tpu.sem_alloc : memref<!tpu.dma_semaphore, #tpu.memory_space<semaphore_mem>>
        %dma_start3A_62 = arith.constant 0 : i32
        %dma_start3A_63 = tpu.memref_slice %arg4[%arg0, %multiple_of3A, %dma_start3A_62] : memref<2x10240x128xf32, #tpu.memory_space<hbm>> -> memref<1x64x128xf32, #tpu.memory_space<hbm>>
        %dma_start3A_64 = tpu.memref_squeeze %dma_start3A_63 : memref<1x64x128xf32, #tpu.memory_space<hbm>> -> memref<64x128xf32, #tpu.memory_space<hbm>>
        %dma_start3A_65 = arith.constant 0 : i32
        %dma_start3A_66 = tpu.memref_slice %arg4[%arg0, %multiple_of3A, %dma_start3A_65] : memref<2x10240x128xf32, #tpu.memory_space<hbm>> -> memref<1x64x128xf32, #tpu.memory_space<hbm>>
        %dma_start3A_67 = tpu.memref_squeeze %dma_start3A_66 : memref<1x64x128xf32, #tpu.memory_space<hbm>> -> memref<64x128xf32, #tpu.memory_space<hbm>>
        tpu.enqueue_dma source(%arg11 : memref<64x128xf32, #tpu.memory_space<vmem>>) target(%dma_start3A_67 : memref<64x128xf32, #tpu.memory_space<hbm>>) target_semaphore(%run_scoped3A : memref<!tpu.dma_semaphore, #tpu.memory_space<semaphore_mem>>)
        %dma_wait3A_68 = arith.constant 0 : i32
        %dma_wait3A_69 = tpu.memref_slice %arg4[%arg0, %multiple_of3A, %dma_wait3A_68] : memref<2x10240x128xf32, #tpu.memory_space<hbm>> -> memref<1x64x128xf32, #tpu.memory_space<hbm>>
        %dma_wait3A_70 = tpu.memref_squeeze %dma_wait3A_69 : memref<1x64x128xf32, #tpu.memory_space<hbm>> -> memref<64x128xf32, #tpu.memory_space<hbm>>
        %dma_wait3A_71 = arith.constant 0 : i32
        %dma_wait3A_72 = tpu.memref_slice %arg4[%arg0, %multiple_of3A, %dma_wait3A_71] : memref<2x10240x128xf32, #tpu.memory_space<hbm>> -> memref<1x64x128xf32, #tpu.memory_space<hbm>>
        %dma_wait3A_73 = tpu.memref_squeeze %dma_wait3A_72 : memref<1x64x128xf32, #tpu.memory_space<hbm>> -> memref<64x128xf32, #tpu.memory_space<hbm>>
        tpu.wait_dma2 semaphore(%run_scoped3A : memref<!tpu.dma_semaphore, #tpu.memory_space<semaphore_mem>>) src(%arg11 : memref<64x128xf32, #tpu.memory_space<vmem>>) dst(%dma_wait3A_73 : memref<64x128xf32, #tpu.memory_space<hbm>>)
        tpu.yield
      }) : () -> ()
      %scan3A_61 = arith.constant 0 : i32
      scf.yield %scan3A_61 : i32
    }
    %scan3A_45 = arith.constant 10 : i32
    return
  }
}

#map = affine_map<(d0, d1) -> (0, 0)>
#map1 = affine_map<(d0, d1) -> (0, 0, 0)>
module attributes {stable_mosaic.version = 14 : i64} {
  func.func @mp_kernel(%arg0: i32, %arg1: i32, %arg2: memref<10240x128xf32, #tpu.memory_space<hbm>>, %arg3: memref<32x80x128xi32, #tpu.memory_space<hbm>>, %arg4: memref<32x80x128xi32, #tpu.memory_space<hbm>>, %arg5: memref<2x10240x128xf32, #tpu.memory_space<hbm>>, %arg6: memref<10240x128xf32, #tpu.memory_space<vmem_shared>>, %arg7: memref<40x128xi32, #tpu.memory_space<vmem>>, %arg8: memref<40x128xi32, #tpu.memory_space<vmem>>, %arg9: memref<5x128xi32, #tpu.memory_space<vmem>>, %arg10: memref<128x128xf32, #tpu.memory_space<vmem>>, %arg11: memref<128x128xf32, #tpu.memory_space<vmem>>, %arg12: memref<!tpu.dma_semaphore, #tpu.memory_space<semaphore_mem>>, %arg13: memref<!tpu.dma_semaphore, #tpu.memory_space<semaphore_mem>>, %arg14: memref<!tpu.dma_semaphore, #tpu.memory_space<semaphore_mem>>) attributes {dimension_semantics = [#tpu.dimension_semantics<core_parallel>, #tpu.dimension_semantics<subcore_parallel>], iteration_bounds = array<i64: 2, 16>, scalar_prefetch = 0 : i64, scratch_operands = 9 : i64, tpu.core_type = #tpu.core_type<sc_vector_subcore>, window_params = [{transform_indices = #map}, {transform_indices = #map1}, {transform_indices = #map1}, {transform_indices = #map1}]} {
    %mul3A = arith.constant 16 : i32
    %mul3A_0 = arith.muli %arg0, %mul3A : i32
    %add3A = arith.addi %mul3A_0, %arg1 : i32
    %mul3A_1 = arith.constant 640 : i32
    %mul3A_2 = arith.muli %arg1, %mul3A_1 : i32
    %scan3A = arith.constant 0 : i32
    %scan3A_3 = arith.constant 0 : i32
    %scan3A_4 = arith.constant 128 : i32
    %scan3A_5 = arith.addi %scan3A_3, %scan3A_4 : i32
    %scan3A_6 = arith.constant 1 : i32
    %scan3A_7 = scf.for %scan3A_39 = %scan3A_3 to %scan3A_5 step %scan3A_6 iter_args(%scan3A_40 = %scan3A) -> (i32)  : i32 {
      %broadcast_in_dim3A_41 = arith.constant 0.000000e+00 : f32
      %broadcast_in_dim3A_42 = vector.broadcast %broadcast_in_dim3A_41 : f32 to vector<16xf32>
      %swap3A = arith.index_cast %scan3A_39 : i32 to index
      %swap3A_43 = arith.constant 0 : index
      %swap3A_44 = tpu.vector_load %arg10[%swap3A, %swap3A_43] {strides = array<i32>} : memref<128x128xf32, #tpu.memory_space<vmem>>, vector<1x16xf32>,
      %swap3A_45 = vector.shape_cast %swap3A_44 : vector<1x16xf32> to vector<16xf32>
      %swap3A_46 = vector.shape_cast %broadcast_in_dim3A_42 : vector<16xf32> to vector<1x16xf32>
      tpu.vector_store %arg10[%swap3A, %swap3A_43], %swap3A_46 {strides = array<i32>} : memref<128x128xf32, #tpu.memory_space<vmem>>, vector<1x16xf32>,
      %broadcast_in_dim3A_47 = arith.constant 0.000000e+00 : f32
      %broadcast_in_dim3A_48 = vector.broadcast %broadcast_in_dim3A_47 : f32 to vector<16xf32>
      %swap3A_49 = arith.index_cast %scan3A_39 : i32 to index
      %swap3A_50 = arith.constant 16 : index
      %swap3A_51 = tpu.vector_load %arg10[%swap3A_49, %swap3A_50] {strides = array<i32>} : memref<128x128xf32, #tpu.memory_space<vmem>>, vector<1x16xf32>,
      %swap3A_52 = vector.shape_cast %swap3A_51 : vector<1x16xf32> to vector<16xf32>
      %swap3A_53 = vector.shape_cast %broadcast_in_dim3A_48 : vector<16xf32> to vector<1x16xf32>
      tpu.vector_store %arg10[%swap3A_49, %swap3A_50], %swap3A_53 {strides = array<i32>} : memref<128x128xf32, #tpu.memory_space<vmem>>, vector<1x16xf32>,
      %broadcast_in_dim3A_54 = arith.constant 0.000000e+00 : f32
      %broadcast_in_dim3A_55 = vector.broadcast %broadcast_in_dim3A_54 : f32 to vector<16xf32>
      %swap3A_56 = arith.index_cast %scan3A_39 : i32 to index
      %swap3A_57 = arith.constant 32 : index
      %swap3A_58 = tpu.vector_load %arg10[%swap3A_56, %swap3A_57] {strides = array<i32>} : memref<128x128xf32, #tpu.memory_space<vmem>>, vector<1x16xf32>,
      %swap3A_59 = vector.shape_cast %swap3A_58 : vector<1x16xf32> to vector<16xf32>
      %swap3A_60 = vector.shape_cast %broadcast_in_dim3A_55 : vector<16xf32> to vector<1x16xf32>
      tpu.vector_store %arg10[%swap3A_56, %swap3A_57], %swap3A_60 {strides = array<i32>} : memref<128x128xf32, #tpu.memory_space<vmem>>, vector<1x16xf32>,
      %broadcast_in_dim3A_61 = arith.constant 0.000000e+00 : f32
      %broadcast_in_dim3A_62 = vector.broadcast %broadcast_in_dim3A_61 : f32 to vector<16xf32>
      %swap3A_63 = arith.index_cast %scan3A_39 : i32 to index
      %swap3A_64 = arith.constant 48 : index
      %swap3A_65 = tpu.vector_load %arg10[%swap3A_63, %swap3A_64] {strides = array<i32>} : memref<128x128xf32, #tpu.memory_space<vmem>>, vector<1x16xf32>,
      %swap3A_66 = vector.shape_cast %swap3A_65 : vector<1x16xf32> to vector<16xf32>
      %swap3A_67 = vector.shape_cast %broadcast_in_dim3A_62 : vector<16xf32> to vector<1x16xf32>
      tpu.vector_store %arg10[%swap3A_63, %swap3A_64], %swap3A_67 {strides = array<i32>} : memref<128x128xf32, #tpu.memory_space<vmem>>, vector<1x16xf32>,
      %broadcast_in_dim3A_68 = arith.constant 0.000000e+00 : f32
      %broadcast_in_dim3A_69 = vector.broadcast %broadcast_in_dim3A_68 : f32 to vector<16xf32>
      %swap3A_70 = arith.index_cast %scan3A_39 : i32 to index
      %swap3A_71 = arith.constant 64 : index
      %swap3A_72 = tpu.vector_load %arg10[%swap3A_70, %swap3A_71] {strides = array<i32>} : memref<128x128xf32, #tpu.memory_space<vmem>>, vector<1x16xf32>,
      %swap3A_73 = vector.shape_cast %swap3A_72 : vector<1x16xf32> to vector<16xf32>
      %swap3A_74 = vector.shape_cast %broadcast_in_dim3A_69 : vector<16xf32> to vector<1x16xf32>
      tpu.vector_store %arg10[%swap3A_70, %swap3A_71], %swap3A_74 {strides = array<i32>} : memref<128x128xf32, #tpu.memory_space<vmem>>, vector<1x16xf32>,
      %broadcast_in_dim3A_75 = arith.constant 0.000000e+00 : f32
      %broadcast_in_dim3A_76 = vector.broadcast %broadcast_in_dim3A_75 : f32 to vector<16xf32>
      %swap3A_77 = arith.index_cast %scan3A_39 : i32 to index
      %swap3A_78 = arith.constant 80 : index
      %swap3A_79 = tpu.vector_load %arg10[%swap3A_77, %swap3A_78] {strides = array<i32>} : memref<128x128xf32, #tpu.memory_space<vmem>>, vector<1x16xf32>,
      %swap3A_80 = vector.shape_cast %swap3A_79 : vector<1x16xf32> to vector<16xf32>
      %swap3A_81 = vector.shape_cast %broadcast_in_dim3A_76 : vector<16xf32> to vector<1x16xf32>
      tpu.vector_store %arg10[%swap3A_77, %swap3A_78], %swap3A_81 {strides = array<i32>} : memref<128x128xf32, #tpu.memory_space<vmem>>, vector<1x16xf32>,
      %broadcast_in_dim3A_82 = arith.constant 0.000000e+00 : f32
      %broadcast_in_dim3A_83 = vector.broadcast %broadcast_in_dim3A_82 : f32 to vector<16xf32>
      %swap3A_84 = arith.index_cast %scan3A_39 : i32 to index
      %swap3A_85 = arith.constant 96 : index
      %swap3A_86 = tpu.vector_load %arg10[%swap3A_84, %swap3A_85] {strides = array<i32>} : memref<128x128xf32, #tpu.memory_space<vmem>>, vector<1x16xf32>,
      %swap3A_87 = vector.shape_cast %swap3A_86 : vector<1x16xf32> to vector<16xf32>
      %swap3A_88 = vector.shape_cast %broadcast_in_dim3A_83 : vector<16xf32> to vector<1x16xf32>
      tpu.vector_store %arg10[%swap3A_84, %swap3A_85], %swap3A_88 {strides = array<i32>} : memref<128x128xf32, #tpu.memory_space<vmem>>, vector<1x16xf32>,
      %broadcast_in_dim3A_89 = arith.constant 0.000000e+00 : f32
      %broadcast_in_dim3A_90 = vector.broadcast %broadcast_in_dim3A_89 : f32 to vector<16xf32>
      %swap3A_91 = arith.index_cast %scan3A_39 : i32 to index
      %swap3A_92 = arith.constant 112 : index
      %swap3A_93 = tpu.vector_load %arg10[%swap3A_91, %swap3A_92] {strides = array<i32>} : memref<128x128xf32, #tpu.memory_space<vmem>>, vector<1x16xf32>,
      %swap3A_94 = vector.shape_cast %swap3A_93 : vector<1x16xf32> to vector<16xf32>
      %swap3A_95 = vector.shape_cast %broadcast_in_dim3A_90 : vector<16xf32> to vector<1x16xf32>
      tpu.vector_store %arg10[%swap3A_91, %swap3A_92], %swap3A_95 {strides = array<i32>} : memref<128x128xf32, #tpu.memory_space<vmem>>, vector<1x16xf32>,
      %scan3A_96 = arith.constant 0 : i32
      scf.yield %scan3A_96 : i32
    }
    %scan3A_8 = arith.constant 128 : i32
    %iota3A = tpu.iota {dimensions = array<i32: 0>} : vector<16xi32>
    %broadcast_in_dim3A = arith.constant 1 : i32
    %broadcast_in_dim3A_9 = vector.broadcast %broadcast_in_dim3A : i32 to vector<16xi32>
    %scan3A_10 = arith.constant 0 : i32
    %scan3A_11 = arith.constant 0 : i32
    %scan3A_12 = arith.constant 40 : i32
    %scan3A_13 = arith.addi %scan3A_11, %scan3A_12 : i32
    %scan3A_14 = arith.constant 1 : i32
    %scan3A_15 = scf.for %scan3A_39 = %scan3A_11 to %scan3A_13 step %scan3A_14 iter_args(%scan3A_40 = %scan3A_10) -> (i32)  : i32 {
      %jit3A = arith.constant 8 : i32
      %div3A = arith.divsi %scan3A_39, %jit3A : i32
      %sign3A = arith.constant 0 : i32
      %sign3A_41 = arith.cmpi sgt, %scan3A_39, %sign3A : i32
      %sign3A_42 = arith.extui %sign3A_41 : i1 to i32
      %sign3A_43 = arith.constant 0 : i32
      %sign3A_44 = arith.cmpi slt, %scan3A_39, %sign3A_43 : i32
      %sign3A_45 = arith.extui %sign3A_44 : i1 to i32
      %sign3A_46 = arith.subi %sign3A_42, %sign3A_45 : i32
      %sign3A_47 = arith.constant 0 : i32
      %sign3A_48 = arith.cmpi sgt, %jit3A, %sign3A_47 : i32
      %sign3A_49 = arith.extui %sign3A_48 : i1 to i32
      %sign3A_50 = arith.constant 0 : i32
      %sign3A_51 = arith.cmpi slt, %jit3A, %sign3A_50 : i32
      %sign3A_52 = arith.extui %sign3A_51 : i1 to i32
      %sign3A_53 = arith.subi %sign3A_49, %sign3A_52 : i32
      %ne3A = arith.cmpi ne, %sign3A_46, %sign3A_53 : i32
      %rem3A = arith.remsi %scan3A_39, %jit3A : i32
      %ne3A_54 = arith.constant 0 : i32
      %ne3A_55 = arith.cmpi ne, %rem3A, %ne3A_54 : i32
      %and3A = arith.andi %ne3A, %ne3A_55 : i1
      %sub3A = arith.constant 1 : i32
      %sub3A_56 = arith.subi %div3A, %sub3A : i32
      %select_n3A = arith.select %and3A, %sub3A_56, %div3A : i32
      %jit3A_57 = arith.constant 8 : i32
      %eq3A = arith.constant 0 : i32
      %eq3A_58 = arith.cmpi eq, %jit3A_57, %eq3A : i32
      %jit3A_59 = arith.constant 1 : i32
      %select_n3A_60 = arith.select %eq3A_58, %jit3A_59, %jit3A_57 : i32
      %rem3A_61 = arith.remsi %scan3A_39, %select_n3A_60 : i32
      %ne3A_62 = arith.constant 0 : i32
      %ne3A_63 = arith.cmpi ne, %rem3A_61, %ne3A_62 : i32
      %lt3A = arith.constant 0 : i32
      %lt3A_64 = arith.cmpi slt, %rem3A_61, %lt3A : i32
      %lt3A_65 = arith.constant 0 : i32
      %lt3A_66 = arith.cmpi slt, %select_n3A_60, %lt3A_65 : i32
      %ne3A_67 = arith.xori %lt3A_64, %lt3A_66 : i1
      %and3A_68 = arith.andi %ne3A_67, %ne3A_63 : i1
      %add3A_69 = arith.addi %rem3A_61, %select_n3A_60 : i32
      %select_n3A_70 = arith.select %and3A_68, %add3A_69, %rem3A_61 : i32
      %mul3A_71 = arith.constant 16 : i32
      %mul3A_72 = arith.muli %select_n3A_70, %mul3A_71 : i32
      %mul3A_73 = arith.constant 16 : i32
      %mul3A_74 = arith.muli %scan3A_39, %mul3A_73 : i32
      %add3A_75 = arith.addi %mul3A_2, %mul3A_74 : i32
      %mul3A_76 = vector.broadcast %add3A_75 : i32 to vector<16xi32>
      %mul3A_77 = arith.muli %broadcast_in_dim3A_9, %mul3A_76 : vector<16xi32>
      %add3A_78 = arith.addi %iota3A, %mul3A_77 : vector<16xi32>
      %swap3A = arith.index_cast %select_n3A : i32 to index
      %swap3A_79 = arith.index_cast %mul3A_72 : i32 to index
      %swap3A_80 = tpu.vector_load %arg9[%swap3A, %swap3A_79] {strides = array<i32>} : memref<5x128xi32, #tpu.memory_space<vmem>>, vector<1x16xi32>,
      %swap3A_81 = vector.shape_cast %swap3A_80 : vector<1x16xi32> to vector<16xi32>
      %swap3A_82 = vector.shape_cast %add3A_78 : vector<16xi32> to vector<1x16xi32>
      tpu.vector_store %arg9[%swap3A, %swap3A_79], %swap3A_82 {strides = array<i32>} : memref<5x128xi32, #tpu.memory_space<vmem>>, vector<1x16xi32>,
      %scan3A_83 = arith.constant 0 : i32
      scf.yield %scan3A_83 : i32
    }
    %scan3A_16 = arith.constant 40 : i32
    %scan3A_17 = arith.constant 0 : i32
    %scan3A_18 = arith.constant 0 : i32
    %scan3A_19 = arith.constant 5 : i32
    %scan3A_20 = arith.addi %scan3A_18, %scan3A_19 : i32
    %scan3A_21 = arith.constant 1 : i32
    %scan3A_22 = scf.for %scan3A_39 = %scan3A_18 to %scan3A_20 step %scan3A_21 iter_args(%scan3A_40 = %scan3A_17) -> (i32)  : i32 {
      "tpu.region"() ({
        %run_scoped3A = tpu.sem_alloc : memref<!tpu.dma_semaphore, #tpu.memory_space<semaphore_mem>>
        %dma_start3A = arith.constant 0 : i32
        %dma_start3A_42 = tpu.memref_slice %arg9[%scan3A_39, %dma_start3A] : memref<5x128xi32, #tpu.memory_space<vmem>> -> memref<1x128xi32, #tpu.memory_space<vmem>>
        %dma_start3A_43 = tpu.memref_squeeze %dma_start3A_42 : memref<1x128xi32, #tpu.memory_space<vmem>> -> memref<128xi32, #tpu.memory_space<vmem>>
        %dma_start3A_44 = arith.constant 0 : i32
        %dma_start3A_45 = arith.constant 0 : i32
        %dma_start3A_46 = tpu.memref_slice %arg6[%dma_start3A_44, %dma_start3A_45] : memref<10240x128xf32, #tpu.memory_space<vmem_shared>> -> memref<10240x128xf32, #tpu.memory_space<vmem_shared>>
        tpu.enqueue_indirect_dma source(%arg10 : memref<128x128xf32, #tpu.memory_space<vmem>>) target(%dma_start3A_46 : memref<10240x128xf32, #tpu.memory_space<vmem_shared>>) offsets(%dma_start3A_43 : memref<128xi32, #tpu.memory_space<vmem>>) semaphore(%run_scoped3A : memref<!tpu.dma_semaphore, #tpu.memory_space<semaphore_mem>>)
        %dma_wait3A = arith.constant 0 : i32
        %dma_wait3A_47 = tpu.memref_slice %arg9[%scan3A_39, %dma_wait3A] : memref<5x128xi32, #tpu.memory_space<vmem>> -> memref<1x128xi32, #tpu.memory_space<vmem>>
        %dma_wait3A_48 = tpu.memref_squeeze %dma_wait3A_47 : memref<1x128xi32, #tpu.memory_space<vmem>> -> memref<128xi32, #tpu.memory_space<vmem>>
        %dma_wait3A_49 = arith.constant 0 : i32
        %dma_wait3A_50 = arith.constant 0 : i32
        %dma_wait3A_51 = tpu.memref_slice %arg6[%dma_wait3A_49, %dma_wait3A_50] : memref<10240x128xf32, #tpu.memory_space<vmem_shared>> -> memref<10240x128xf32, #tpu.memory_space<vmem_shared>>
        tpu.wait_indirect_dma semaphore(%run_scoped3A : memref<!tpu.dma_semaphore, #tpu.memory_space<semaphore_mem>>) src(%arg10 : memref<128x128xf32, #tpu.memory_space<vmem>>) dst(%dma_wait3A_51 : memref<10240x128xf32, #tpu.memory_space<vmem_shared>>)
        tpu.yield
      }) : () -> ()
      %scan3A_41 = arith.constant 0 : i32
      scf.yield %scan3A_41 : i32
    }
    %scan3A_23 = arith.constant 5 : i32
    %barrier3A = arith.constant 0 : index
    tpu.barrier barrier_id(%barrier3A)
    %scan3A_24 = arith.constant 0 : i32
    %scan3A_25 = arith.constant 0 : i32
    %scan3A_26 = arith.constant 2 : i32
    %scan3A_27 = arith.addi %scan3A_25, %scan3A_26 : i32
    %scan3A_28 = arith.constant 1 : i32
    %scan3A_29 = scf.for %scan3A_39 = %scan3A_25 to %scan3A_27 step %scan3A_28 iter_args(%scan3A_40 = %scan3A_24) -> (i32)  : i32 {
      %mul3A_41 = arith.constant 40 : i32
      %mul3A_42 = arith.muli %scan3A_39, %mul3A_41 : i32
      %multiple_of3A = tpu.assume_multiple %mul3A_42, 40 : i32
      %dma_start3A = arith.constant 0 : i32
      %dma_start3A_43 = tpu.memref_slice %arg3[%add3A, %multiple_of3A, %dma_start3A] : memref<32x80x128xi32, #tpu.memory_space<hbm>> -> memref<1x40x128xi32, #tpu.memory_space<hbm>>
      %dma_start3A_44 = tpu.memref_squeeze %dma_start3A_43 : memref<1x40x128xi32, #tpu.memory_space<hbm>> -> memref<40x128xi32, #tpu.memory_space<hbm>>
      %dma_start3A_45 = arith.constant 0 : i32
      %dma_start3A_46 = tpu.memref_slice %arg3[%add3A, %multiple_of3A, %dma_start3A_45] : memref<32x80x128xi32, #tpu.memory_space<hbm>> -> memref<1x40x128xi32, #tpu.memory_space<hbm>>
      %dma_start3A_47 = tpu.memref_squeeze %dma_start3A_46 : memref<1x40x128xi32, #tpu.memory_space<hbm>> -> memref<40x128xi32, #tpu.memory_space<hbm>>
      tpu.enqueue_dma source(%dma_start3A_47 : memref<40x128xi32, #tpu.memory_space<hbm>>) target(%arg7 : memref<40x128xi32, #tpu.memory_space<vmem>>) target_semaphore(%arg12 : memref<!tpu.dma_semaphore, #tpu.memory_space<semaphore_mem>>)
      %dma_wait3A = arith.constant 0 : i32
      %dma_wait3A_48 = tpu.memref_slice %arg3[%add3A, %multiple_of3A, %dma_wait3A] : memref<32x80x128xi32, #tpu.memory_space<hbm>> -> memref<1x40x128xi32, #tpu.memory_space<hbm>>
      %dma_wait3A_49 = tpu.memref_squeeze %dma_wait3A_48 : memref<1x40x128xi32, #tpu.memory_space<hbm>> -> memref<40x128xi32, #tpu.memory_space<hbm>>
      %dma_wait3A_50 = arith.constant 0 : i32
      %dma_wait3A_51 = tpu.memref_slice %arg3[%add3A, %multiple_of3A, %dma_wait3A_50] : memref<32x80x128xi32, #tpu.memory_space<hbm>> -> memref<1x40x128xi32, #tpu.memory_space<hbm>>
      %dma_wait3A_52 = tpu.memref_squeeze %dma_wait3A_51 : memref<1x40x128xi32, #tpu.memory_space<hbm>> -> memref<40x128xi32, #tpu.memory_space<hbm>>
      tpu.wait_dma2 semaphore(%arg12 : memref<!tpu.dma_semaphore, #tpu.memory_space<semaphore_mem>>) src(%dma_wait3A_52 : memref<40x128xi32, #tpu.memory_space<hbm>>) dst(%arg7 : memref<40x128xi32, #tpu.memory_space<vmem>>)
      %dma_start3A_53 = arith.constant 0 : i32
      %dma_start3A_54 = tpu.memref_slice %arg4[%add3A, %multiple_of3A, %dma_start3A_53] : memref<32x80x128xi32, #tpu.memory_space<hbm>> -> memref<1x40x128xi32, #tpu.memory_space<hbm>>
      %dma_start3A_55 = tpu.memref_squeeze %dma_start3A_54 : memref<1x40x128xi32, #tpu.memory_space<hbm>> -> memref<40x128xi32, #tpu.memory_space<hbm>>
      %dma_start3A_56 = arith.constant 0 : i32
      %dma_start3A_57 = tpu.memref_slice %arg4[%add3A, %multiple_of3A, %dma_start3A_56] : memref<32x80x128xi32, #tpu.memory_space<hbm>> -> memref<1x40x128xi32, #tpu.memory_space<hbm>>
      %dma_start3A_58 = tpu.memref_squeeze %dma_start3A_57 : memref<1x40x128xi32, #tpu.memory_space<hbm>> -> memref<40x128xi32, #tpu.memory_space<hbm>>
      tpu.enqueue_dma source(%dma_start3A_58 : memref<40x128xi32, #tpu.memory_space<hbm>>) target(%arg8 : memref<40x128xi32, #tpu.memory_space<vmem>>) target_semaphore(%arg12 : memref<!tpu.dma_semaphore, #tpu.memory_space<semaphore_mem>>)
      %dma_wait3A_59 = arith.constant 0 : i32
      %dma_wait3A_60 = tpu.memref_slice %arg4[%add3A, %multiple_of3A, %dma_wait3A_59] : memref<32x80x128xi32, #tpu.memory_space<hbm>> -> memref<1x40x128xi32, #tpu.memory_space<hbm>>
      %dma_wait3A_61 = tpu.memref_squeeze %dma_wait3A_60 : memref<1x40x128xi32, #tpu.memory_space<hbm>> -> memref<40x128xi32, #tpu.memory_space<hbm>>
      %dma_wait3A_62 = arith.constant 0 : i32
      %dma_wait3A_63 = tpu.memref_slice %arg4[%add3A, %multiple_of3A, %dma_wait3A_62] : memref<32x80x128xi32, #tpu.memory_space<hbm>> -> memref<1x40x128xi32, #tpu.memory_space<hbm>>
      %dma_wait3A_64 = tpu.memref_squeeze %dma_wait3A_63 : memref<1x40x128xi32, #tpu.memory_space<hbm>> -> memref<40x128xi32, #tpu.memory_space<hbm>>
      tpu.wait_dma2 semaphore(%arg12 : memref<!tpu.dma_semaphore, #tpu.memory_space<semaphore_mem>>) src(%dma_wait3A_64 : memref<40x128xi32, #tpu.memory_space<hbm>>) dst(%arg8 : memref<40x128xi32, #tpu.memory_space<vmem>>)
      %dma_start3A_65 = arith.constant 0 : i32
      %dma_start3A_66 = arith.constant 0 : i32
      %dma_start3A_67 = tpu.memref_slice %arg7[%dma_start3A_65, %dma_start3A_66] : memref<40x128xi32, #tpu.memory_space<vmem>> -> memref<1x128xi32, #tpu.memory_space<vmem>>
      %dma_start3A_68 = tpu.memref_squeeze %dma_start3A_67 : memref<1x128xi32, #tpu.memory_space<vmem>> -> memref<128xi32, #tpu.memory_space<vmem>>
      %dma_start3A_69 = arith.constant 0 : i32
      %dma_start3A_70 = arith.constant 0 : i32
      %dma_start3A_71 = tpu.memref_slice %arg2[%dma_start3A_69, %dma_start3A_70] : memref<10240x128xf32, #tpu.memory_space<hbm>> -> memref<10240x128xf32, #tpu.memory_space<hbm>>
      tpu.enqueue_indirect_dma source(%dma_start3A_71 : memref<10240x128xf32, #tpu.memory_space<hbm>>) target(%arg10 : memref<128x128xf32, #tpu.memory_space<vmem>>) offsets(%dma_start3A_68 : memref<128xi32, #tpu.memory_space<vmem>>) semaphore(%arg13 : memref<!tpu.dma_semaphore, #tpu.memory_space<semaphore_mem>>)
      %scan3A_72 = arith.constant 0 : i32
      %scan3A_73 = arith.constant 0 : i32
      %scan3A_74 = arith.constant 20 : i32
      %scan3A_75 = arith.addi %scan3A_73, %scan3A_74 : i32
      %scan3A_76 = arith.constant 1 : i32
      %scan3A_77 = scf.for %scan3A_80 = %scan3A_73 to %scan3A_75 step %scan3A_76 iter_args(%scan3A_81 = %scan3A_72) -> (i32)  : i32 {
        %mul3A_82 = arith.constant 2 : i32
        %mul3A_83 = arith.muli %mul3A_82, %scan3A_80 : i32
        %mul3A_84 = arith.constant 2 : i32
        %mul3A_85 = arith.muli %mul3A_84, %scan3A_80 : i32
        %add3A_86 = arith.constant 1 : i32
        %add3A_87 = arith.addi %mul3A_85, %add3A_86 : i32
        %dma_start3A_88 = arith.constant 0 : i32
        %dma_start3A_89 = tpu.memref_slice %arg7[%add3A_87, %dma_start3A_88] : memref<40x128xi32, #tpu.memory_space<vmem>> -> memref<1x128xi32, #tpu.memory_space<vmem>>
        %dma_start3A_90 = tpu.memref_squeeze %dma_start3A_89 : memref<1x128xi32, #tpu.memory_space<vmem>> -> memref<128xi32, #tpu.memory_space<vmem>>
        %dma_start3A_91 = arith.constant 0 : i32
        %dma_start3A_92 = arith.constant 0 : i32
        %dma_start3A_93 = tpu.memref_slice %arg2[%dma_start3A_91, %dma_start3A_92] : memref<10240x128xf32, #tpu.memory_space<hbm>> -> memref<10240x128xf32, #tpu.memory_space<hbm>>
        tpu.enqueue_indirect_dma source(%dma_start3A_93 : memref<10240x128xf32, #tpu.memory_space<hbm>>) target(%arg11 : memref<128x128xf32, #tpu.memory_space<vmem>>) offsets(%dma_start3A_90 : memref<128xi32, #tpu.memory_space<vmem>>) semaphore(%arg14 : memref<!tpu.dma_semaphore, #tpu.memory_space<semaphore_mem>>)
        %dma_wait3A_94 = arith.constant 0 : i32
        %dma_wait3A_95 = tpu.memref_slice %arg7[%mul3A_83, %dma_wait3A_94] : memref<40x128xi32, #tpu.memory_space<vmem>> -> memref<1x128xi32, #tpu.memory_space<vmem>>
        %dma_wait3A_96 = tpu.memref_squeeze %dma_wait3A_95 : memref<1x128xi32, #tpu.memory_space<vmem>> -> memref<128xi32, #tpu.memory_space<vmem>>
        %dma_wait3A_97 = arith.constant 0 : i32
        %dma_wait3A_98 = arith.constant 0 : i32
        %dma_wait3A_99 = tpu.memref_slice %arg2[%dma_wait3A_97, %dma_wait3A_98] : memref<10240x128xf32, #tpu.memory_space<hbm>> -> memref<10240x128xf32, #tpu.memory_space<hbm>>
        tpu.wait_indirect_dma semaphore(%arg13 : memref<!tpu.dma_semaphore, #tpu.memory_space<semaphore_mem>>) src(%dma_wait3A_99 : memref<10240x128xf32, #tpu.memory_space<hbm>>) dst(%arg10 : memref<128x128xf32, #tpu.memory_space<vmem>>)
        "tpu.region"() ({
          %run_scoped3A = tpu.sem_alloc : memref<!tpu.dma_semaphore, #tpu.memory_space<semaphore_mem>>
          %dma_start3A_109 = arith.constant 0 : i32
          %dma_start3A_110 = tpu.memref_slice %arg8[%mul3A_83, %dma_start3A_109] : memref<40x128xi32, #tpu.memory_space<vmem>> -> memref<1x128xi32, #tpu.memory_space<vmem>>
          %dma_start3A_111 = tpu.memref_squeeze %dma_start3A_110 : memref<1x128xi32, #tpu.memory_space<vmem>> -> memref<128xi32, #tpu.memory_space<vmem>>
          %dma_start3A_112 = arith.constant 0 : i32
          %dma_start3A_113 = arith.constant 0 : i32
          %dma_start3A_114 = tpu.memref_slice %arg6[%dma_start3A_112, %dma_start3A_113] : memref<10240x128xf32, #tpu.memory_space<vmem_shared>> -> memref<10240x128xf32, #tpu.memory_space<vmem_shared>>
          tpu.enqueue_indirect_dma source(%arg10 : memref<128x128xf32, #tpu.memory_space<vmem>>) target(%dma_start3A_114 : memref<10240x128xf32, #tpu.memory_space<vmem_shared>>) offsets(%dma_start3A_111 : memref<128xi32, #tpu.memory_space<vmem>>) semaphore(%run_scoped3A : memref<!tpu.dma_semaphore, #tpu.memory_space<semaphore_mem>>) {add = true}
          %dma_wait3A_115 = arith.constant 0 : i32
          %dma_wait3A_116 = tpu.memref_slice %arg8[%mul3A_83, %dma_wait3A_115] : memref<40x128xi32, #tpu.memory_space<vmem>> -> memref<1x128xi32, #tpu.memory_space<vmem>>
          %dma_wait3A_117 = tpu.memref_squeeze %dma_wait3A_116 : memref<1x128xi32, #tpu.memory_space<vmem>> -> memref<128xi32, #tpu.memory_space<vmem>>
          %dma_wait3A_118 = arith.constant 0 : i32
          %dma_wait3A_119 = arith.constant 0 : i32
          %dma_wait3A_120 = tpu.memref_slice %arg6[%dma_wait3A_118, %dma_wait3A_119] : memref<10240x128xf32, #tpu.memory_space<vmem_shared>> -> memref<10240x128xf32, #tpu.memory_space<vmem_shared>>
          tpu.wait_indirect_dma semaphore(%run_scoped3A : memref<!tpu.dma_semaphore, #tpu.memory_space<semaphore_mem>>) src(%arg10 : memref<128x128xf32, #tpu.memory_space<vmem>>) dst(%dma_wait3A_120 : memref<10240x128xf32, #tpu.memory_space<vmem_shared>>)
          tpu.yield
        }) : () -> ()
        %lt3A = arith.constant 19 : i32
        %lt3A_100 = arith.cmpi slt, %scan3A_80, %lt3A : i32
        %convert_element_type3A = arith.extui %lt3A_100 : i1 to i32
        %cond3A = arith.constant 0 : i32
        %cond3A_101 = arith.cmpi ne, %convert_element_type3A, %cond3A : i32
        scf.if %cond3A_101 {
          %add3A_109 = arith.constant 2 : i32
          %add3A_110 = arith.addi %mul3A_83, %add3A_109 : i32
          %dma_start3A_111 = arith.constant 0 : i32
          %dma_start3A_112 = tpu.memref_slice %arg7[%add3A_110, %dma_start3A_111] : memref<40x128xi32, #tpu.memory_space<vmem>> -> memref<1x128xi32, #tpu.memory_space<vmem>>
          %dma_start3A_113 = tpu.memref_squeeze %dma_start3A_112 : memref<1x128xi32, #tpu.memory_space<vmem>> -> memref<128xi32, #tpu.memory_space<vmem>>
          %dma_start3A_114 = arith.constant 0 : i32
          %dma_start3A_115 = arith.constant 0 : i32
          %dma_start3A_116 = tpu.memref_slice %arg2[%dma_start3A_114, %dma_start3A_115] : memref<10240x128xf32, #tpu.memory_space<hbm>> -> memref<10240x128xf32, #tpu.memory_space<hbm>>
          tpu.enqueue_indirect_dma source(%dma_start3A_116 : memref<10240x128xf32, #tpu.memory_space<hbm>>) target(%arg10 : memref<128x128xf32, #tpu.memory_space<vmem>>) offsets(%dma_start3A_113 : memref<128xi32, #tpu.memory_space<vmem>>) semaphore(%arg13 : memref<!tpu.dma_semaphore, #tpu.memory_space<semaphore_mem>>)
        } else {
        }
        %dma_wait3A_102 = arith.constant 0 : i32
        %dma_wait3A_103 = tpu.memref_slice %arg7[%add3A_87, %dma_wait3A_102] : memref<40x128xi32, #tpu.memory_space<vmem>> -> memref<1x128xi32, #tpu.memory_space<vmem>>
        %dma_wait3A_104 = tpu.memref_squeeze %dma_wait3A_103 : memref<1x128xi32, #tpu.memory_space<vmem>> -> memref<128xi32, #tpu.memory_space<vmem>>
        %dma_wait3A_105 = arith.constant 0 : i32
        %dma_wait3A_106 = arith.constant 0 : i32
        %dma_wait3A_107 = tpu.memref_slice %arg2[%dma_wait3A_105, %dma_wait3A_106] : memref<10240x128xf32, #tpu.memory_space<hbm>> -> memref<10240x128xf32, #tpu.memory_space<hbm>>
        tpu.wait_indirect_dma semaphore(%arg14 : memref<!tpu.dma_semaphore, #tpu.memory_space<semaphore_mem>>) src(%dma_wait3A_107 : memref<10240x128xf32, #tpu.memory_space<hbm>>) dst(%arg11 : memref<128x128xf32, #tpu.memory_space<vmem>>)
        "tpu.region"() ({
          %run_scoped3A = tpu.sem_alloc : memref<!tpu.dma_semaphore, #tpu.memory_space<semaphore_mem>>
          %dma_start3A_109 = arith.constant 0 : i32
          %dma_start3A_110 = tpu.memref_slice %arg8[%add3A_87, %dma_start3A_109] : memref<40x128xi32, #tpu.memory_space<vmem>> -> memref<1x128xi32, #tpu.memory_space<vmem>>
          %dma_start3A_111 = tpu.memref_squeeze %dma_start3A_110 : memref<1x128xi32, #tpu.memory_space<vmem>> -> memref<128xi32, #tpu.memory_space<vmem>>
          %dma_start3A_112 = arith.constant 0 : i32
          %dma_start3A_113 = arith.constant 0 : i32
          %dma_start3A_114 = tpu.memref_slice %arg6[%dma_start3A_112, %dma_start3A_113] : memref<10240x128xf32, #tpu.memory_space<vmem_shared>> -> memref<10240x128xf32, #tpu.memory_space<vmem_shared>>
          tpu.enqueue_indirect_dma source(%arg11 : memref<128x128xf32, #tpu.memory_space<vmem>>) target(%dma_start3A_114 : memref<10240x128xf32, #tpu.memory_space<vmem_shared>>) offsets(%dma_start3A_111 : memref<128xi32, #tpu.memory_space<vmem>>) semaphore(%run_scoped3A : memref<!tpu.dma_semaphore, #tpu.memory_space<semaphore_mem>>) {add = true}
          %dma_wait3A_115 = arith.constant 0 : i32
          %dma_wait3A_116 = tpu.memref_slice %arg8[%add3A_87, %dma_wait3A_115] : memref<40x128xi32, #tpu.memory_space<vmem>> -> memref<1x128xi32, #tpu.memory_space<vmem>>
          %dma_wait3A_117 = tpu.memref_squeeze %dma_wait3A_116 : memref<1x128xi32, #tpu.memory_space<vmem>> -> memref<128xi32, #tpu.memory_space<vmem>>
          %dma_wait3A_118 = arith.constant 0 : i32
          %dma_wait3A_119 = arith.constant 0 : i32
          %dma_wait3A_120 = tpu.memref_slice %arg6[%dma_wait3A_118, %dma_wait3A_119] : memref<10240x128xf32, #tpu.memory_space<vmem_shared>> -> memref<10240x128xf32, #tpu.memory_space<vmem_shared>>
          tpu.wait_indirect_dma semaphore(%run_scoped3A : memref<!tpu.dma_semaphore, #tpu.memory_space<semaphore_mem>>) src(%arg11 : memref<128x128xf32, #tpu.memory_space<vmem>>) dst(%dma_wait3A_120 : memref<10240x128xf32, #tpu.memory_space<vmem_shared>>)
          tpu.yield
        }) : () -> ()
        %scan3A_108 = arith.constant 0 : i32
        scf.yield %scan3A_108 : i32
      }
      %scan3A_78 = arith.constant 20 : i32
      %scan3A_79 = arith.constant 0 : i32
      scf.yield %scan3A_79 : i32
    }
    %scan3A_30 = arith.constant 2 : i32
    %barrier3A_31 = arith.constant 0 : index
    tpu.barrier barrier_id(%barrier3A_31)
    %scan3A_32 = arith.constant 0 : i32
    %scan3A_33 = arith.constant 0 : i32
    %scan3A_34 = arith.constant 5 : i32
    %scan3A_35 = arith.addi %scan3A_33, %scan3A_34 : i32
    %scan3A_36 = arith.constant 1 : i32
    %scan3A_37 = scf.for %scan3A_39 = %scan3A_33 to %scan3A_35 step %scan3A_36 iter_args(%scan3A_40 = %scan3A_32) -> (i32)  : i32 {
      %dma_start3A = arith.constant 0 : i32
      %dma_start3A_41 = tpu.memref_slice %arg9[%scan3A_39, %dma_start3A] : memref<5x128xi32, #tpu.memory_space<vmem>> -> memref<1x128xi32, #tpu.memory_space<vmem>>
      %dma_start3A_42 = tpu.memref_squeeze %dma_start3A_41 : memref<1x128xi32, #tpu.memory_space<vmem>> -> memref<128xi32, #tpu.memory_space<vmem>>
      %dma_start3A_43 = arith.constant 0 : i32
      %dma_start3A_44 = arith.constant 0 : i32
      %dma_start3A_45 = tpu.memref_slice %arg6[%dma_start3A_43, %dma_start3A_44] : memref<10240x128xf32, #tpu.memory_space<vmem_shared>> -> memref<10240x128xf32, #tpu.memory_space<vmem_shared>>
      tpu.enqueue_indirect_dma source(%dma_start3A_45 : memref<10240x128xf32, #tpu.memory_space<vmem_shared>>) target(%arg10 : memref<128x128xf32, #tpu.memory_space<vmem>>) offsets(%dma_start3A_42 : memref<128xi32, #tpu.memory_space<vmem>>) semaphore(%arg12 : memref<!tpu.dma_semaphore, #tpu.memory_space<semaphore_mem>>)
      %dma_wait3A = arith.constant 0 : i32
      %dma_wait3A_46 = tpu.memref_slice %arg9[%scan3A_39, %dma_wait3A] : memref<5x128xi32, #tpu.memory_space<vmem>> -> memref<1x128xi32, #tpu.memory_space<vmem>>
      %dma_wait3A_47 = tpu.memref_squeeze %dma_wait3A_46 : memref<1x128xi32, #tpu.memory_space<vmem>> -> memref<128xi32, #tpu.memory_space<vmem>>
      %dma_wait3A_48 = arith.constant 0 : i32
      %dma_wait3A_49 = arith.constant 0 : i32
      %dma_wait3A_50 = tpu.memref_slice %arg6[%dma_wait3A_48, %dma_wait3A_49] : memref<10240x128xf32, #tpu.memory_space<vmem_shared>> -> memref<10240x128xf32, #tpu.memory_space<vmem_shared>>
      tpu.wait_indirect_dma semaphore(%arg12 : memref<!tpu.dma_semaphore, #tpu.memory_space<semaphore_mem>>) src(%dma_wait3A_50 : memref<10240x128xf32, #tpu.memory_space<vmem_shared>>) dst(%arg10 : memref<128x128xf32, #tpu.memory_space<vmem>>)
      %mul3A_51 = arith.constant 128 : i32
      %mul3A_52 = arith.muli %scan3A_39, %mul3A_51 : i32
      %add3A_53 = arith.addi %mul3A_2, %mul3A_52 : i32
      %multiple_of3A = tpu.assume_multiple %add3A_53, 128 : i32
      "tpu.region"() ({
        %run_scoped3A = tpu.sem_alloc : memref<!tpu.dma_semaphore, #tpu.memory_space<semaphore_mem>>
        %dma_start3A_55 = arith.constant 0 : i32
        %dma_start3A_56 = tpu.memref_slice %arg5[%arg0, %multiple_of3A, %dma_start3A_55] : memref<2x10240x128xf32, #tpu.memory_space<hbm>> -> memref<1x128x128xf32, #tpu.memory_space<hbm>>
        %dma_start3A_57 = tpu.memref_squeeze %dma_start3A_56 : memref<1x128x128xf32, #tpu.memory_space<hbm>> -> memref<128x128xf32, #tpu.memory_space<hbm>>
        %dma_start3A_58 = arith.constant 0 : i32
        %dma_start3A_59 = tpu.memref_slice %arg5[%arg0, %multiple_of3A, %dma_start3A_58] : memref<2x10240x128xf32, #tpu.memory_space<hbm>> -> memref<1x128x128xf32, #tpu.memory_space<hbm>>
        %dma_start3A_60 = tpu.memref_squeeze %dma_start3A_59 : memref<1x128x128xf32, #tpu.memory_space<hbm>> -> memref<128x128xf32, #tpu.memory_space<hbm>>
        tpu.enqueue_dma source(%arg10 : memref<128x128xf32, #tpu.memory_space<vmem>>) target(%dma_start3A_60 : memref<128x128xf32, #tpu.memory_space<hbm>>) target_semaphore(%run_scoped3A : memref<!tpu.dma_semaphore, #tpu.memory_space<semaphore_mem>>)
        %dma_wait3A_61 = arith.constant 0 : i32
        %dma_wait3A_62 = tpu.memref_slice %arg5[%arg0, %multiple_of3A, %dma_wait3A_61] : memref<2x10240x128xf32, #tpu.memory_space<hbm>> -> memref<1x128x128xf32, #tpu.memory_space<hbm>>
        %dma_wait3A_63 = tpu.memref_squeeze %dma_wait3A_62 : memref<1x128x128xf32, #tpu.memory_space<hbm>> -> memref<128x128xf32, #tpu.memory_space<hbm>>
        %dma_wait3A_64 = arith.constant 0 : i32
        %dma_wait3A_65 = tpu.memref_slice %arg5[%arg0, %multiple_of3A, %dma_wait3A_64] : memref<2x10240x128xf32, #tpu.memory_space<hbm>> -> memref<1x128x128xf32, #tpu.memory_space<hbm>>
        %dma_wait3A_66 = tpu.memref_squeeze %dma_wait3A_65 : memref<1x128x128xf32, #tpu.memory_space<hbm>> -> memref<128x128xf32, #tpu.memory_space<hbm>>
        tpu.wait_dma2 semaphore(%run_scoped3A : memref<!tpu.dma_semaphore, #tpu.memory_space<semaphore_mem>>) src(%arg10 : memref<128x128xf32, #tpu.memory_space<vmem>>) dst(%dma_wait3A_66 : memref<128x128xf32, #tpu.memory_space<hbm>>)
        tpu.yield
      }) : () -> ()
      %scan3A_54 = arith.constant 0 : i32
      scf.yield %scan3A_54 : i32
    }
    %scan3A_38 = arith.constant 5 : i32
    return
  }
}

module attributes {stable_mosaic.version = 14 : i64} {
  func.func @_matmul_body(%arg0: i32, %arg1: memref<1024x128xf32, #tpu.memory_space<vmem>>, %arg2: memref<128x128xf32, #tpu.memory_space<vmem>>, %arg3: memref<1024x128xf32, #tpu.memory_space<vmem>>) attributes {dimension_semantics = [#tpu.dimension_semantics<arbitrary>], iteration_bounds = array<i64: 10>, scalar_prefetch = 0 : i64, scratch_operands = 0 : i64, tpu.core_type = #tpu.core_type<tc>, window_params = [{transform_indices = @transform_0, window_bounds = array<i64: 1024, 128>}, {pipeline_mode = #tpu.pipeline_mode<synchronous>, transform_indices = @transform_1, window_bounds = array<i64: 128, 128>}, {transform_indices = @transform_2, window_bounds = array<i64: 1024, 128>}]} {
    %get3A = arith.constant 0 : index
    %get3A_0 = arith.constant 0 : index
    %get3A_1 = vector.load %arg1[%get3A, %get3A_0] : memref<1024x128xf32, #tpu.memory_space<vmem>>, vector<1024x128xf32>
    %get3A_2 = arith.constant 0 : index
    %get3A_3 = arith.constant 0 : index
    %get3A_4 = vector.load %arg2[%get3A_2, %get3A_3] : memref<128x128xf32, #tpu.memory_space<vmem>>, vector<128x128xf32>
    %dot_general3A = arith.constant dense<0.000000e+00> : vector<1024x128xf32>
    %dot_general3A_5 = tpu.matmul %get3A_1, %get3A_4, %dot_general3A {dimension_numbers = #tpu.dot_dimension_numbers<[1], [0], [0], [1], [0, 0, 1, 1], [], []>, transpose_lhs_hint = false} : vector<1024x128xf32>, vector<128x128xf32>, vector<1024x128xf32> -> vector<1024x128xf32>
    %swap3A = arith.constant 0 : index
    %swap3A_6 = arith.constant 0 : index
    %swap3A_7 = vector.load %arg3[%swap3A, %swap3A_6] : memref<1024x128xf32, #tpu.memory_space<vmem>>, vector<1024x128xf32>
    tpu.vector_store %arg3[%swap3A, %swap3A_6], %dot_general3A_5 {strides = array<i32>} : memref<1024x128xf32, #tpu.memory_space<vmem>>, vector<1024x128xf32>,
    return
  }
  func.func @transform_0(%arg0: i32) -> (i32, i32) {
    %c0_i32 = arith.constant 0 : i32
    %c0_i32_0 = arith.constant 0 : i32
    return %arg0, %c0_i32 : i32, i32
  }
  func.func @transform_1(%arg0: i32) -> (i32, i32) {
    %c0_i32 = arith.constant 0 : i32
    %c0_i32_0 = arith.constant 0 : i32
    %c0_i32_1 = arith.constant 0 : i32
    return %c0_i32, %c0_i32_0 : i32, i32
  }
  func.func @transform_2(%arg0: i32) -> (i32, i32) {
    %c0_i32 = arith.constant 0 : i32
    %c0_i32_0 = arith.constant 0 : i32
    return %arg0, %c0_i32 : i32, i32
  }
}

module attributes {stable_mosaic.version = 14 : i64} {
  func.func @_scale_body(%arg0: i32, %arg1: memref<2x1024x128xf32, #tpu.memory_space<vmem>>, %arg2: memref<1024x128xf32, #tpu.memory_space<vmem>>, %arg3: memref<1024x128xf32, #tpu.memory_space<vmem>>) attributes {dimension_semantics = [#tpu.dimension_semantics<arbitrary>], iteration_bounds = array<i64: 10>, scalar_prefetch = 0 : i64, scratch_operands = 0 : i64, tpu.core_type = #tpu.core_type<tc>, window_params = [{transform_indices = @transform_0, window_bounds = array<i64: 2, 1024, 128>}, {transform_indices = @transform_1, window_bounds = array<i64: 1024, 128>}, {transform_indices = @transform_2, window_bounds = array<i64: 1024, 128>}]} {
    %get3A = arith.constant 0 : index
    %get3A_0 = arith.constant 0 : index
    %get3A_1 = arith.constant 0 : index
    %get3A_2 = vector.load %arg1[%get3A, %get3A_0, %get3A_1] : memref<2x1024x128xf32, #tpu.memory_space<vmem>>, vector<2x1024x128xf32>
    %slice3A = vector.extract_strided_slice %get3A_2 {offsets = [0, 0, 0], sizes = [1, 1024, 128], strides = [1, 1, 1]} : vector<2x1024x128xf32> to vector<1x1024x128xf32>
    %squeeze3A = vector.shape_cast %slice3A : vector<1x1024x128xf32> to vector<1024x128xf32>
    %slice3A_3 = vector.extract_strided_slice %get3A_2 {offsets = [1, 0, 0], sizes = [1, 1024, 128], strides = [1, 1, 1]} : vector<2x1024x128xf32> to vector<1x1024x128xf32>
    %squeeze3A_4 = vector.shape_cast %slice3A_3 : vector<1x1024x128xf32> to vector<1024x128xf32>
    %add3A = arith.addf %squeeze3A, %squeeze3A_4 : vector<1024x128xf32>
    %slice3A_5 = vector.extract_strided_slice %add3A {offsets = [0, 0], sizes = [1024, 1], strides = [1, 1]} : vector<1024x128xf32> to vector<1024x1xf32>
    %squeeze3A_6 = vector.shape_cast %slice3A_5 : vector<1024x1xf32> to vector<1024xf32>
    %max3A = arith.constant 1.000000e+00 : f32
    %max3A_7 = vector.broadcast %max3A : f32 to vector<1024xf32>
    %max3A_8 = arith.maximumf %squeeze3A_6, %max3A_7 : vector<1024xf32>
    %rsqrt3A = math.rsqrt %max3A_8 : vector<1024xf32>
    %get3A_9 = arith.constant 0 : index
    %get3A_10 = arith.constant 0 : index
    %get3A_11 = vector.load %arg2[%get3A_9, %get3A_10] : memref<1024x128xf32, #tpu.memory_space<vmem>>, vector<1024x128xf32>
    %broadcast_in_dim3A = vector.shape_cast %rsqrt3A : vector<1024xf32> to vector<1024x1xf32>
    %mul3A = vector.broadcast %broadcast_in_dim3A : vector<1024x1xf32> to vector<1024x128xf32>
    %mul3A_12 = arith.mulf %get3A_11, %mul3A : vector<1024x128xf32>
    %swap3A = arith.constant 0 : index
    %swap3A_13 = arith.constant 0 : index
    %swap3A_14 = vector.load %arg3[%swap3A, %swap3A_13] : memref<1024x128xf32, #tpu.memory_space<vmem>>, vector<1024x128xf32>
    tpu.vector_store %arg3[%swap3A, %swap3A_13], %mul3A_12 {strides = array<i32>} : memref<1024x128xf32, #tpu.memory_space<vmem>>, vector<1024x128xf32>,
    return
  }
  func.func @transform_0(%arg0: i32) -> (i32, i32, i32) {
    %c0_i32 = arith.constant 0 : i32
    %c0_i32_0 = arith.constant 0 : i32
    %c0_i32_1 = arith.constant 0 : i32
    return %c0_i32, %arg0, %c0_i32_0 : i32, i32, i32
  }
  func.func @transform_1(%arg0: i32) -> (i32, i32) {
    %c0_i32 = arith.constant 0 : i32
    %c0_i32_0 = arith.constant 0 : i32
    return %arg0, %c0_i32 : i32, i32
  }
  func.func @transform_2(%arg0: i32) -> (i32, i32) {
    %c0_i32 = arith.constant 0 : i32
    %c0_i32_0 = arith.constant 0 : i32
    return %arg0, %c0_i32 : i32, i32
  }
}

module attributes {stable_mosaic.version = 14 : i64} {
  func.func @_layer_mid_body(%arg0: i32, %arg1: memref<2x1024x128xf32, #tpu.memory_space<vmem>>, %arg2: memref<2x1024x128xf32, #tpu.memory_space<vmem>>, %arg3: memref<1x128xf32, #tpu.memory_space<vmem>>, %arg4: memref<128x128xf32, #tpu.memory_space<vmem>>, %arg5: memref<1024x128xf32, #tpu.memory_space<vmem>>) attributes {dimension_semantics = [#tpu.dimension_semantics<arbitrary>], iteration_bounds = array<i64: 10>, scalar_prefetch = 0 : i64, scratch_operands = 0 : i64, tpu.core_type = #tpu.core_type<tc>, window_params = [{transform_indices = @transform_0, window_bounds = array<i64: 2, 1024, 128>}, {transform_indices = @transform_1, window_bounds = array<i64: 2, 1024, 128>}, {pipeline_mode = #tpu.pipeline_mode<synchronous>, transform_indices = @transform_2, window_bounds = array<i64: 1, 128>}, {pipeline_mode = #tpu.pipeline_mode<synchronous>, transform_indices = @transform_3, window_bounds = array<i64: 128, 128>}, {transform_indices = @transform_4, window_bounds = array<i64: 1024, 128>}]} {
    %get3A = arith.constant 0 : index
    %get3A_0 = arith.constant 0 : index
    %get3A_1 = arith.constant 0 : index
    %get3A_2 = vector.load %arg2[%get3A, %get3A_0, %get3A_1] : memref<2x1024x128xf32, #tpu.memory_space<vmem>>, vector<2x1024x128xf32>
    %slice3A = vector.extract_strided_slice %get3A_2 {offsets = [0, 0, 0], sizes = [1, 1024, 128], strides = [1, 1, 1]} : vector<2x1024x128xf32> to vector<1x1024x128xf32>
    %squeeze3A = vector.shape_cast %slice3A : vector<1x1024x128xf32> to vector<1024x128xf32>
    %slice3A_3 = vector.extract_strided_slice %get3A_2 {offsets = [1, 0, 0], sizes = [1, 1024, 128], strides = [1, 1, 1]} : vector<2x1024x128xf32> to vector<1x1024x128xf32>
    %squeeze3A_4 = vector.shape_cast %slice3A_3 : vector<1x1024x128xf32> to vector<1024x128xf32>
    %add3A = arith.addf %squeeze3A, %squeeze3A_4 : vector<1024x128xf32>
    %slice3A_5 = vector.extract_strided_slice %add3A {offsets = [0, 0], sizes = [1024, 1], strides = [1, 1]} : vector<1024x128xf32> to vector<1024x1xf32>
    %squeeze3A_6 = vector.shape_cast %slice3A_5 : vector<1024x1xf32> to vector<1024xf32>
    %max3A = arith.constant 1.000000e+00 : f32
    %max3A_7 = vector.broadcast %max3A : f32 to vector<1024xf32>
    %max3A_8 = arith.maximumf %squeeze3A_6, %max3A_7 : vector<1024xf32>
    %rsqrt3A = math.rsqrt %max3A_8 : vector<1024xf32>
    %slice3A_9 = vector.extract_strided_slice %add3A {offsets = [0, 64], sizes = [1024, 1], strides = [1, 1]} : vector<1024x128xf32> to vector<1024x1xf32>
    %squeeze3A_10 = vector.shape_cast %slice3A_9 : vector<1024x1xf32> to vector<1024xf32>
    %max3A_11 = arith.constant 1.000000e+00 : f32
    %max3A_12 = vector.broadcast %max3A_11 : f32 to vector<1024xf32>
    %max3A_13 = arith.maximumf %squeeze3A_10, %max3A_12 : vector<1024xf32>
    %rsqrt3A_14 = math.rsqrt %max3A_13 : vector<1024xf32>
    %get3A_15 = arith.constant 0 : index
    %get3A_16 = arith.constant 0 : index
    %get3A_17 = arith.constant 0 : index
    %get3A_18 = vector.load %arg1[%get3A_15, %get3A_16, %get3A_17] : memref<2x1024x128xf32, #tpu.memory_space<vmem>>, vector<1x1024x128xf32>
    %get3A_19 = vector.shape_cast %get3A_18 : vector<1x1024x128xf32> to vector<1024x128xf32>
    %get3A_20 = arith.constant 1 : index
    %get3A_21 = arith.constant 0 : index
    %get3A_22 = arith.constant 0 : index
    %get3A_23 = vector.load %arg1[%get3A_20, %get3A_21, %get3A_22] : memref<2x1024x128xf32, #tpu.memory_space<vmem>>, vector<1x1024x128xf32>
    %get3A_24 = vector.shape_cast %get3A_23 : vector<1x1024x128xf32> to vector<1024x128xf32>
    %add3A_25 = arith.addf %get3A_19, %get3A_24 : vector<1024x128xf32>
    %broadcast_in_dim3A = vector.shape_cast %rsqrt3A_14 : vector<1024xf32> to vector<1024x1xf32>
    %mul3A = vector.broadcast %broadcast_in_dim3A : vector<1024x1xf32> to vector<1024x128xf32>
    %mul3A_26 = arith.mulf %add3A_25, %mul3A : vector<1024x128xf32>
    %get3A_27 = arith.constant 0 : index
    %get3A_28 = arith.constant 0 : index
    %get3A_29 = vector.load %arg3[%get3A_27, %get3A_28] : memref<1x128xf32, #tpu.memory_space<vmem>>, vector<1x128xf32>
    %add3A_30 = vector.broadcast %get3A_29 : vector<1x128xf32> to vector<1024x128xf32>
    %add3A_31 = arith.addf %mul3A_26, %add3A_30 : vector<1024x128xf32>
    %max3A_32 = arith.constant 0.000000e+00 : f32
    %max3A_33 = vector.broadcast %max3A_32 : f32 to vector<1024x128xf32>
    %max3A_34 = arith.maximumf %add3A_31, %max3A_33 : vector<1024x128xf32>
    %broadcast_in_dim3A_35 = vector.shape_cast %rsqrt3A : vector<1024xf32> to vector<1024x1xf32>
    %mul3A_36 = vector.broadcast %broadcast_in_dim3A_35 : vector<1024x1xf32> to vector<1024x128xf32>
    %mul3A_37 = arith.mulf %max3A_34, %mul3A_36 : vector<1024x128xf32>
    %get3A_38 = arith.constant 0 : index
    %get3A_39 = arith.constant 0 : index
    %get3A_40 = vector.load %arg4[%get3A_38, %get3A_39] : memref<128x128xf32, #tpu.memory_space<vmem>>, vector<128x128xf32>
    %dot_general3A = arith.constant dense<0.000000e+00> : vector<1024x128xf32>
    %dot_general3A_41 = tpu.matmul %mul3A_37, %get3A_40, %dot_general3A {dimension_numbers = #tpu.dot_dimension_numbers<[1], [0], [0], [1], [0, 0, 1, 1], [], []>, transpose_lhs_hint = false} : vector<1024x128xf32>, vector<128x128xf32>, vector<1024x128xf32> -> vector<1024x128xf32>
    %mul3A_42 = arith.constant 1024 : i32
    %mul3A_43 = arith.muli %arg0, %mul3A_42 : i32
    %iota3A = tpu.iota {dimensions = array<i32: 0>} : vector<1024x1xi32>
    %add3A_44 = vector.broadcast %mul3A_43 : i32 to vector<1024x1xi32>
    %add3A_45 = arith.addi %add3A_44, %iota3A : vector<1024x1xi32>
    %lt3A = arith.constant 10000 : i32
    %lt3A_46 = vector.broadcast %lt3A : i32 to vector<1024x1xi32>
    %lt3A_47 = arith.cmpi slt, %add3A_45, %lt3A_46 : vector<1024x1xi32>
    %jit3A = arith.constant 0.000000e+00 : f32
    %broadcast_in_dim3A_48 = vector.shape_cast %lt3A_47 : vector<1024x1xi1> to vector<1024x1xi1>
    %broadcast_in_dim3A_49 = vector.broadcast %broadcast_in_dim3A_48 : vector<1024x1xi1> to vector<1024x128xi1>
    %broadcast_in_dim3A_50 = vector.broadcast %jit3A : f32 to vector<1024x128xf32>
    %select_n3A = arith.select %broadcast_in_dim3A_49, %dot_general3A_41, %broadcast_in_dim3A_50 : vector<1024x128xi1>, vector<1024x128xf32>
    %swap3A = arith.constant 0 : index
    %swap3A_51 = arith.constant 0 : index
    %swap3A_52 = vector.load %arg5[%swap3A, %swap3A_51] : memref<1024x128xf32, #tpu.memory_space<vmem>>, vector<1024x128xf32>
    tpu.vector_store %arg5[%swap3A, %swap3A_51], %select_n3A {strides = array<i32>} : memref<1024x128xf32, #tpu.memory_space<vmem>>, vector<1024x128xf32>,
    return
  }
  func.func @transform_0(%arg0: i32) -> (i32, i32, i32) {
    %c0_i32 = arith.constant 0 : i32
    %c0_i32_0 = arith.constant 0 : i32
    %c0_i32_1 = arith.constant 0 : i32
    return %c0_i32, %arg0, %c0_i32_0 : i32, i32, i32
  }
  func.func @transform_1(%arg0: i32) -> (i32, i32, i32) {
    %c0_i32 = arith.constant 0 : i32
    %c0_i32_0 = arith.constant 0 : i32
    %c0_i32_1 = arith.constant 0 : i32
    return %c0_i32, %arg0, %c0_i32_0 : i32, i32, i32
  }
  func.func @transform_2(%arg0: i32) -> (i32, i32) {
    %c0_i32 = arith.constant 0 : i32
    %c0_i32_0 = arith.constant 0 : i32
    %c0_i32_1 = arith.constant 0 : i32
    return %c0_i32, %c0_i32_0 : i32, i32
  }
  func.func @transform_3(%arg0: i32) -> (i32, i32) {
    %c0_i32 = arith.constant 0 : i32
    %c0_i32_0 = arith.constant 0 : i32
    %c0_i32_1 = arith.constant 0 : i32
    return %c0_i32, %c0_i32_0 : i32, i32
  }
  func.func @transform_4(%arg0: i32) -> (i32, i32) {
    %c0_i32 = arith.constant 0 : i32
    %c0_i32_0 = arith.constant 0 : i32
    return %arg0, %c0_i32 : i32, i32
  }
}

module attributes {stable_mosaic.version = 14 : i64} {
  func.func @_layer_out_body(%arg0: i32, %arg1: memref<2x1024x128xf32, #tpu.memory_space<vmem>>, %arg2: memref<2x1024x128xf32, #tpu.memory_space<vmem>>, %arg3: memref<1x128xf32, #tpu.memory_space<vmem>>, %arg4: memref<1024x128xf32, #tpu.memory_space<vmem>>) attributes {dimension_semantics = [#tpu.dimension_semantics<arbitrary>], iteration_bounds = array<i64: 10>, scalar_prefetch = 0 : i64, scratch_operands = 0 : i64, tpu.core_type = #tpu.core_type<tc>, window_params = [{transform_indices = @transform_0, window_bounds = array<i64: 2, 1024, 128>}, {transform_indices = @transform_1, window_bounds = array<i64: 2, 1024, 128>}, {pipeline_mode = #tpu.pipeline_mode<synchronous>, transform_indices = @transform_2, window_bounds = array<i64: 1, 128>}, {transform_indices = @transform_3, window_bounds = array<i64: 1024, 128>}]} {
    %get3A = arith.constant 0 : index
    %get3A_0 = arith.constant 0 : index
    %get3A_1 = arith.constant 0 : index
    %get3A_2 = vector.load %arg2[%get3A, %get3A_0, %get3A_1] : memref<2x1024x128xf32, #tpu.memory_space<vmem>>, vector<2x1024x128xf32>
    %slice3A = vector.extract_strided_slice %get3A_2 {offsets = [0, 0, 0], sizes = [1, 1024, 128], strides = [1, 1, 1]} : vector<2x1024x128xf32> to vector<1x1024x128xf32>
    %squeeze3A = vector.shape_cast %slice3A : vector<1x1024x128xf32> to vector<1024x128xf32>
    %slice3A_3 = vector.extract_strided_slice %get3A_2 {offsets = [1, 0, 0], sizes = [1, 1024, 128], strides = [1, 1, 1]} : vector<2x1024x128xf32> to vector<1x1024x128xf32>
    %squeeze3A_4 = vector.shape_cast %slice3A_3 : vector<1x1024x128xf32> to vector<1024x128xf32>
    %add3A = arith.addf %squeeze3A, %squeeze3A_4 : vector<1024x128xf32>
    %slice3A_5 = vector.extract_strided_slice %add3A {offsets = [0, 64], sizes = [1024, 1], strides = [1, 1]} : vector<1024x128xf32> to vector<1024x1xf32>
    %squeeze3A_6 = vector.shape_cast %slice3A_5 : vector<1024x1xf32> to vector<1024xf32>
    %max3A = arith.constant 1.000000e+00 : f32
    %max3A_7 = vector.broadcast %max3A : f32 to vector<1024xf32>
    %max3A_8 = arith.maximumf %squeeze3A_6, %max3A_7 : vector<1024xf32>
    %rsqrt3A = math.rsqrt %max3A_8 : vector<1024xf32>
    %get3A_9 = arith.constant 0 : index
    %get3A_10 = arith.constant 0 : index
    %get3A_11 = arith.constant 0 : index
    %get3A_12 = vector.load %arg1[%get3A_9, %get3A_10, %get3A_11] : memref<2x1024x128xf32, #tpu.memory_space<vmem>>, vector<1x1024x128xf32>
    %get3A_13 = vector.shape_cast %get3A_12 : vector<1x1024x128xf32> to vector<1024x128xf32>
    %get3A_14 = arith.constant 1 : index
    %get3A_15 = arith.constant 0 : index
    %get3A_16 = arith.constant 0 : index
    %get3A_17 = vector.load %arg1[%get3A_14, %get3A_15, %get3A_16] : memref<2x1024x128xf32, #tpu.memory_space<vmem>>, vector<1x1024x128xf32>
    %get3A_18 = vector.shape_cast %get3A_17 : vector<1x1024x128xf32> to vector<1024x128xf32>
    %add3A_19 = arith.addf %get3A_13, %get3A_18 : vector<1024x128xf32>
    %broadcast_in_dim3A = vector.shape_cast %rsqrt3A : vector<1024xf32> to vector<1024x1xf32>
    %mul3A = vector.broadcast %broadcast_in_dim3A : vector<1024x1xf32> to vector<1024x128xf32>
    %mul3A_20 = arith.mulf %add3A_19, %mul3A : vector<1024x128xf32>
    %get3A_21 = arith.constant 0 : index
    %get3A_22 = arith.constant 0 : index
    %get3A_23 = vector.load %arg3[%get3A_21, %get3A_22] : memref<1x128xf32, #tpu.memory_space<vmem>>, vector<1x128xf32>
    %add3A_24 = vector.broadcast %get3A_23 : vector<1x128xf32> to vector<1024x128xf32>
    %add3A_25 = arith.addf %mul3A_20, %add3A_24 : vector<1024x128xf32>
    %swap3A = arith.constant 0 : index
    %swap3A_26 = arith.constant 0 : index
    %swap3A_27 = vector.load %arg4[%swap3A, %swap3A_26] : memref<1024x128xf32, #tpu.memory_space<vmem>>, vector<1024x128xf32>
    tpu.vector_store %arg4[%swap3A, %swap3A_26], %add3A_25 {strides = array<i32>} : memref<1024x128xf32, #tpu.memory_space<vmem>>, vector<1024x128xf32>,
    return
  }
  func.func @transform_0(%arg0: i32) -> (i32, i32, i32) {
    %c0_i32 = arith.constant 0 : i32
    %c0_i32_0 = arith.constant 0 : i32
    %c0_i32_1 = arith.constant 0 : i32
    return %c0_i32, %arg0, %c0_i32_0 : i32, i32, i32
  }
  func.func @transform_1(%arg0: i32) -> (i32, i32, i32) {
    %c0_i32 = arith.constant 0 : i32
    %c0_i32_0 = arith.constant 0 : i32
    %c0_i32_1 = arith.constant 0 : i32
    return %c0_i32, %arg0, %c0_i32_0 : i32, i32, i32
  }
  func.func @transform_2(%arg0: i32) -> (i32, i32) {
    %c0_i32 = arith.constant 0 : i32
    %c0_i32_0 = arith.constant 0 : i32
    %c0_i32_1 = arith.constant 0 : i32
    return %c0_i32, %c0_i32_0 : i32, i32
  }
  func.func @transform_3(%arg0: i32) -> (i32, i32) {
    %c0_i32 = arith.constant 0 : i32
    %c0_i32_0 = arith.constant 0 : i32
    return %arg0, %c0_i32 : i32, i32
  }
}

</mosaic_0001>

<sc_bundles>
// kernel: kernel.12.cloned.1.call-start
scs
__scs_entry_jumppad:
0x0: {  	(pc) =	sbr.rel $0x88, $3  }
0x1: {  	(tag) =	ssettag $0x0;
	lr =	simm.s32 $0x1  }
0x2: {  	[smem:$0x3F9B] =	sst lr;
	_ =	strace $0xD0000000  }
0x3: {  	_ = 	snop  }
0x4: {  	_ = 	snop  }
0x5: {  	_ = 	snop  }
0x6: {  	_ = 	snop  }
0x7: {  	_ = 	snop  }
__scs_overlays_trampoline_lowered:
0x8: {  	[smem:$0x3FAA] =	sst s0  }
0x9: {  	[smem:$0x3FAB] =	sst s1  }
0xa: {  	[smem:$0x3FAC] =	sst s2  }
0xb: {  	[smem:$0x3FAD] =	sst s3  }
0xc: {  	[smem:$0x3FAE] =	sst s4  }
0xd: {  	[smem:$0x3FAF] =	sst s5  }
0xe: {  	[smem:$0x3FB0] =	sst s6  }
0xf: {  	[smem:$0x3FB1] =	sst s7  }
0x10: {  	[smem:$0x3FB2] =	sst s8  }
0x11: {  	[smem:$0x3FB3] =	sst s9;
	s0 =	simm.s32 @!p0 $0x0  }
0x12: {  	s1 =	sld [smem:$0x3F99];
	s0 =	simm.s32 @p0 $0x1  }
0x13: {  	[smem:$0x3FB4] =	sst s0;
	s0 =	simm.s32 @!p1 $0x0  }
0x14: {  	s2 =	sld [smem:$0x3F98];
	s0 =	simm.s32 @p1 $0x1  }
0x15: {  	[smem:$0x3FB5] =	sst s0;
	s0 =	simm.s32 @!p2 $0x0  }
0x16: {  	s3 =	sld [smem:$0x3FDB];
	s0 =	simm.s32 @p2 $0x1  }
0x17: {  	s4 =	simm.s32 $0x1BF5;
	[smem:$0x3FB7] =	sst s0  }
0x18: {  	s0 =	sld [smem:$0x3F9A];
	_ =	swait.ge [sflag:s4], $0x0  }
0x19: {  	s7 =	sld [smem:$0x3F9B]  }
0x1a: {  	s8 =	sadd.s32 $0xFFFFE003, lr  }
0x1b: {  	s9 =	sadd.s32 $0xFFFFFEF7, lr;
	s5 =	simm.s32 $0xFFFFFFFF;
	p2 =	slt.u32 s8, $0xFFFFF086  }
0x1c: {  	p1 =	slt.u32 s9, $0xF7A;
	s5 =	simm.s32 @!p2 $0x0  }
0x1d: {  	s5 =	simm.s32 @p1 $0x1;
	p0 =	seq.s32 s7, s2  }
0x1e: {  	s7 =	smul.u32 @!p0 $0xF7A, s2;
	p2 =	seq.s32 @!p0 s5, $0x0  }
0x1f: {  	s9 =	smul.u32 $0xF7A, s1;
	s8 =	simm.s32 @!p0 $0x1BF5;
	p2 =	por !p2, p0  }
0x20: {  	[sflag:s8] =	ssyncset.s32 @!p0 $0xFFFFF086;
	s6 =	sadd.s32 @!p0 s3, s7;
	s7 =	simm.s32 @!p0 $0x108  }
0x21: {  	s3 =	sadd.s32 s3, s9;
	s6 =	sadd.s32 @!p0 $0x88, s6;
	s7 =	simm.s32 @p2 $0x1082  }
0x22: {  	[simem:s7], [sflag:s8] =	dma.local @!p0 [hbm:s6], $0xF7A  }
0x23: {  	s9 =	sor.u32 $0xD0000000, s2;
	s6 =	simm.s32 $0x108;
	_ =	swait.ge @!p0 [sflag:s8], $0x0  }
0x24: {  	s3 =	sadd.s32 $0x88, s3;
	s6 =	simm.s32 @!p1 $0x1082;
	[sflag:s4] =	ssyncset.s32 $0xFFFFF086  }
0x25: {  	[simem:s6], [sflag:s4] =	dma.local [hbm:s3], $0xF7A  }
0x26: {  	[smem:$0x3F9B] =	sst s1;
	(tag) =	ssettag s2;
	_ =	strace s9  }
0x27: {  	s1 =	sld [smem:$0x3FAB]  }
0x28: {  	s2 =	sld [smem:$0x3FAC]  }
0x29: {  	s4 =	sld [smem:$0x3FAE]  }
0x2a: {  	p0 =	seq.s32 s5, $0x0;
	s5 =	sld [smem:$0x3FAF]  }
0x2b: {  	s6 =	sld [smem:$0x3FB0]  }
0x2c: {  	s7 =	sld [smem:$0x3FB1]  }
0x2d: {  	s3 =	simm.s32 $0x108;
	s8 =	sld [smem:$0x3FB2]  }
0x2e: {  	s3 =	simm.s32 @!p0 $0x1082;
	s9 =	sld [smem:$0x3FB3]  }
0x2f: {  	lr =	sadd.s32 s0, s3;
	s0 =	sld [smem:$0x3FAA]  }
0x30: {  	s3 =	sld [smem:$0x3FAD]  }
0x31: {  	[smem:$0x3FB6] =	sst s10  }
0x32: {  	s10 =	sld [smem:$0x3FB4];
	_ =	sdelay $0x3  }
0x33: {  	p0 =	seq.s32 s10, $0x1;
	s10 =	sld [smem:$0x3FB6];
	_ =	sdelay $0x3  }
0x34: {  	[smem:$0x3FB6] =	sst s10  }
0x35: {  	s10 =	sld [smem:$0x3FB5];
	_ =	sdelay $0x3  }
0x36: {  	p1 =	seq.s32 s10, $0x1;
	s10 =	sld [smem:$0x3FB6];
	_ =	sdelay $0x3  }
0x37: {  	[smem:$0x3FB6] =	sst s10  }
0x38: {  	s10 =	sld [smem:$0x3FB7]  }
0x39: {  	_ = 	snop;
	(pc) =	sbr.ind lr, $3  }
0x3a: {  	_ = 	snop  }
0x3b: {  	_ = 	snop  }
0x3c: {  	p2 =	seq.s32 s10, $0x1;
	s10 =	sld [smem:$0x3FB6]  }
0x3d: {  	_ =	shalt  }
0x3e: {  	_ =	shalt  }
0x3f: {  	_ =	shalt  }
0x40: {  	_ =	shalt  }
0x41: {  	_ =	shalt  }
0x42: {  	_ =	shalt  }
0x43: {  	_ =	shalt  }
0x44: {  	_ =	shalt  }
0x45: {  	_ =	shalt  }
0x46: {  	_ =	shalt  }
0x47: {  	_ =	shalt  }
0x48: {  	_ =	shalt  }
0x49: {  	_ =	shalt  }
0x4a: {  	_ =	shalt  }
0x4b: {  	_ =	shalt  }
0x4c: {  	_ =	shalt  }
0x4d: {  	_ =	shalt  }
0x4e: {  	_ =	shalt  }
0x4f: {  	_ =	shalt  }
0x50: {  	_ =	shalt  }
0x51: {  	_ =	shalt  }
0x52: {  	_ =	shalt  }
0x53: {  	_ =	shalt  }
0x54: {  	_ =	shalt  }
0x55: {  	_ =	shalt  }
0x56: {  	_ =	shalt  }
0x57: {  	_ =	shalt  }
0x58: {  	_ =	shalt  }
0x59: {  	_ =	shalt  }
0x5a: {  	_ =	shalt  }
0x5b: {  	_ =	shalt  }
0x5c: {  	_ =	shalt  }
0x5d: {  	_ =	shalt  }
0x5e: {  	_ =	shalt  }
0x5f: {  	_ =	shalt  }
0x60: {  	_ =	shalt  }
0x61: {  	_ =	shalt  }
0x62: {  	_ =	shalt  }
0x63: {  	_ =	shalt  }
0x64: {  	_ =	shalt  }
0x65: {  	_ =	shalt  }
0x66: {  	_ =	shalt  }
0x67: {  	_ =	shalt  }
0x68: {  	_ =	shalt  }
0x69: {  	_ =	shalt  }
0x6a: {  	_ =	shalt  }
0x6b: {  	_ =	shalt  }
0x6c: {  	_ =	shalt  }
0x6d: {  	_ =	shalt  }
0x6e: {  	_ =	shalt  }
0x6f: {  	_ =	shalt  }
0x70: {  	_ =	shalt  }
0x71: {  	_ =	shalt  }
0x72: {  	_ =	shalt  }
0x73: {  	_ =	shalt  }
0x74: {  	_ =	shalt  }
0x75: {  	_ =	shalt  }
0x76: {  	_ =	shalt  }
0x77: {  	_ =	shalt  }
0x78: {  	_ =	shalt  }
0x79: {  	_ =	shalt  }
0x7a: {  	_ =	shalt  }
0x7b: {  	_ =	shalt  }
0x7c: {  	_ =	shalt  }
0x7d: {  	_ =	shalt  }
0x7e: {  	_ =	shalt  }
0x7f: {  	_ =	shalt  }
0x80: {  	_ =	shalt  }
0x81: {  	_ =	shalt  }
0x82: {  	_ =	shalt  }
0x83: {  	_ =	shalt  }
0x84: {  	_ =	shalt  }
0x85: {  	_ =	shalt  }
0x86: {  	_ =	shalt  }
0x87: {  	_ =	shalt  }
.Lfunc_end0:
.L_simem_size_0:
called_computation.1_lowered:
.L_overlay_start_0:
0x88: {  	s2 =	sld [smem:$0x3FD9]  }
0x89: {  	s3 =	sld [smem:$0x3FFE];
	_ =	sdelay $0x1  }
0x8a: {  	s1 =	srdreg.scid  }
0x8b: {  	s0 =	sand.u32 $0x1, s1  }
0x8c: {  	s16 =	sshll.u32 s0, $0xA;
	s2 =	sadd.s32 s3, s2  }
0x8d: {  	s2 =	sadd.s32 s2, s16  }
0x8e: {  	[smem:$0x3FC2] =	sst s2  }
0x8f: {  	_ = 	snop  }
0x90: {  	(tm) =	ssettm $0x1  }
0x91: {  	s17 =	sld [smem:$0x3FFB];
	_ =	sdelay $0x3  }
0x92: {  	_ =	strace s17  }
0x93: {  	s2 =	sld [smem:$0x3FFC];
	_ =	sdelay $0x3  }
0x94: {  	_ =	strace s2  }
0x95: {  	s2 =	sld [smem:$0x3FFD];
	_ =	sdelay $0x3  }
0x96: {  	_ =	strace s2  }
0x97: {  	_ =	strace $0x8FFFFFFF  }
0x98: {  	s18 =	sld [smem:$0x3FDB];
	_ =	sdelay $0x1  }
0x99: {  	s19 =	simm.s32 $_scs_section_size  }
0x9a: {  	s4 =	simm.s32 $_size__tile_overlayer_lowered;
	s5 =	simm.s32 $_tile_overlayer_lowered  }
0x9b: {  	s22 =	simm.s32 $0x1BFF;
	s21 =	sshll.u32 s5, $0x1;
	s2 =	sadd.s32 s19, s18  }
0x9c: {  	s6 =	simm.s32 $0x0;
	s20 =	sshll.u32 s4, $0x1;
	s4 =	sadd.s32 s21, s2  }
0x9d: {  	[timem:s6], [sflag:s22] =	dma.local [hbm:s4], s20  }
0x9e: {  	_ =	swait.ge [sflag:s22], s20  }
0x9f: {  	s3 =	ssub.s32 $0x0, s20;
	[sflag:s22] =	ssyncset.done $0x0  }
0xa0: {  	[sflag:s22] =	ssyncadd.s32 s3;
	_ =	sdelay $0x1  }
0xa1: {  	s23 =	simm.s32 $0x1B8B  }
0xa2: {  	_ =	swait.ge [sflag:s23], $0x1  }
0xa3: {  	[sflag:s23] =	ssyncset.done $0x0  }
0xa4: {  	s25 =	simm.s32 $0x1B8E;
	s24 =	sld [smem:$0x3FFE];
	[sflag:s23] =	ssyncadd.s32 $0xFFFFFFFF  }
0xa5: {  	s26 =	simm.s32 $execute0_lowered;
	[smem:$0x3FD2] =	sst s25  }
0xa6: {  	s4 =	sshll.u32 s26, $0x1;
	_ =	strace $0x80000049;
	[dreg:$0x1] =	wrdreg $0xFFFFFFFF  }
0xa7: {  	s28 =	simm.s32 $_size_execute0_lowered;
	s2 =	sadd.s32 s2, s4;
	[dreg:$0x0] =	wrdreg $0x0  }
0xa8: {  	s4 =	sshll.u32 s28, $0x1;
	[dreg:$0x2] =	wrdreg s2  }
0xa9: {  	[dreg:$0x3] =	wrdreg s4  }
0xaa: {  	[dreg:$0x4] =	wrdreg $0xC0  }
0xab: {  	_ =	task [dreg:s6], $0x5FFFF  }
0xac: {  	[dreg:$0x1] =	wrdreg $0xFFFFFFFF  }
0xad: {  	[dreg:$0x0] =	wrdreg $0x60  }
0xae: {  	[dreg:$0x2] =	wrdreg s24  }
0xaf: {  	[dreg:$0x3] =	wrdreg $0x0  }
0xb0: {  	[dreg:$0x4] =	wrdreg $0x9  }
0xb1: {  	_ =	task.clear_ibuf [dreg:s6], $0x5FFFF;
	_ =	strace $0x90000049  }
0xb2: {  	s29 =	simm.s32 $0x9;
	_ =	strace $0x8000004B  }
0xb3: {  	_ =	swait.ge [sflag:s29], $0x1  }
0xb4: {  	[sflag:s29] =	ssyncadd.s32 $0xFFFFFFFF  }
0xb5: {  	_ =	strace $0x9000004B  }
0xb6: {  	_ =	sfence  }
0xb7: {  	s30 =	sld [smem:$0x0];
	_ =	sdelay $0x2  }
0xb8: {  	s31 =	sshll.u32 s1, $0xD;
	s1 =	sshrl.u32 s1, $0x2  }
0xb9: {  	s3 =	sand.u32 $0x4000, s31;
	s1 =	sadd.s32 s1, s30  }
0xba: {  	s0 =	sor.u32 s3, s0;
	s1 =	sshll.u32 s1, $0x11  }
0xbb: {  	s0 =	sor.u32 s1, s0  }
0xbc: {  	s0 =	sadd.s32 $0x8F2B, s0  }
0xbd: {  	[sflag:s0] =	ssyncadd.remote.s32 $0x1  }
0xbe: {  	_ =	sfence.sel $0xFFFF  }
0xbf: {  	[dreg:$0x0] =	wrdreg $0xFFFFFFFF;
	(pc) =	sbr.abs _section_cstart, $3  }
0xc0: {  	[dreg:$0x1] =	wrdreg $0xFFFFFFFF  }
0xc1: {  	_ =	task.clear_ibuf [dreg:s6], $0x2FFFF;
	_ =	strace $0x9FFFFFFF  }
0xc2: {  	(tm) =	ssettm $0x7FFFFFFF  }
0xc3: {  	_ =	shalt  }
tec
execute0_lowered:
.L_overlay_start_1:
0x0: {  	(tag) =	ssettag $0x1  }
0x1: {  	s0 =	rddreg [dreg:$0x0]  }
0x2: {  	s1 =	rddreg [dreg:$0x1]  }
0x3: {  	s2 =	srdreg.scid;
	s3 =	simm.s32 $0x0;
	s11 =	stileid.u32  }
0x4: {  	s16 =	simm.s32 $0x80;
	s17 =	simm.s32 $0x16800;
	s18 =	simm.s32 $0x16C00  }
0x5: {  	s19 =	simm.s32 $0x4;
	s20 =	simm.s32 $0x16880;
	s28 =	simm.s32 $0x1AC00  }
0x6: {  	s29 =	simm.s32 $0x2;
	s30 =	simm.s32 $0x3;
	s31 =	simm.s32 $0x15380  }
0x7: {  	s2 =	sand.u32 $0x1, s2;
	[smem:$0x7FF] =	sst s3;
	s6 =	smul.u32 $0x14000, s11  }
0x8: {  	s4 =	sadd.s32 $0x7A400, s0;
	s7 =	sadd.s32 $0xC400, s0;
	s5 =	smul.u32 $0x140000, s2  }
0x9: {  	s8 =	sadd.s32 $0x2400, s0;
	s9 =	ssub.s32 $0x2, s2;
	s2 =	sshll.u32 s2, $0x4  }
0xa: {  	_ =	strace $0x8000004A;
	s2 =	sor.u32 s11, s2;
	s5 =	sadd.s32 s5, s6  }
0xb: {  	s10 =	sshrl.u32 s9, $0x1;
	s2 =	smul.u32 $0x2800, s2;
	s6 =	sshrl.u32 s5, $0x3  }
0xc: {  	s21 =	ssub.s32 s9, s10;
	s5 =	smul.u32 $0x280, s11;
	s0 =	sadd.s32 s6, s0  }
0xd: {  	s6 =	smax.u32 s21, $0x1;
	s2 =	sshrl.u32 s2, $0x3;
	s21 =	simm.s32 $0x16900  }
0xe: {  	[dreg:$0x3] =	wrdreg s6;
	s22 =	sadd.s32 $0xA2400, s0;
	s23 =	sadd.s32 $0xA2C00, s0  }
0xf: {  	s24 =	sadd.s32 $0xA3400, s0;
	s25 =	sadd.s32 $0xA3C00, s0;
	[dreg:$0x4] =	wrdreg s22  }
0x10: {  	s0 =	sadd.s32 $0xA4400, s0;
	s12 =	sadd.s32 s7, s2;
	[dreg:$0x5] =	wrdreg s23  }
0x11: {  	s26 =	sadd.s32 $0x280, s2;
	s13 =	sadd.s32 s8, s2;
	[dreg:$0x6] =	wrdreg s24  }
0x12: {  	s2 =	simm.s32 $0x16780;
	s6 =	simm.s32 $0x0;
	[dreg:$0x7] =	wrdreg s25  }
0x13: {  	[dreg:$0x8] =	wrdreg s0;
	s14 =	sadd.s32 s7, s26;
	s15 =	sadd.s32 s8, s26  }
0x14: {  	s22 =	simm.s32 $0x16980;
	s23 =	simm.s32 $0x16A00;
	s24 =	simm.s32 $0x14000  }
0x15: {  	v0 =	vimm.f32 $0.0e+00;
	v1 =	vlaneseq.u32;
	s25 =	simm.s32 $0x1;
	s26 =	simm.s32 $0x15400;
	s0 =	simm.s32 $0x16700  }
.LBB2_1:
0x16: {  	s7 =	simm.s32 $0x0;
	s8 =	simm.s32 $0x200  }
.LBB2_2:
0x17: {  	p0 =	sne.s32 s8, $0xFE00;
	[tilespmem:s7+$0x16C70] =	vst v0  }
0x18: {  	[tilespmem:s7+$0x16C00] =	vst v0  }
0x19: {  	[tilespmem:s7+$0x16C10] =	vst v0  }
.Ltmp0:
0x1a: {  	[tilespmem:s7+$0x16C20] =	vst v0;
	(pc) =	sbr.rel @p0 .LBB2_2-.Ltmp0, $4  }
0x1b: {  	[tilespmem:s7+$0x16C30] =	vst v0  }
0x1c: {  	[tilespmem:s7+$0x16C40] =	vst v0  }
0x1d: {  	[tilespmem:s7+$0x16C50] =	vst v0  }
0x1e: {  	[tilespmem:s7+$0x16C60] =	vst v0;
	s7 =	sshra.s32 s8, $0x2;
	s8 =	sadd.s32 $0x200, s8  }
0x1f: {  	[tilespmem:s7+$0x16C70] =	vst v0  }
0x20: {  	[tilespmem:s7+$0x16C00] =	vst v0  }
0x21: {  	[tilespmem:s7+$0x16C10] =	vst v0  }
0x22: {  	[tilespmem:s7+$0x16C20] =	vst v0  }
0x23: {  	[tilespmem:s7+$0x16C30] =	vst v0;
	s8 =	simm.s32 $0x0  }
0x24: {  	[tilespmem:s7+$0x16C40] =	vst v0;
	s9 =	sand.u32 $0xE00, s8  }
0x25: {  	[tilespmem:s7+$0x16C50] =	vst v0;
	s11 =	sadd.s32 $0x0, s5;
	s10 =	sand.u32 $0x70, s8;
	s9 =	sshrl.u32 s9, $0x2  }
0x26: {  	[tilespmem:s7+$0x16C60] =	vst v0;
	s7 =	simm.s32 $0x40;
	v2 =	vor.u32 s11, v1;
	s9 =	sor.u32 s10, s9  }
.LBB2_4:
0x27: {  	p0 =	sne.s32 s7, $0x9C0  }
0x28: {  	[tilespmem:s9+$0x16800] =	vst v2;
	s8 =	sadd.s32 $0x10, s8;
	s9 =	smov.u32 s7;
	s7 =	sadd.s32 $0x40, s7  }
.Ltmp1:
0x29: {  	(pc) =	sbr.rel @p0 .LBB2_4-.Ltmp1, $4  }
0x2a: {  	_ = 	snop  }
0x2b: {  	s9 =	sand.u32 $0xE00, s9  }
0x2c: {  	s10 =	sand.u32 $0x70, s8;
	s11 =	sadd.s32 s8, s5;
	s9 =	sshrl.u32 s9, $0x2  }
0x2d: {  	v2 =	vor.u32 s11, v1;
	s9 =	sor.u32 s10, s9  }
0x2e: {  	[tilespmem:s9+$0x16800] =	vst v2  }
0x2f: {  	[spmem:s1] =	stream.indirect.scatter [tilespmem:s18], [sflag:$0x4], $0x80, s17, s16, $0xb8;
	[tilespmem:$0x1EC00] =	vst v63  }
0x30: {  	_ =	swait.ge [sflag:s19], $0x4000  }
0x31: {  	[sflag:s19] =	ssyncset.done $0x0  }
0x32: {  	[sflag:s19] =	ssyncadd.s32 $0xFFFFC000  }
0x33: {  	[spmem:s1] =	stream.indirect.scatter [tilespmem:s18], [sflag:$0x4], $0x80, s20, s16, $0xb8;
	[tilespmem:$0x1EC00] =	vst v63  }
0x34: {  	_ =	swait.ge [sflag:s19], $0x4000  }
0x35: {  	[sflag:s19] =	ssyncset.done $0x0  }
0x36: {  	[sflag:s19] =	ssyncadd.s32 $0xFFFFC000  }
0x37: {  	[spmem:s1] =	stream.indirect.scatter [tilespmem:s18], [sflag:$0x4], $0x80, s21, s16, $0xb8;
	[tilespmem:$0x1EC00] =	vst v63  }
0x38: {  	_ =	swait.ge [sflag:s19], $0x4000  }
0x39: {  	[sflag:s19] =	ssyncset.done $0x0  }
0x3a: {  	[sflag:s19] =	ssyncadd.s32 $0xFFFFC000  }
0x3b: {  	[spmem:s1] =	stream.indirect.scatter [tilespmem:s18], [sflag:$0x4], $0x80, s22, s16, $0xb8;
	[tilespmem:$0x1EC00] =	vst v63  }
0x3c: {  	_ =	swait.ge [sflag:s19], $0x4000  }
0x3d: {  	[sflag:s19] =	ssyncset.done $0x0  }
0x3e: {  	[sflag:s19] =	ssyncadd.s32 $0xFFFFC000  }
0x3f: {  	[spmem:s1] =	stream.indirect.scatter [tilespmem:s18], [sflag:$0x4], $0x80, s23, s16, $0xb8;
	[tilespmem:$0x1EC00] =	vst v63  }
0x40: {  	_ =	swait.ge [sflag:s19], $0x4000  }
0x41: {  	[sflag:s19] =	ssyncset.done $0x0  }
0x42: {  	[sflag:s19] =	ssyncadd.s32 $0xFFFFC000  }
0x43: {  	s7 =	simm.s32 $0x0;
	[bflag:$0x0] =	sbarrier.arrive $0xFFFF  }
0x44: {  	[tilespmem:s24], [sflag:$0x1] =	stream.linear.gather [hbm4b:s12+s7], $0x1400, $0x38;
	[tilespmem:$0x1EC00] =	vst v63  }
0x45: {  	_ =	swait.ge [sflag:s25], $0x1400  }
0x46: {  	[sflag:s25] =	ssyncset.done $0x0  }
0x47: {  	[sflag:s25] =	ssyncadd.s32 $0xFFFFEC00  }
0x48: {  	[tilespmem:s26], [sflag:$0x1] =	stream.linear.gather [hbm4b:s13+s7], $0x1400, $0x38;
	[tilespmem:$0x1EC00] =	vst v63  }
0x49: {  	_ =	swait.ge [sflag:s25], $0x1400  }
0x4a: {  	[sflag:s25] =	ssyncset.done $0x0  }
0x4b: {  	[sflag:s25] =	ssyncadd.s32 $0xFFFFEC00  }
0x4c: {  	[tilespmem:s18], [sflag:$0x2] =	stream.indirect.gather [hbm4b:s4+s16], $0x80, s24, s16, $0xb8;
	[tilespmem:$0x1EC00] =	vst v63  }
0x4d: {  	s8 =	simm.s32 $0x14080  }
0x4e: {  	[tilespmem:s28], [sflag:$0x3] =	stream.indirect.gather [hbm4b:s4+s16], $0x80, s8, s16, $0xb8;
	[tilespmem:$0x1EC00] =	vst v63  }
0x4f: {  	_ =	swait.ge [sflag:s29], $0x4000  }
0x50: {  	[sflag:s29] =	ssyncset.done $0x0  }
0x51: {  	s9 =	simm.s32 $0x15400;
	[sflag:s29] =	ssyncadd.s32 $0xFFFFC000  }
0x52: {  	[spmem:s1] =	stream.indirect.scatter.add.f32 [tilespmem:s18], [sflag:$0x4], $0x80, s9, s16, $0xb8;
	[tilespmem:$0x1EC00] =	vst v63  }
0x53: {  	_ =	swait.ge [sflag:s19], $0x4000  }
0x54: {  	[sflag:s19] =	ssyncset.done $0x0  }
0x55: {  	s10 =	simm.s32 $0x14100;
	[sflag:s19] =	ssyncadd.s32 $0xFFFFC000  }
0x56: {  	[tilespmem:s18], [sflag:$0x2] =	stream.indirect.gather [hbm4b:s4+s16], $0x80, s10, s16, $0xb8;
	[tilespmem:$0x1EC00] =	vst v63  }
0x57: {  	_ =	swait.ge [sflag:s30], $0x4000  }
0x58: {  	[sflag:s30] =	ssyncset.done $0x0  }
0x59: {  	s11 =	simm.s32 $0x15480;
	[sflag:s30] =	ssyncadd.s32 $0xFFFFC000  }
0x5a: {  	[spmem:s1] =	stream.indirect.scatter.add.f32 [tilespmem:s28], [sflag:$0x4], $0x80, s11, s16, $0xb8;
	[tilespmem:$0x1EC00] =	vst v63  }
0x5b: {  	_ =	swait.ge [sflag:s19], $0x4000  }
0x5c: {  	s7 =	simm.s32 $0x100;
	s8 =	simm.s32 $0x800;
	[sflag:s19] =	ssyncset.done $0x0  }
.LBB2_6:
0x5d: {  	s9 =	sadd.s32 $0x14080, s7  }
0x5e: {  	[sflag:s19] =	ssyncadd.s32 $0xFFFFC000;
	s10 =	smov.u32 s8;
	s11 =	sadd.s32 $0x400, s8  }
0x5f: {  	[tilespmem:s28], [sflag:$0x3] =	stream.indirect.gather [hbm4b:s4+s16], $0x80, s9, s16, $0xb8;
	[tilespmem:$0x1EC00] =	vst v63  }
0x60: {  	p0 =	sne.s32 s8, $0x4800;
	_ =	swait.ge [sflag:s29], $0x4000  }
0x61: {  	[sflag:s29] =	ssyncset.done $0x0  }
0x62: {  	s8 =	sadd.s32 $0x15400, s7;
	[sflag:s29] =	ssyncadd.s32 $0xFFFFC000  }
0x63: {  	[spmem:s1] =	stream.indirect.scatter.add.f32 [tilespmem:s18], [sflag:$0x4], $0x80, s8, s16, $0xb8;
	[tilespmem:$0x1EC00] =	vst v63  }
0x64: {  	_ =	swait.ge [sflag:s19], $0x4000  }
0x65: {  	[sflag:s19] =	ssyncset.done $0x0  }
0x66: {  	s8 =	sadd.s32 $0x14100, s7;
	[sflag:s19] =	ssyncadd.s32 $0xFFFFC000  }
0x67: {  	[tilespmem:s18], [sflag:$0x2] =	stream.indirect.gather [hbm4b:s4+s16], $0x80, s8, s16, $0xb8;
	[tilespmem:$0x1EC00] =	vst v63  }
0x68: {  	_ =	swait.ge [sflag:s30], $0x4000  }
.Ltmp2:
0x69: {  	[sflag:s30] =	ssyncset.done $0x0;
	(pc) =	sbr.rel @p0 .LBB2_6-.Ltmp2, $4  }
0x6a: {  	s7 =	sadd.s32 $0x15480, s7;
	[sflag:s30] =	ssyncadd.s32 $0xFFFFC000  }
0x6b: {  	[spmem:s1] =	stream.indirect.scatter.add.f32 [tilespmem:s28], [sflag:$0x4], $0x80, s7, s16, $0xb8;
	[tilespmem:$0x1EC00] =	vst v63  }
0x6c: {  	_ =	swait.ge [sflag:s19], $0x4000  }
0x6d: {  	s8 =	smov.u32 s11;
	s7 =	sshra.s32 s10, $0x2;
	[sflag:s19] =	ssyncset.done $0x0  }
0x6e: {  	s8 =	sadd.s32 $0x14080, s7;
	[sflag:s19] =	ssyncadd.s32 $0xFFFFC000  }
0x6f: {  	[tilespmem:s28], [sflag:$0x3] =	stream.indirect.gather [hbm4b:s4+s16], $0x80, s8, s16, $0xb8;
	[tilespmem:$0x1EC00] =	vst v63  }
0x70: {  	_ =	swait.ge [sflag:s29], $0x4000  }
0x71: {  	[sflag:s29] =	ssyncset.done $0x0  }
0x72: {  	s11 =	sadd.s32 $0x15400, s7;
	[sflag:s29] =	ssyncadd.s32 $0xFFFFC000  }
0x73: {  	[spmem:s1] =	stream.indirect.scatter.add.f32 [tilespmem:s18], [sflag:$0x4], $0x80, s11, s16, $0xb8;
	[tilespmem:$0x1EC00] =	vst v63  }
0x74: {  	_ =	swait.ge [sflag:s19], $0x4000  }
0x75: {  	[sflag:s19] =	ssyncset.done $0x0  }
0x76: {  	s9 =	sadd.s32 $0x14100, s7;
	[sflag:s19] =	ssyncadd.s32 $0xFFFFC000  }
0x77: {  	[tilespmem:s18], [sflag:$0x2] =	stream.indirect.gather [hbm4b:s4+s16], $0x80, s9, s16, $0xb8;
	[tilespmem:$0x1EC00] =	vst v63  }
0x78: {  	_ =	swait.ge [sflag:s30], $0x4000  }
0x79: {  	[sflag:s30] =	ssyncset.done $0x0  }
0x7a: {  	s10 =	sadd.s32 $0x15480, s7;
	[sflag:s30] =	ssyncadd.s32 $0xFFFFC000  }
0x7b: {  	[spmem:s1] =	stream.indirect.scatter.add.f32 [tilespmem:s28], [sflag:$0x4], $0x80, s10, s16, $0xb8;
	[tilespmem:$0x1EC00] =	vst v63  }
0x7c: {  	_ =	swait.ge [sflag:s19], $0x4000  }
0x7d: {  	[sflag:s19] =	ssyncset.done $0x0  }
0x7e: {  	[sflag:s19] =	ssyncadd.s32 $0xFFFFC000  }
0x7f: {  	[tilespmem:s28], [sflag:$0x3] =	stream.indirect.gather [hbm4b:s4+s16], $0x80, s31, s16, $0xb8;
	[tilespmem:$0x1EC00] =	vst v63  }
0x80: {  	_ =	swait.ge [sflag:s29], $0x4000  }
0x81: {  	[sflag:s29] =	ssyncset.done $0x0  }
0x82: {  	[sflag:s29] =	ssyncadd.s32 $0xFFFFC000  }
0x83: {  	[spmem:s1] =	stream.indirect.scatter.add.f32 [tilespmem:s18], [sflag:$0x4], $0x80, s0, s16, $0xb8;
	[tilespmem:$0x1EC00] =	vst v63  }
0x84: {  	_ =	swait.ge [sflag:s19], $0x4000  }
0x85: {  	[sflag:s19] =	ssyncset.done $0x0  }
0x86: {  	[sflag:s19] =	ssyncadd.s32 $0xFFFFC000  }
0x87: {  	_ =	swait.ge [sflag:s30], $0x4000  }
0x88: {  	[sflag:s30] =	ssyncset.done $0x0  }
0x89: {  	[sflag:s30] =	ssyncadd.s32 $0xFFFFC000  }
0x8a: {  	[spmem:s1] =	stream.indirect.scatter.add.f32 [tilespmem:s28], [sflag:$0x4], $0x80, s2, s16, $0xb8;
	[tilespmem:$0x1EC00] =	vst v63  }
0x8b: {  	_ =	swait.ge [sflag:s19], $0x4000  }
0x8c: {  	[sflag:s19] =	ssyncset.done $0x0  }
0x8d: {  	s11 =	simm.s32 $0x0;
	[sflag:s19] =	ssyncadd.s32 $0xFFFFC000  }
0x8e: {  	[tilespmem:s24], [sflag:$0x1] =	stream.linear.gather [hbm4b:s14+s11], $0x1400, $0x38;
	[tilespmem:$0x1EC00] =	vst v63  }
0x8f: {  	_ =	swait.ge [sflag:s25], $0x1400  }
0x90: {  	[sflag:s25] =	ssyncset.done $0x0  }
0x91: {  	[sflag:s25] =	ssyncadd.s32 $0xFFFFEC00  }
0x92: {  	[tilespmem:s26], [sflag:$0x1] =	stream.linear.gather [hbm4b:s15+s11], $0x1400, $0x38;
	[tilespmem:$0x1EC00] =	vst v63  }
0x93: {  	_ =	swait.ge [sflag:s25], $0x1400  }
0x94: {  	[sflag:s25] =	ssyncset.done $0x0  }
0x95: {  	[sflag:s25] =	ssyncadd.s32 $0xFFFFEC00  }
0x96: {  	[tilespmem:s18], [sflag:$0x2] =	stream.indirect.gather [hbm4b:s4+s16], $0x80, s24, s16, $0xb8;
	[tilespmem:$0x1EC00] =	vst v63  }
0x97: {  	s8 =	simm.s32 $0x14080  }
0x98: {  	[tilespmem:s28], [sflag:$0x3] =	stream.indirect.gather [hbm4b:s4+s16], $0x80, s8, s16, $0xb8;
	[tilespmem:$0x1EC00] =	vst v63  }
0x99: {  	_ =	swait.ge [sflag:s29], $0x4000  }
0x9a: {  	[sflag:s29] =	ssyncset.done $0x0  }
0x9b: {  	s9 =	simm.s32 $0x15400;
	[sflag:s29] =	ssyncadd.s32 $0xFFFFC000  }
0x9c: {  	[spmem:s1] =	stream.indirect.scatter.add.f32 [tilespmem:s18], [sflag:$0x4], $0x80, s9, s16, $0xb8;
	[tilespmem:$0x1EC00] =	vst v63  }
0x9d: {  	_ =	swait.ge [sflag:s19], $0x4000  }
0x9e: {  	[sflag:s19] =	ssyncset.done $0x0  }
0x9f: {  	s10 =	simm.s32 $0x14100;
	[sflag:s19] =	ssyncadd.s32 $0xFFFFC000  }
0xa0: {  	[tilespmem:s18], [sflag:$0x2] =	stream.indirect.gather [hbm4b:s4+s16], $0x80, s10, s16, $0xb8;
	[tilespmem:$0x1EC00] =	vst v63  }
0xa1: {  	_ =	swait.ge [sflag:s30], $0x4000  }
0xa2: {  	[sflag:s30] =	ssyncset.done $0x0  }
0xa3: {  	s11 =	simm.s32 $0x15480;
	[sflag:s30] =	ssyncadd.s32 $0xFFFFC000  }
0xa4: {  	[spmem:s1] =	stream.indirect.scatter.add.f32 [tilespmem:s28], [sflag:$0x4], $0x80, s11, s16, $0xb8;
	[tilespmem:$0x1EC00] =	vst v63  }
0xa5: {  	_ =	swait.ge [sflag:s19], $0x4000  }
0xa6: {  	s7 =	simm.s32 $0x100;
	s8 =	simm.s32 $0x800;
	[sflag:s19] =	ssyncset.done $0x0  }
.LBB2_8:
0xa7: {  	s9 =	sadd.s32 $0x14080, s7  }
0xa8: {  	[sflag:s19] =	ssyncadd.s32 $0xFFFFC000;
	s10 =	smov.u32 s8;
	s11 =	sadd.s32 $0x400, s8  }
0xa9: {  	[tilespmem:s28], [sflag:$0x3] =	stream.indirect.gather [hbm4b:s4+s16], $0x80, s9, s16, $0xb8;
	[tilespmem:$0x1EC00] =	vst v63  }
0xaa: {  	p0 =	sne.s32 s8, $0x4800;
	_ =	swait.ge [sflag:s29], $0x4000  }
0xab: {  	[sflag:s29] =	ssyncset.done $0x0  }
0xac: {  	s8 =	sadd.s32 $0x15400, s7;
	[sflag:s29] =	ssyncadd.s32 $0xFFFFC000  }
0xad: {  	[spmem:s1] =	stream.indirect.scatter.add.f32 [tilespmem:s18], [sflag:$0x4], $0x80, s8, s16, $0xb8;
	[tilespmem:$0x1EC00] =	vst v63  }
0xae: {  	_ =	swait.ge [sflag:s19], $0x4000  }
0xaf: {  	[sflag:s19] =	ssyncset.done $0x0  }
0xb0: {  	s8 =	sadd.s32 $0x14100, s7;
	[sflag:s19] =	ssyncadd.s32 $0xFFFFC000  }
0xb1: {  	[tilespmem:s18], [sflag:$0x2] =	stream.indirect.gather [hbm4b:s4+s16], $0x80, s8, s16, $0xb8;
	[tilespmem:$0x1EC00] =	vst v63  }
0xb2: {  	_ =	swait.ge [sflag:s30], $0x4000  }
.Ltmp3:
0xb3: {  	[sflag:s30] =	ssyncset.done $0x0;
	(pc) =	sbr.rel @p0 .LBB2_8-.Ltmp3, $4  }
0xb4: {  	s7 =	sadd.s32 $0x15480, s7;
	[sflag:s30] =	ssyncadd.s32 $0xFFFFC000  }
0xb5: {  	[spmem:s1] =	stream.indirect.scatter.add.f32 [tilespmem:s28], [sflag:$0x4], $0x80, s7, s16, $0xb8;
	[tilespmem:$0x1EC00] =	vst v63  }
0xb6: {  	_ =	swait.ge [sflag:s19], $0x4000  }
0xb7: {  	s8 =	smov.u32 s11;
	s7 =	sshra.s32 s10, $0x2;
	[sflag:s19] =	ssyncset.done $0x0  }
0xb8: {  	s8 =	sadd.s32 $0x14080, s7;
	[sflag:s19] =	ssyncadd.s32 $0xFFFFC000  }
0xb9: {  	[tilespmem:s28], [sflag:$0x3] =	stream.indirect.gather [hbm4b:s4+s16], $0x80, s8, s16, $0xb8;
	[tilespmem:$0x1EC00] =	vst v63  }
0xba: {  	_ =	swait.ge [sflag:s29], $0x4000  }
0xbb: {  	[sflag:s29] =	ssyncset.done $0x0  }
0xbc: {  	s10 =	sadd.s32 $0x15400, s7;
	[sflag:s29] =	ssyncadd.s32 $0xFFFFC000  }
0xbd: {  	[spmem:s1] =	stream.indirect.scatter.add.f32 [tilespmem:s18], [sflag:$0x4], $0x80, s10, s16, $0xb8;
	[tilespmem:$0x1EC00] =	vst v63  }
0xbe: {  	_ =	swait.ge [sflag:s19], $0x4000  }
0xbf: {  	[sflag:s19] =	ssyncset.done $0x0  }
0xc0: {  	s11 =	sadd.s32 $0x14100, s7;
	[sflag:s19] =	ssyncadd.s32 $0xFFFFC000  }
0xc1: {  	[tilespmem:s18], [sflag:$0x2] =	stream.indirect.gather [hbm4b:s4+s16], $0x80, s11, s16, $0xb8;
	[tilespmem:$0x1EC00] =	vst v63  }
0xc2: {  	_ =	swait.ge [sflag:s30], $0x4000  }
0xc3: {  	[sflag:s30] =	ssyncset.done $0x0  }
0xc4: {  	s9 =	sadd.s32 $0x15480, s7;
	[sflag:s30] =	ssyncadd.s32 $0xFFFFC000  }
0xc5: {  	[spmem:s1] =	stream.indirect.scatter.add.f32 [tilespmem:s28], [sflag:$0x4], $0x80, s9, s16, $0xb8;
	[tilespmem:$0x1EC00] =	vst v63  }
0xc6: {  	_ =	swait.ge [sflag:s19], $0x4000  }
0xc7: {  	[sflag:s19] =	ssyncset.done $0x0  }
0xc8: {  	[sflag:s19] =	ssyncadd.s32 $0xFFFFC000  }
0xc9: {  	[tilespmem:s28], [sflag:$0x3] =	stream.indirect.gather [hbm4b:s4+s16], $0x80, s31, s16, $0xb8;
	[tilespmem:$0x1EC00] =	vst v63  }
0xca: {  	_ =	swait.ge [sflag:s29], $0x4000  }
0xcb: {  	[sflag:s29] =	ssyncset.done $0x0  }
0xcc: {  	[sflag:s29] =	ssyncadd.s32 $0xFFFFC000  }
0xcd: {  	[spmem:s1] =	stream.indirect.scatter.add.f32 [tilespmem:s18], [sflag:$0x4], $0x80, s0, s16, $0xb8;
	[tilespmem:$0x1EC00] =	vst v63  }
0xce: {  	_ =	swait.ge [sflag:s19], $0x4000  }
0xcf: {  	[sflag:s19] =	ssyncset.done $0x0  }
0xd0: {  	[sflag:s19] =	ssyncadd.s32 $0xFFFFC000  }
0xd1: {  	_ =	swait.ge [sflag:s30], $0x4000  }
0xd2: {  	[sflag:s30] =	ssyncset.done $0x0  }
0xd3: {  	[sflag:s30] =	ssyncadd.s32 $0xFFFFC000  }
0xd4: {  	[spmem:s1] =	stream.indirect.scatter.add.f32 [tilespmem:s28], [sflag:$0x4], $0x80, s2, s16, $0xb8;
	[tilespmem:$0x1EC00] =	vst v63  }
0xd5: {  	_ =	swait.ge [sflag:s19], $0x4000  }
0xd6: {  	[sflag:s19] =	ssyncset.done $0x0  }
0xd7: {  	[sflag:s19] =	ssyncadd.s32 $0xFFFFC000  }
0xd8: {  	[bflag:$0x0] =	sbarrier.arrive $0xFFFF  }
0xd9: {  	[tilespmem:s18], [sflag:$0x1] =	stream.indirect.gather [spmem:s1], $0x80, s17, s16, $0xb8;
	[tilespmem:$0x1EC00] =	vst v63  }
0xda: {  	_ =	swait.ge [sflag:s25], $0x4000  }
0xdb: {  	[sflag:s25] =	ssyncset.done $0x0  }
0xdc: {  	s10 =	rddreg [dreg:$0x4];
	[sflag:s25] =	ssyncadd.s32 $0xFFFFC000  }
0xdd: {  	[hbm4b:s10+s3] =	stream.linear.scatter [tilespmem:s18], [sflag:$0x4], $0x4000, $0x38;
	[tilespmem:$0x1EC00] =	vst v63  }
0xde: {  	_ =	swait.ge [sflag:s19], $0x4000  }
0xdf: {  	[sflag:s19] =	ssyncset.done $0x0  }
0xe0: {  	[sflag:s19] =	ssyncadd.s32 $0xFFFFC000  }
0xe1: {  	[tilespmem:s18], [sflag:$0x1] =	stream.indirect.gather [spmem:s1], $0x80, s20, s16, $0xb8;
	[tilespmem:$0x1EC00] =	vst v63  }
0xe2: {  	_ =	swait.ge [sflag:s25], $0x4000  }
0xe3: {  	[sflag:s25] =	ssyncset.done $0x0  }
0xe4: {  	s11 =	rddreg [dreg:$0x5];
	[sflag:s25] =	ssyncadd.s32 $0xFFFFC000  }
0xe5: {  	[hbm4b:s11+s3] =	stream.linear.scatter [tilespmem:s18], [sflag:$0x4], $0x4000, $0x38;
	[tilespmem:$0x1EC00] =	vst v63  }
0xe6: {  	_ =	swait.ge [sflag:s19], $0x4000  }
0xe7: {  	[sflag:s19] =	ssyncset.done $0x0  }
0xe8: {  	[sflag:s19] =	ssyncadd.s32 $0xFFFFC000  }
0xe9: {  	[tilespmem:s18], [sflag:$0x1] =	stream.indirect.gather [spmem:s1], $0x80, s21, s16, $0xb8;
	[tilespmem:$0x1EC00] =	vst v63  }
0xea: {  	_ =	swait.ge [sflag:s25], $0x4000  }
0xeb: {  	[sflag:s25] =	ssyncset.done $0x0  }
0xec: {  	s8 =	rddreg [dreg:$0x6];
	[sflag:s25] =	ssyncadd.s32 $0xFFFFC000  }
0xed: {  	[hbm4b:s8+s3] =	stream.linear.scatter [tilespmem:s18], [sflag:$0x4], $0x4000, $0x38;
	[tilespmem:$0x1EC00] =	vst v63  }
0xee: {  	_ =	swait.ge [sflag:s19], $0x4000  }
0xef: {  	[sflag:s19] =	ssyncset.done $0x0  }
0xf0: {  	[sflag:s19] =	ssyncadd.s32 $0xFFFFC000  }
0xf1: {  	[tilespmem:s18], [sflag:$0x1] =	stream.indirect.gather [spmem:s1], $0x80, s22, s16, $0xb8;
	[tilespmem:$0x1EC00] =	vst v63  }
0xf2: {  	_ =	swait.ge [sflag:s25], $0x4000  }
0xf3: {  	[sflag:s25] =	ssyncset.done $0x0  }
0xf4: {  	s9 =	rddreg [dreg:$0x7];
	[sflag:s25] =	ssyncadd.s32 $0xFFFFC000  }
0xf5: {  	[hbm4b:s9+s3] =	stream.linear.scatter [tilespmem:s18], [sflag:$0x4], $0x4000, $0x38;
	[tilespmem:$0x1EC00] =	vst v63  }
0xf6: {  	_ =	swait.ge [sflag:s19], $0x4000  }
0xf7: {  	[sflag:s19] =	ssyncset.done $0x0  }
0xf8: {  	[sflag:s19] =	ssyncadd.s32 $0xFFFFC000  }
0xf9: {  	[tilespmem:s18], [sflag:$0x1] =	stream.indirect.gather [spmem:s1], $0x80, s23, s16, $0xb8;
	[tilespmem:$0x1EC00] =	vst v63  }
0xfa: {  	_ =	swait.ge [sflag:s25], $0x4000  }
0xfb: {  	[sflag:s25] =	ssyncset.done $0x0  }
0xfc: {  	s10 =	rddreg [dreg:$0x8];
	[sflag:s25] =	ssyncadd.s32 $0xFFFFC000  }
0xfd: {  	[hbm4b:s10+s3] =	stream.linear.scatter [tilespmem:s18], [sflag:$0x4], $0x4000, $0x38;
	[tilespmem:$0x1EC00] =	vst v63  }
0xfe: {  	_ =	swait.ge [sflag:s19], $0x4000  }
0xff: {  	s6 =	sadd.s32 $0x1, s6;
	s11 =	rddreg [dreg:$0x3]  }
0x100: {  	p0 =	sne.s32 s6, s11  }
.Ltmp4:
0x101: {  	_ = 	snop;
	(pc) =	sbr.rel @p0 .LBB2_1-.Ltmp4, $3  }
0x102: {  	_ =	sdelay $0x1  }
0x103: {  	[sflag:s19] =	ssyncset.done $0x0  }
0x104: {  	[sflag:s19] =	ssyncadd.s32 $0xFFFFC000  }
0x105: {  	_ =	sfence.sel $0x180000  }
0x106: {  	[bflag:$0x0] =	sbarrier.arrive $0xFFFF  }
0x107: {  	_ =	strace $0x9000004A  }
0x108: {  	s0 =	stileid.u32;
	[bflag:$0x2] =	sbarrier.arrive $0xFFFF  }
0x109: {  	p0 =	sne.s32 s0, $0x0;
	s0 =	rddreg [dreg:$0x2]  }
0x10a: {  	s0 =	sadd.s32 @!p0 $0x100000, s0  }
0x10b: {  	[sflag:s0] =	ssyncadd.tile.s32 @!p0 $0x1;
	_ =	shalt  }
.Lfunc_end2:
_tile_overlayer_lowered:
.L_overlay_start_2:
0x10c: {  	(tag) =	ssettag $0x2  }
0x10d: {  	s0 =	rddreg [dreg:$0x0];
	s2 =	stileid.u32  }
0x10e: {  	s1 =	rddreg [dreg:$0x1];
	p0 =	sne.s32 s2, $0x0  }
0x10f: {  	s3 =	rddreg [dreg:$0x2];
	[bflag:$0x3] =	sbarrier.arrive $0xFFFF;
	s2 =	simm.s32 @!p0 $0x1C04  }
0x110: {  	[timem:s3], [sflag:s2] =	dma.local @!p0 [hbm:s0], s1  }
0x111: {  	s0 =	simm.s32 @!p0 $0x4  }
0x112: {  	_ =	swait.ge @!p0 [sflag:s0], s1  }
0x113: {  	s1 =	ssub.s32 @!p0 $0x0, s1;
	[sflag:s0] =	ssyncset.done @!p0 $0x0  }
0x114: {  	[sflag:s0] =	ssyncadd.s32 @!p0 s1  }
0x115: {  	[bflag:$0x3] =	sbarrier.arrive $0xFFFF  }
0x116: {  	_ =	shalt  }

// kernel: kernel.15.cloned.1.call-start
scs
__scs_entry_jumppad:
0x0: {  	(pc) =	sbr.rel $0x88, $3  }
0x1: {  	(tag) =	ssettag $0x0;
	lr =	simm.s32 $0x1  }
0x2: {  	[smem:$0x3F9B] =	sst lr;
	_ =	strace $0xD0000000  }
0x3: {  	_ = 	snop  }
0x4: {  	_ = 	snop  }
0x5: {  	_ = 	snop  }
0x6: {  	_ = 	snop  }
0x7: {  	_ = 	snop  }
__scs_overlays_trampoline_lowered:
0x8: {  	[smem:$0x3FAA] =	sst s0  }
0x9: {  	[smem:$0x3FAB] =	sst s1  }
0xa: {  	[smem:$0x3FAC] =	sst s2  }
0xb: {  	[smem:$0x3FAD] =	sst s3  }
0xc: {  	[smem:$0x3FAE] =	sst s4  }
0xd: {  	[smem:$0x3FAF] =	sst s5  }
0xe: {  	[smem:$0x3FB0] =	sst s6  }
0xf: {  	[smem:$0x3FB1] =	sst s7  }
0x10: {  	[smem:$0x3FB2] =	sst s8  }
0x11: {  	[smem:$0x3FB3] =	sst s9;
	s0 =	simm.s32 @!p0 $0x0  }
0x12: {  	s1 =	sld [smem:$0x3F99];
	s0 =	simm.s32 @p0 $0x1  }
0x13: {  	[smem:$0x3FB4] =	sst s0;
	s0 =	simm.s32 @!p1 $0x0  }
0x14: {  	s2 =	sld [smem:$0x3F98];
	s0 =	simm.s32 @p1 $0x1  }
0x15: {  	[smem:$0x3FB5] =	sst s0;
	s0 =	simm.s32 @!p2 $0x0  }
0x16: {  	s3 =	sld [smem:$0x3FDB];
	s0 =	simm.s32 @p2 $0x1  }
0x17: {  	s4 =	simm.s32 $0x1BF5;
	[smem:$0x3FB7] =	sst s0  }
0x18: {  	s0 =	sld [smem:$0x3F9A];
	_ =	swait.ge [sflag:s4], $0x0  }
0x19: {  	s7 =	sld [smem:$0x3F9B]  }
0x1a: {  	s8 =	sadd.s32 $0xFFFFE003, lr  }
0x1b: {  	s9 =	sadd.s32 $0xFFFFFEF7, lr;
	s5 =	simm.s32 $0xFFFFFFFF;
	p2 =	slt.u32 s8, $0xFFFFF086  }
0x1c: {  	p1 =	slt.u32 s9, $0xF7A;
	s5 =	simm.s32 @!p2 $0x0  }
0x1d: {  	s5 =	simm.s32 @p1 $0x1;
	p0 =	seq.s32 s7, s2  }
0x1e: {  	s7 =	smul.u32 @!p0 $0xF7A, s2;
	p2 =	seq.s32 @!p0 s5, $0x0  }
0x1f: {  	s9 =	smul.u32 $0xF7A, s1;
	s8 =	simm.s32 @!p0 $0x1BF5;
	p2 =	por !p2, p0  }
0x20: {  	[sflag:s8] =	ssyncset.s32 @!p0 $0xFFFFF086;
	s6 =	sadd.s32 @!p0 s3, s7;
	s7 =	simm.s32 @!p0 $0x108  }
0x21: {  	s3 =	sadd.s32 s3, s9;
	s6 =	sadd.s32 @!p0 $0x88, s6;
	s7 =	simm.s32 @p2 $0x1082  }
0x22: {  	[simem:s7], [sflag:s8] =	dma.local @!p0 [hbm:s6], $0xF7A  }
0x23: {  	s9 =	sor.u32 $0xD0000000, s2;
	s6 =	simm.s32 $0x108;
	_ =	swait.ge @!p0 [sflag:s8], $0x0  }
0x24: {  	s3 =	sadd.s32 $0x88, s3;
	s6 =	simm.s32 @!p1 $0x1082;
	[sflag:s4] =	ssyncset.s32 $0xFFFFF086  }
0x25: {  	[simem:s6], [sflag:s4] =	dma.local [hbm:s3], $0xF7A  }
0x26: {  	[smem:$0x3F9B] =	sst s1;
	(tag) =	ssettag s2;
	_ =	strace s9  }
0x27: {  	s1 =	sld [smem:$0x3FAB]  }
0x28: {  	s2 =	sld [smem:$0x3FAC]  }
0x29: {  	s4 =	sld [smem:$0x3FAE]  }
0x2a: {  	p0 =	seq.s32 s5, $0x0;
	s5 =	sld [smem:$0x3FAF]  }
0x2b: {  	s6 =	sld [smem:$0x3FB0]  }
0x2c: {  	s7 =	sld [smem:$0x3FB1]  }
0x2d: {  	s3 =	simm.s32 $0x108;
	s8 =	sld [smem:$0x3FB2]  }
0x2e: {  	s3 =	simm.s32 @!p0 $0x1082;
	s9 =	sld [smem:$0x3FB3]  }
0x2f: {  	lr =	sadd.s32 s0, s3;
	s0 =	sld [smem:$0x3FAA]  }
0x30: {  	s3 =	sld [smem:$0x3FAD]  }
0x31: {  	[smem:$0x3FB6] =	sst s10  }
0x32: {  	s10 =	sld [smem:$0x3FB4];
	_ =	sdelay $0x3  }
0x33: {  	p0 =	seq.s32 s10, $0x1;
	s10 =	sld [smem:$0x3FB6];
	_ =	sdelay $0x3  }
0x34: {  	[smem:$0x3FB6] =	sst s10  }
0x35: {  	s10 =	sld [smem:$0x3FB5];
	_ =	sdelay $0x3  }
0x36: {  	p1 =	seq.s32 s10, $0x1;
	s10 =	sld [smem:$0x3FB6];
	_ =	sdelay $0x3  }
0x37: {  	[smem:$0x3FB6] =	sst s10  }
0x38: {  	s10 =	sld [smem:$0x3FB7]  }
0x39: {  	_ = 	snop;
	(pc) =	sbr.ind lr, $3  }
0x3a: {  	_ = 	snop  }
0x3b: {  	_ = 	snop  }
0x3c: {  	p2 =	seq.s32 s10, $0x1;
	s10 =	sld [smem:$0x3FB6]  }
0x3d: {  	_ =	shalt  }
0x3e: {  	_ =	shalt  }
0x3f: {  	_ =	shalt  }
0x40: {  	_ =	shalt  }
0x41: {  	_ =	shalt  }
0x42: {  	_ =	shalt  }
0x43: {  	_ =	shalt  }
0x44: {  	_ =	shalt  }
0x45: {  	_ =	shalt  }
0x46: {  	_ =	shalt  }
0x47: {  	_ =	shalt  }
0x48: {  	_ =	shalt  }
0x49: {  	_ =	shalt  }
0x4a: {  	_ =	shalt  }
0x4b: {  	_ =	shalt  }
0x4c: {  	_ =	shalt  }
0x4d: {  	_ =	shalt  }
0x4e: {  	_ =	shalt  }
0x4f: {  	_ =	shalt  }
0x50: {  	_ =	shalt  }
0x51: {  	_ =	shalt  }
0x52: {  	_ =	shalt  }
0x53: {  	_ =	shalt  }
0x54: {  	_ =	shalt  }
0x55: {  	_ =	shalt  }
0x56: {  	_ =	shalt  }
0x57: {  	_ =	shalt  }
0x58: {  	_ =	shalt  }
0x59: {  	_ =	shalt  }
0x5a: {  	_ =	shalt  }
0x5b: {  	_ =	shalt  }
0x5c: {  	_ =	shalt  }
0x5d: {  	_ =	shalt  }
0x5e: {  	_ =	shalt  }
0x5f: {  	_ =	shalt  }
0x60: {  	_ =	shalt  }
0x61: {  	_ =	shalt  }
0x62: {  	_ =	shalt  }
0x63: {  	_ =	shalt  }
0x64: {  	_ =	shalt  }
0x65: {  	_ =	shalt  }
0x66: {  	_ =	shalt  }
0x67: {  	_ =	shalt  }
0x68: {  	_ =	shalt  }
0x69: {  	_ =	shalt  }
0x6a: {  	_ =	shalt  }
0x6b: {  	_ =	shalt  }
0x6c: {  	_ =	shalt  }
0x6d: {  	_ =	shalt  }
0x6e: {  	_ =	shalt  }
0x6f: {  	_ =	shalt  }
0x70: {  	_ =	shalt  }
0x71: {  	_ =	shalt  }
0x72: {  	_ =	shalt  }
0x73: {  	_ =	shalt  }
0x74: {  	_ =	shalt  }
0x75: {  	_ =	shalt  }
0x76: {  	_ =	shalt  }
0x77: {  	_ =	shalt  }
0x78: {  	_ =	shalt  }
0x79: {  	_ =	shalt  }
0x7a: {  	_ =	shalt  }
0x7b: {  	_ =	shalt  }
0x7c: {  	_ =	shalt  }
0x7d: {  	_ =	shalt  }
0x7e: {  	_ =	shalt  }
0x7f: {  	_ =	shalt  }
0x80: {  	_ =	shalt  }
0x81: {  	_ =	shalt  }
0x82: {  	_ =	shalt  }
0x83: {  	_ =	shalt  }
0x84: {  	_ =	shalt  }
0x85: {  	_ =	shalt  }
0x86: {  	_ =	shalt  }
0x87: {  	_ =	shalt  }
.Lfunc_end0:
.L_simem_size_0:
called_computation.2_lowered:
.L_overlay_start_0:
0x88: {  	s2 =	sld [smem:$0x3FD9]  }
0x89: {  	s3 =	sld [smem:$0x3FFE];
	_ =	sdelay $0x1  }
0x8a: {  	s1 =	srdreg.scid  }
0x8b: {  	s0 =	sand.u32 $0x1, s1  }
0x8c: {  	s16 =	sshll.u32 s0, $0xA;
	s2 =	sadd.s32 s3, s2  }
0x8d: {  	s2 =	sadd.s32 s2, s16  }
0x8e: {  	[smem:$0x3FC2] =	sst s2  }
0x8f: {  	_ = 	snop  }
0x90: {  	(tm) =	ssettm $0x1  }
0x91: {  	s17 =	sld [smem:$0x3FFB];
	_ =	sdelay $0x3  }
0x92: {  	_ =	strace s17  }
0x93: {  	s2 =	sld [smem:$0x3FFC];
	_ =	sdelay $0x3  }
0x94: {  	_ =	strace s2  }
0x95: {  	s2 =	sld [smem:$0x3FFD];
	_ =	sdelay $0x3  }
0x96: {  	_ =	strace s2  }
0x97: {  	_ =	strace $0x8FFFFFFF  }
0x98: {  	s18 =	sld [smem:$0x3FDB];
	_ =	sdelay $0x1  }
0x99: {  	s19 =	simm.s32 $_scs_section_size  }
0x9a: {  	s4 =	simm.s32 $_size__tile_overlayer_lowered;
	s5 =	simm.s32 $_tile_overlayer_lowered  }
0x9b: {  	s22 =	simm.s32 $0x1BFF;
	s21 =	sshll.u32 s5, $0x1;
	s2 =	sadd.s32 s19, s18  }
0x9c: {  	s6 =	simm.s32 $0x0;
	s20 =	sshll.u32 s4, $0x1;
	s4 =	sadd.s32 s21, s2  }
0x9d: {  	[timem:s6], [sflag:s22] =	dma.local [hbm:s4], s20  }
0x9e: {  	_ =	swait.ge [sflag:s22], s20  }
0x9f: {  	s3 =	ssub.s32 $0x0, s20;
	[sflag:s22] =	ssyncset.done $0x0  }
0xa0: {  	[sflag:s22] =	ssyncadd.s32 s3;
	_ =	sdelay $0x1  }
0xa1: {  	s23 =	simm.s32 $0x1B8B  }
0xa2: {  	_ =	swait.ge [sflag:s23], $0x1  }
0xa3: {  	[sflag:s23] =	ssyncset.done $0x0  }
0xa4: {  	s25 =	simm.s32 $0x1B8E;
	s24 =	sld [smem:$0x3FFE];
	[sflag:s23] =	ssyncadd.s32 $0xFFFFFFFF  }
0xa5: {  	s26 =	simm.s32 $execute0_lowered;
	[smem:$0x3FD2] =	sst s25  }
0xa6: {  	s4 =	sshll.u32 s26, $0x1;
	_ =	strace $0x8000004C;
	[dreg:$0x1] =	wrdreg $0xFFFFFFFF  }
0xa7: {  	s28 =	simm.s32 $_size_execute0_lowered;
	s2 =	sadd.s32 s2, s4;
	[dreg:$0x0] =	wrdreg $0x0  }
0xa8: {  	s4 =	sshll.u32 s28, $0x1;
	[dreg:$0x2] =	wrdreg s2  }
0xa9: {  	[dreg:$0x3] =	wrdreg s4  }
0xaa: {  	[dreg:$0x4] =	wrdreg $0xC0  }
0xab: {  	_ =	task [dreg:s6], $0x5FFFF  }
0xac: {  	[dreg:$0x1] =	wrdreg $0xFFFFFFFF  }
0xad: {  	[dreg:$0x0] =	wrdreg $0x60  }
0xae: {  	[dreg:$0x2] =	wrdreg s24  }
0xaf: {  	[dreg:$0x3] =	wrdreg $0x0  }
0xb0: {  	[dreg:$0x4] =	wrdreg $0x9  }
0xb1: {  	_ =	task.clear_ibuf [dreg:s6], $0x5FFFF;
	_ =	strace $0x9000004C  }
0xb2: {  	s29 =	simm.s32 $0x9;
	_ =	strace $0x8000004E  }
0xb3: {  	_ =	swait.ge [sflag:s29], $0x1  }
0xb4: {  	[sflag:s29] =	ssyncadd.s32 $0xFFFFFFFF  }
0xb5: {  	_ =	strace $0x9000004E  }
0xb6: {  	_ =	sfence  }
0xb7: {  	s30 =	sld [smem:$0x0];
	_ =	sdelay $0x2  }
0xb8: {  	s31 =	sshll.u32 s1, $0xD;
	s1 =	sshrl.u32 s1, $0x2  }
0xb9: {  	s3 =	sand.u32 $0x4000, s31;
	s1 =	sadd.s32 s1, s30  }
0xba: {  	s0 =	sor.u32 s3, s0;
	s1 =	sshll.u32 s1, $0x11  }
0xbb: {  	s0 =	sor.u32 s1, s0  }
0xbc: {  	s0 =	sadd.s32 $0x8F2B, s0  }
0xbd: {  	[sflag:s0] =	ssyncadd.remote.s32 $0x1  }
0xbe: {  	_ =	sfence.sel $0xFFFF  }
0xbf: {  	[dreg:$0x0] =	wrdreg $0xFFFFFFFF;
	(pc) =	sbr.abs _section_cstart, $3  }
0xc0: {  	[dreg:$0x1] =	wrdreg $0xFFFFFFFF  }
0xc1: {  	_ =	task.clear_ibuf [dreg:s6], $0x2FFFF;
	_ =	strace $0x9FFFFFFF  }
0xc2: {  	(tm) =	ssettm $0x7FFFFFFF  }
0xc3: {  	_ =	shalt  }
tec
execute0_lowered:
.L_overlay_start_1:
0x0: {  	(tag) =	ssettag $0x1  }
0x1: {  	s0 =	rddreg [dreg:$0x0]  }
0x2: {  	s1 =	rddreg [dreg:$0x1]  }
0x3: {  	s2 =	srdreg.scid;
	s3 =	simm.s32 $0x0;
	s11 =	stileid.u32  }
0x4: {  	s16 =	simm.s32 $0x80;
	s17 =	simm.s32 $0x16800;
	s18 =	simm.s32 $0x16C00  }
0x5: {  	s19 =	simm.s32 $0x4;
	s20 =	simm.s32 $0x16880;
	s28 =	simm.s32 $0x1AC00  }
0x6: {  	s29 =	simm.s32 $0x2;
	s30 =	simm.s32 $0x3;
	s31 =	simm.s32 $0x15380  }
0x7: {  	s2 =	sand.u32 $0x1, s2;
	[smem:$0x7FF] =	sst s3;
	s6 =	smul.u32 $0x14000, s11  }
0x8: {  	s4 =	sadd.s32 $0x7A400, s0;
	s7 =	sadd.s32 $0xC400, s0;
	s5 =	smul.u32 $0x140000, s2  }
0x9: {  	s8 =	sadd.s32 $0x2400, s0;
	s9 =	ssub.s32 $0x2, s2;
	s2 =	sshll.u32 s2, $0x4  }
0xa: {  	_ =	strace $0x8000004D;
	s2 =	sor.u32 s11, s2;
	s5 =	sadd.s32 s5, s6  }
0xb: {  	s10 =	sshrl.u32 s9, $0x1;
	s2 =	smul.u32 $0x2800, s2;
	s6 =	sshrl.u32 s5, $0x3  }
0xc: {  	s21 =	ssub.s32 s9, s10;
	s5 =	smul.u32 $0x280, s11;
	s0 =	sadd.s32 s6, s0  }
0xd: {  	s6 =	smax.u32 s21, $0x1;
	s2 =	sshrl.u32 s2, $0x3;
	s21 =	simm.s32 $0x16900  }
0xe: {  	[dreg:$0x3] =	wrdreg s6;
	s22 =	sadd.s32 $0xA2400, s0;
	s23 =	sadd.s32 $0xA2C00, s0  }
0xf: {  	s24 =	sadd.s32 $0xA3400, s0;
	s25 =	sadd.s32 $0xA3C00, s0;
	[dreg:$0x4] =	wrdreg s22  }
0x10: {  	s0 =	sadd.s32 $0xA4400, s0;
	s12 =	sadd.s32 s7, s2;
	[dreg:$0x5] =	wrdreg s23  }
0x11: {  	s26 =	sadd.s32 $0x280, s2;
	s13 =	sadd.s32 s8, s2;
	[dreg:$0x6] =	wrdreg s24  }
0x12: {  	s2 =	simm.s32 $0x16780;
	s6 =	simm.s32 $0x0;
	[dreg:$0x7] =	wrdreg s25  }
0x13: {  	[dreg:$0x8] =	wrdreg s0;
	s14 =	sadd.s32 s7, s26;
	s15 =	sadd.s32 s8, s26  }
0x14: {  	s22 =	simm.s32 $0x16980;
	s23 =	simm.s32 $0x16A00;
	s24 =	simm.s32 $0x14000  }
0x15: {  	v0 =	vimm.f32 $0.0e+00;
	v1 =	vlaneseq.u32;
	s25 =	simm.s32 $0x1;
	s26 =	simm.s32 $0x15400;
	s0 =	simm.s32 $0x16700  }
.LBB2_1:
0x16: {  	s7 =	simm.s32 $0x0;
	s8 =	simm.s32 $0x200  }
.LBB2_2:
0x17: {  	p0 =	sne.s32 s8, $0xFE00;
	[tilespmem:s7+$0x16C70] =	vst v0  }
0x18: {  	[tilespmem:s7+$0x16C00] =	vst v0  }
0x19: {  	[tilespmem:s7+$0x16C10] =	vst v0  }
.Ltmp0:
0x1a: {  	[tilespmem:s7+$0x16C20] =	vst v0;
	(pc) =	sbr.rel @p0 .LBB2_2-.Ltmp0, $4  }
0x1b: {  	[tilespmem:s7+$0x16C30] =	vst v0  }
0x1c: {  	[tilespmem:s7+$0x16C40] =	vst v0  }
0x1d: {  	[tilespmem:s7+$0x16C50] =	vst v0  }
0x1e: {  	[tilespmem:s7+$0x16C60] =	vst v0;
	s7 =	sshra.s32 s8, $0x2;
	s8 =	sadd.s32 $0x200, s8  }
0x1f: {  	[tilespmem:s7+$0x16C70] =	vst v0  }
0x20: {  	[tilespmem:s7+$0x16C00] =	vst v0  }
0x21: {  	[tilespmem:s7+$0x16C10] =	vst v0  }
0x22: {  	[tilespmem:s7+$0x16C20] =	vst v0  }
0x23: {  	[tilespmem:s7+$0x16C30] =	vst v0;
	s8 =	simm.s32 $0x0  }
0x24: {  	[tilespmem:s7+$0x16C40] =	vst v0;
	s9 =	sand.u32 $0xE00, s8  }
0x25: {  	[tilespmem:s7+$0x16C50] =	vst v0;
	s11 =	sadd.s32 $0x0, s5;
	s10 =	sand.u32 $0x70, s8;
	s9 =	sshrl.u32 s9, $0x2  }
0x26: {  	[tilespmem:s7+$0x16C60] =	vst v0;
	s7 =	simm.s32 $0x40;
	v2 =	vor.u32 s11, v1;
	s9 =	sor.u32 s10, s9  }
.LBB2_4:
0x27: {  	p0 =	sne.s32 s7, $0x9C0  }
0x28: {  	[tilespmem:s9+$0x16800] =	vst v2;
	s8 =	sadd.s32 $0x10, s8;
	s9 =	smov.u32 s7;
	s7 =	sadd.s32 $0x40, s7  }
.Ltmp1:
0x29: {  	(pc) =	sbr.rel @p0 .LBB2_4-.Ltmp1, $4  }
0x2a: {  	_ = 	snop  }
0x2b: {  	s9 =	sand.u32 $0xE00, s9  }
0x2c: {  	s10 =	sand.u32 $0x70, s8;
	s11 =	sadd.s32 s8, s5;
	s9 =	sshrl.u32 s9, $0x2  }
0x2d: {  	v2 =	vor.u32 s11, v1;
	s9 =	sor.u32 s10, s9  }
0x2e: {  	[tilespmem:s9+$0x16800] =	vst v2  }
0x2f: {  	[spmem:s1] =	stream.indirect.scatter [tilespmem:s18], [sflag:$0x4], $0x80, s17, s16, $0xb8;
	[tilespmem:$0x1EC00] =	vst v63  }
0x30: {  	_ =	swait.ge [sflag:s19], $0x4000  }
0x31: {  	[sflag:s19] =	ssyncset.done $0x0  }
0x32: {  	[sflag:s19] =	ssyncadd.s32 $0xFFFFC000  }
0x33: {  	[spmem:s1] =	stream.indirect.scatter [tilespmem:s18], [sflag:$0x4], $0x80, s20, s16, $0xb8;
	[tilespmem:$0x1EC00] =	vst v63  }
0x34: {  	_ =	swait.ge [sflag:s19], $0x4000  }
0x35: {  	[sflag:s19] =	ssyncset.done $0x0  }
0x36: {  	[sflag:s19] =	ssyncadd.s32 $0xFFFFC000  }
0x37: {  	[spmem:s1] =	stream.indirect.scatter [tilespmem:s18], [sflag:$0x4], $0x80, s21, s16, $0xb8;
	[tilespmem:$0x1EC00] =	vst v63  }
0x38: {  	_ =	swait.ge [sflag:s19], $0x4000  }
0x39: {  	[sflag:s19] =	ssyncset.done $0x0  }
0x3a: {  	[sflag:s19] =	ssyncadd.s32 $0xFFFFC000  }
0x3b: {  	[spmem:s1] =	stream.indirect.scatter [tilespmem:s18], [sflag:$0x4], $0x80, s22, s16, $0xb8;
	[tilespmem:$0x1EC00] =	vst v63  }
0x3c: {  	_ =	swait.ge [sflag:s19], $0x4000  }
0x3d: {  	[sflag:s19] =	ssyncset.done $0x0  }
0x3e: {  	[sflag:s19] =	ssyncadd.s32 $0xFFFFC000  }
0x3f: {  	[spmem:s1] =	stream.indirect.scatter [tilespmem:s18], [sflag:$0x4], $0x80, s23, s16, $0xb8;
	[tilespmem:$0x1EC00] =	vst v63  }
0x40: {  	_ =	swait.ge [sflag:s19], $0x4000  }
0x41: {  	[sflag:s19] =	ssyncset.done $0x0  }
0x42: {  	[sflag:s19] =	ssyncadd.s32 $0xFFFFC000  }
0x43: {  	s7 =	simm.s32 $0x0;
	[bflag:$0x0] =	sbarrier.arrive $0xFFFF  }
0x44: {  	[tilespmem:s24], [sflag:$0x1] =	stream.linear.gather [hbm4b:s12+s7], $0x1400, $0x38;
	[tilespmem:$0x1EC00] =	vst v63  }
0x45: {  	_ =	swait.ge [sflag:s25], $0x1400  }
0x46: {  	[sflag:s25] =	ssyncset.done $0x0  }
0x47: {  	[sflag:s25] =	ssyncadd.s32 $0xFFFFEC00  }
0x48: {  	[tilespmem:s26], [sflag:$0x1] =	stream.linear.gather [hbm4b:s13+s7], $0x1400, $0x38;
	[tilespmem:$0x1EC00] =	vst v63  }
0x49: {  	_ =	swait.ge [sflag:s25], $0x1400  }
0x4a: {  	[sflag:s25] =	ssyncset.done $0x0  }
0x4b: {  	[sflag:s25] =	ssyncadd.s32 $0xFFFFEC00  }
0x4c: {  	[tilespmem:s18], [sflag:$0x2] =	stream.indirect.gather [hbm4b:s4+s16], $0x80, s24, s16, $0xb8;
	[tilespmem:$0x1EC00] =	vst v63  }
0x4d: {  	s8 =	simm.s32 $0x14080  }
0x4e: {  	[tilespmem:s28], [sflag:$0x3] =	stream.indirect.gather [hbm4b:s4+s16], $0x80, s8, s16, $0xb8;
	[tilespmem:$0x1EC00] =	vst v63  }
0x4f: {  	_ =	swait.ge [sflag:s29], $0x4000  }
0x50: {  	[sflag:s29] =	ssyncset.done $0x0  }
0x51: {  	s9 =	simm.s32 $0x15400;
	[sflag:s29] =	ssyncadd.s32 $0xFFFFC000  }
0x52: {  	[spmem:s1] =	stream.indirect.scatter.add.f32 [tilespmem:s18], [sflag:$0x4], $0x80, s9, s16, $0xb8;
	[tilespmem:$0x1EC00] =	vst v63  }
0x53: {  	_ =	swait.ge [sflag:s19], $0x4000  }
0x54: {  	[sflag:s19] =	ssyncset.done $0x0  }
0x55: {  	s10 =	simm.s32 $0x14100;
	[sflag:s19] =	ssyncadd.s32 $0xFFFFC000  }
0x56: {  	[tilespmem:s18], [sflag:$0x2] =	stream.indirect.gather [hbm4b:s4+s16], $0x80, s10, s16, $0xb8;
	[tilespmem:$0x1EC00] =	vst v63  }
0x57: {  	_ =	swait.ge [sflag:s30], $0x4000  }
0x58: {  	[sflag:s30] =	ssyncset.done $0x0  }
0x59: {  	s11 =	simm.s32 $0x15480;
	[sflag:s30] =	ssyncadd.s32 $0xFFFFC000  }
0x5a: {  	[spmem:s1] =	stream.indirect.scatter.add.f32 [tilespmem:s28], [sflag:$0x4], $0x80, s11, s16, $0xb8;
	[tilespmem:$0x1EC00] =	vst v63  }
0x5b: {  	_ =	swait.ge [sflag:s19], $0x4000  }
0x5c: {  	s7 =	simm.s32 $0x100;
	s8 =	simm.s32 $0x800;
	[sflag:s19] =	ssyncset.done $0x0  }
.LBB2_6:
0x5d: {  	s9 =	sadd.s32 $0x14080, s7  }
0x5e: {  	[sflag:s19] =	ssyncadd.s32 $0xFFFFC000;
	s10 =	smov.u32 s8;
	s11 =	sadd.s32 $0x400, s8  }
0x5f: {  	[tilespmem:s28], [sflag:$0x3] =	stream.indirect.gather [hbm4b:s4+s16], $0x80, s9, s16, $0xb8;
	[tilespmem:$0x1EC00] =	vst v63  }
0x60: {  	p0 =	sne.s32 s8, $0x4800;
	_ =	swait.ge [sflag:s29], $0x4000  }
0x61: {  	[sflag:s29] =	ssyncset.done $0x0  }
0x62: {  	s8 =	sadd.s32 $0x15400, s7;
	[sflag:s29] =	ssyncadd.s32 $0xFFFFC000  }
0x63: {  	[spmem:s1] =	stream.indirect.scatter.add.f32 [tilespmem:s18], [sflag:$0x4], $0x80, s8, s16, $0xb8;
	[tilespmem:$0x1EC00] =	vst v63  }
0x64: {  	_ =	swait.ge [sflag:s19], $0x4000  }
0x65: {  	[sflag:s19] =	ssyncset.done $0x0  }
0x66: {  	s8 =	sadd.s32 $0x14100, s7;
	[sflag:s19] =	ssyncadd.s32 $0xFFFFC000  }
0x67: {  	[tilespmem:s18], [sflag:$0x2] =	stream.indirect.gather [hbm4b:s4+s16], $0x80, s8, s16, $0xb8;
	[tilespmem:$0x1EC00] =	vst v63  }
0x68: {  	_ =	swait.ge [sflag:s30], $0x4000  }
.Ltmp2:
0x69: {  	[sflag:s30] =	ssyncset.done $0x0;
	(pc) =	sbr.rel @p0 .LBB2_6-.Ltmp2, $4  }
0x6a: {  	s7 =	sadd.s32 $0x15480, s7;
	[sflag:s30] =	ssyncadd.s32 $0xFFFFC000  }
0x6b: {  	[spmem:s1] =	stream.indirect.scatter.add.f32 [tilespmem:s28], [sflag:$0x4], $0x80, s7, s16, $0xb8;
	[tilespmem:$0x1EC00] =	vst v63  }
0x6c: {  	_ =	swait.ge [sflag:s19], $0x4000  }
0x6d: {  	s8 =	smov.u32 s11;
	s7 =	sshra.s32 s10, $0x2;
	[sflag:s19] =	ssyncset.done $0x0  }
0x6e: {  	s8 =	sadd.s32 $0x14080, s7;
	[sflag:s19] =	ssyncadd.s32 $0xFFFFC000  }
0x6f: {  	[tilespmem:s28], [sflag:$0x3] =	stream.indirect.gather [hbm4b:s4+s16], $0x80, s8, s16, $0xb8;
	[tilespmem:$0x1EC00] =	vst v63  }
0x70: {  	_ =	swait.ge [sflag:s29], $0x4000  }
0x71: {  	[sflag:s29] =	ssyncset.done $0x0  }
0x72: {  	s11 =	sadd.s32 $0x15400, s7;
	[sflag:s29] =	ssyncadd.s32 $0xFFFFC000  }
0x73: {  	[spmem:s1] =	stream.indirect.scatter.add.f32 [tilespmem:s18], [sflag:$0x4], $0x80, s11, s16, $0xb8;
	[tilespmem:$0x1EC00] =	vst v63  }
0x74: {  	_ =	swait.ge [sflag:s19], $0x4000  }
0x75: {  	[sflag:s19] =	ssyncset.done $0x0  }
0x76: {  	s9 =	sadd.s32 $0x14100, s7;
	[sflag:s19] =	ssyncadd.s32 $0xFFFFC000  }
0x77: {  	[tilespmem:s18], [sflag:$0x2] =	stream.indirect.gather [hbm4b:s4+s16], $0x80, s9, s16, $0xb8;
	[tilespmem:$0x1EC00] =	vst v63  }
0x78: {  	_ =	swait.ge [sflag:s30], $0x4000  }
0x79: {  	[sflag:s30] =	ssyncset.done $0x0  }
0x7a: {  	s10 =	sadd.s32 $0x15480, s7;
	[sflag:s30] =	ssyncadd.s32 $0xFFFFC000  }
0x7b: {  	[spmem:s1] =	stream.indirect.scatter.add.f32 [tilespmem:s28], [sflag:$0x4], $0x80, s10, s16, $0xb8;
	[tilespmem:$0x1EC00] =	vst v63  }
0x7c: {  	_ =	swait.ge [sflag:s19], $0x4000  }
0x7d: {  	[sflag:s19] =	ssyncset.done $0x0  }
0x7e: {  	[sflag:s19] =	ssyncadd.s32 $0xFFFFC000  }
0x7f: {  	[tilespmem:s28], [sflag:$0x3] =	stream.indirect.gather [hbm4b:s4+s16], $0x80, s31, s16, $0xb8;
	[tilespmem:$0x1EC00] =	vst v63  }
0x80: {  	_ =	swait.ge [sflag:s29], $0x4000  }
0x81: {  	[sflag:s29] =	ssyncset.done $0x0  }
0x82: {  	[sflag:s29] =	ssyncadd.s32 $0xFFFFC000  }
0x83: {  	[spmem:s1] =	stream.indirect.scatter.add.f32 [tilespmem:s18], [sflag:$0x4], $0x80, s0, s16, $0xb8;
	[tilespmem:$0x1EC00] =	vst v63  }
0x84: {  	_ =	swait.ge [sflag:s19], $0x4000  }
0x85: {  	[sflag:s19] =	ssyncset.done $0x0  }
0x86: {  	[sflag:s19] =	ssyncadd.s32 $0xFFFFC000  }
0x87: {  	_ =	swait.ge [sflag:s30], $0x4000  }
0x88: {  	[sflag:s30] =	ssyncset.done $0x0  }
0x89: {  	[sflag:s30] =	ssyncadd.s32 $0xFFFFC000  }
0x8a: {  	[spmem:s1] =	stream.indirect.scatter.add.f32 [tilespmem:s28], [sflag:$0x4], $0x80, s2, s16, $0xb8;
	[tilespmem:$0x1EC00] =	vst v63  }
0x8b: {  	_ =	swait.ge [sflag:s19], $0x4000  }
0x8c: {  	[sflag:s19] =	ssyncset.done $0x0  }
0x8d: {  	s11 =	simm.s32 $0x0;
	[sflag:s19] =	ssyncadd.s32 $0xFFFFC000  }
0x8e: {  	[tilespmem:s24], [sflag:$0x1] =	stream.linear.gather [hbm4b:s14+s11], $0x1400, $0x38;
	[tilespmem:$0x1EC00] =	vst v63  }
0x8f: {  	_ =	swait.ge [sflag:s25], $0x1400  }
0x90: {  	[sflag:s25] =	ssyncset.done $0x0  }
0x91: {  	[sflag:s25] =	ssyncadd.s32 $0xFFFFEC00  }
0x92: {  	[tilespmem:s26], [sflag:$0x1] =	stream.linear.gather [hbm4b:s15+s11], $0x1400, $0x38;
	[tilespmem:$0x1EC00] =	vst v63  }
0x93: {  	_ =	swait.ge [sflag:s25], $0x1400  }
0x94: {  	[sflag:s25] =	ssyncset.done $0x0  }
0x95: {  	[sflag:s25] =	ssyncadd.s32 $0xFFFFEC00  }
0x96: {  	[tilespmem:s18], [sflag:$0x2] =	stream.indirect.gather [hbm4b:s4+s16], $0x80, s24, s16, $0xb8;
	[tilespmem:$0x1EC00] =	vst v63  }
0x97: {  	s8 =	simm.s32 $0x14080  }
0x98: {  	[tilespmem:s28], [sflag:$0x3] =	stream.indirect.gather [hbm4b:s4+s16], $0x80, s8, s16, $0xb8;
	[tilespmem:$0x1EC00] =	vst v63  }
0x99: {  	_ =	swait.ge [sflag:s29], $0x4000  }
0x9a: {  	[sflag:s29] =	ssyncset.done $0x0  }
0x9b: {  	s9 =	simm.s32 $0x15400;
	[sflag:s29] =	ssyncadd.s32 $0xFFFFC000  }
0x9c: {  	[spmem:s1] =	stream.indirect.scatter.add.f32 [tilespmem:s18], [sflag:$0x4], $0x80, s9, s16, $0xb8;
	[tilespmem:$0x1EC00] =	vst v63  }
0x9d: {  	_ =	swait.ge [sflag:s19], $0x4000  }
0x9e: {  	[sflag:s19] =	ssyncset.done $0x0  }
0x9f: {  	s10 =	simm.s32 $0x14100;
	[sflag:s19] =	ssyncadd.s32 $0xFFFFC000  }
0xa0: {  	[tilespmem:s18], [sflag:$0x2] =	stream.indirect.gather [hbm4b:s4+s16], $0x80, s10, s16, $0xb8;
	[tilespmem:$0x1EC00] =	vst v63  }
0xa1: {  	_ =	swait.ge [sflag:s30], $0x4000  }
0xa2: {  	[sflag:s30] =	ssyncset.done $0x0  }
0xa3: {  	s11 =	simm.s32 $0x15480;
	[sflag:s30] =	ssyncadd.s32 $0xFFFFC000  }
0xa4: {  	[spmem:s1] =	stream.indirect.scatter.add.f32 [tilespmem:s28], [sflag:$0x4], $0x80, s11, s16, $0xb8;
	[tilespmem:$0x1EC00] =	vst v63  }
0xa5: {  	_ =	swait.ge [sflag:s19], $0x4000  }
0xa6: {  	s7 =	simm.s32 $0x100;
	s8 =	simm.s32 $0x800;
	[sflag:s19] =	ssyncset.done $0x0  }
.LBB2_8:
0xa7: {  	s9 =	sadd.s32 $0x14080, s7  }
0xa8: {  	[sflag:s19] =	ssyncadd.s32 $0xFFFFC000;
	s10 =	smov.u32 s8;
	s11 =	sadd.s32 $0x400, s8  }
0xa9: {  	[tilespmem:s28], [sflag:$0x3] =	stream.indirect.gather [hbm4b:s4+s16], $0x80, s9, s16, $0xb8;
	[tilespmem:$0x1EC00] =	vst v63  }
0xaa: {  	p0 =	sne.s32 s8, $0x4800;
	_ =	swait.ge [sflag:s29], $0x4000  }
0xab: {  	[sflag:s29] =	ssyncset.done $0x0  }
0xac: {  	s8 =	sadd.s32 $0x15400, s7;
	[sflag:s29] =	ssyncadd.s32 $0xFFFFC000  }
0xad: {  	[spmem:s1] =	stream.indirect.scatter.add.f32 [tilespmem:s18], [sflag:$0x4], $0x80, s8, s16, $0xb8;
	[tilespmem:$0x1EC00] =	vst v63  }
0xae: {  	_ =	swait.ge [sflag:s19], $0x4000  }
0xaf: {  	[sflag:s19] =	ssyncset.done $0x0  }
0xb0: {  	s8 =	sadd.s32 $0x14100, s7;
	[sflag:s19] =	ssyncadd.s32 $0xFFFFC000  }
0xb1: {  	[tilespmem:s18], [sflag:$0x2] =	stream.indirect.gather [hbm4b:s4+s16], $0x80, s8, s16, $0xb8;
	[tilespmem:$0x1EC00] =	vst v63  }
0xb2: {  	_ =	swait.ge [sflag:s30], $0x4000  }
.Ltmp3:
0xb3: {  	[sflag:s30] =	ssyncset.done $0x0;
	(pc) =	sbr.rel @p0 .LBB2_8-.Ltmp3, $4  }
0xb4: {  	s7 =	sadd.s32 $0x15480, s7;
	[sflag:s30] =	ssyncadd.s32 $0xFFFFC000  }
0xb5: {  	[spmem:s1] =	stream.indirect.scatter.add.f32 [tilespmem:s28], [sflag:$0x4], $0x80, s7, s16, $0xb8;
	[tilespmem:$0x1EC00] =	vst v63  }
0xb6: {  	_ =	swait.ge [sflag:s19], $0x4000  }
0xb7: {  	s8 =	smov.u32 s11;
	s7 =	sshra.s32 s10, $0x2;
	[sflag:s19] =	ssyncset.done $0x0  }
0xb8: {  	s8 =	sadd.s32 $0x14080, s7;
	[sflag:s19] =	ssyncadd.s32 $0xFFFFC000  }
0xb9: {  	[tilespmem:s28], [sflag:$0x3] =	stream.indirect.gather [hbm4b:s4+s16], $0x80, s8, s16, $0xb8;
	[tilespmem:$0x1EC00] =	vst v63  }
0xba: {  	_ =	swait.ge [sflag:s29], $0x4000  }
0xbb: {  	[sflag:s29] =	ssyncset.done $0x0  }
0xbc: {  	s10 =	sadd.s32 $0x15400, s7;
	[sflag:s29] =	ssyncadd.s32 $0xFFFFC000  }
0xbd: {  	[spmem:s1] =	stream.indirect.scatter.add.f32 [tilespmem:s18], [sflag:$0x4], $0x80, s10, s16, $0xb8;
	[tilespmem:$0x1EC00] =	vst v63  }
0xbe: {  	_ =	swait.ge [sflag:s19], $0x4000  }
0xbf: {  	[sflag:s19] =	ssyncset.done $0x0  }
0xc0: {  	s11 =	sadd.s32 $0x14100, s7;
	[sflag:s19] =	ssyncadd.s32 $0xFFFFC000  }
0xc1: {  	[tilespmem:s18], [sflag:$0x2] =	stream.indirect.gather [hbm4b:s4+s16], $0x80, s11, s16, $0xb8;
	[tilespmem:$0x1EC00] =	vst v63  }
0xc2: {  	_ =	swait.ge [sflag:s30], $0x4000  }
0xc3: {  	[sflag:s30] =	ssyncset.done $0x0  }
0xc4: {  	s9 =	sadd.s32 $0x15480, s7;
	[sflag:s30] =	ssyncadd.s32 $0xFFFFC000  }
0xc5: {  	[spmem:s1] =	stream.indirect.scatter.add.f32 [tilespmem:s28], [sflag:$0x4], $0x80, s9, s16, $0xb8;
	[tilespmem:$0x1EC00] =	vst v63  }
0xc6: {  	_ =	swait.ge [sflag:s19], $0x4000  }
0xc7: {  	[sflag:s19] =	ssyncset.done $0x0  }
0xc8: {  	[sflag:s19] =	ssyncadd.s32 $0xFFFFC000  }
0xc9: {  	[tilespmem:s28], [sflag:$0x3] =	stream.indirect.gather [hbm4b:s4+s16], $0x80, s31, s16, $0xb8;
	[tilespmem:$0x1EC00] =	vst v63  }
0xca: {  	_ =	swait.ge [sflag:s29], $0x4000  }
0xcb: {  	[sflag:s29] =	ssyncset.done $0x0  }
0xcc: {  	[sflag:s29] =	ssyncadd.s32 $0xFFFFC000  }
0xcd: {  	[spmem:s1] =	stream.indirect.scatter.add.f32 [tilespmem:s18], [sflag:$0x4], $0x80, s0, s16, $0xb8;
	[tilespmem:$0x1EC00] =	vst v63  }
0xce: {  	_ =	swait.ge [sflag:s19], $0x4000  }
0xcf: {  	[sflag:s19] =	ssyncset.done $0x0  }
0xd0: {  	[sflag:s19] =	ssyncadd.s32 $0xFFFFC000  }
0xd1: {  	_ =	swait.ge [sflag:s30], $0x4000  }
0xd2: {  	[sflag:s30] =	ssyncset.done $0x0  }
0xd3: {  	[sflag:s30] =	ssyncadd.s32 $0xFFFFC000  }
0xd4: {  	[spmem:s1] =	stream.indirect.scatter.add.f32 [tilespmem:s28], [sflag:$0x4], $0x80, s2, s16, $0xb8;
	[tilespmem:$0x1EC00] =	vst v63  }
0xd5: {  	_ =	swait.ge [sflag:s19], $0x4000  }
0xd6: {  	[sflag:s19] =	ssyncset.done $0x0  }
0xd7: {  	[sflag:s19] =	ssyncadd.s32 $0xFFFFC000  }
0xd8: {  	[bflag:$0x0] =	sbarrier.arrive $0xFFFF  }
0xd9: {  	[tilespmem:s18], [sflag:$0x1] =	stream.indirect.gather [spmem:s1], $0x80, s17, s16, $0xb8;
	[tilespmem:$0x1EC00] =	vst v63  }
0xda: {  	_ =	swait.ge [sflag:s25], $0x4000  }
0xdb: {  	[sflag:s25] =	ssyncset.done $0x0  }
0xdc: {  	s10 =	rddreg [dreg:$0x4];
	[sflag:s25] =	ssyncadd.s32 $0xFFFFC000  }
0xdd: {  	[hbm4b:s10+s3] =	stream.linear.scatter [tilespmem:s18], [sflag:$0x4], $0x4000, $0x38;
	[tilespmem:$0x1EC00] =	vst v63  }
0xde: {  	_ =	swait.ge [sflag:s19], $0x4000  }
0xdf: {  	[sflag:s19] =	ssyncset.done $0x0  }
0xe0: {  	[sflag:s19] =	ssyncadd.s32 $0xFFFFC000  }
0xe1: {  	[tilespmem:s18], [sflag:$0x1] =	stream.indirect.gather [spmem:s1], $0x80, s20, s16, $0xb8;
	[tilespmem:$0x1EC00] =	vst v63  }
0xe2: {  	_ =	swait.ge [sflag:s25], $0x4000  }
0xe3: {  	[sflag:s25] =	ssyncset.done $0x0  }
0xe4: {  	s11 =	rddreg [dreg:$0x5];
	[sflag:s25] =	ssyncadd.s32 $0xFFFFC000  }
0xe5: {  	[hbm4b:s11+s3] =	stream.linear.scatter [tilespmem:s18], [sflag:$0x4], $0x4000, $0x38;
	[tilespmem:$0x1EC00] =	vst v63  }
0xe6: {  	_ =	swait.ge [sflag:s19], $0x4000  }
0xe7: {  	[sflag:s19] =	ssyncset.done $0x0  }
0xe8: {  	[sflag:s19] =	ssyncadd.s32 $0xFFFFC000  }
0xe9: {  	[tilespmem:s18], [sflag:$0x1] =	stream.indirect.gather [spmem:s1], $0x80, s21, s16, $0xb8;
	[tilespmem:$0x1EC00] =	vst v63  }
0xea: {  	_ =	swait.ge [sflag:s25], $0x4000  }
0xeb: {  	[sflag:s25] =	ssyncset.done $0x0  }
0xec: {  	s8 =	rddreg [dreg:$0x6];
	[sflag:s25] =	ssyncadd.s32 $0xFFFFC000  }
0xed: {  	[hbm4b:s8+s3] =	stream.linear.scatter [tilespmem:s18], [sflag:$0x4], $0x4000, $0x38;
	[tilespmem:$0x1EC00] =	vst v63  }
0xee: {  	_ =	swait.ge [sflag:s19], $0x4000  }
0xef: {  	[sflag:s19] =	ssyncset.done $0x0  }
0xf0: {  	[sflag:s19] =	ssyncadd.s32 $0xFFFFC000  }
0xf1: {  	[tilespmem:s18], [sflag:$0x1] =	stream.indirect.gather [spmem:s1], $0x80, s22, s16, $0xb8;
	[tilespmem:$0x1EC00] =	vst v63  }
0xf2: {  	_ =	swait.ge [sflag:s25], $0x4000  }
0xf3: {  	[sflag:s25] =	ssyncset.done $0x0  }
0xf4: {  	s9 =	rddreg [dreg:$0x7];
	[sflag:s25] =	ssyncadd.s32 $0xFFFFC000  }
0xf5: {  	[hbm4b:s9+s3] =	stream.linear.scatter [tilespmem:s18], [sflag:$0x4], $0x4000, $0x38;
	[tilespmem:$0x1EC00] =	vst v63  }
0xf6: {  	_ =	swait.ge [sflag:s19], $0x4000  }
0xf7: {  	[sflag:s19] =	ssyncset.done $0x0  }
0xf8: {  	[sflag:s19] =	ssyncadd.s32 $0xFFFFC000  }
0xf9: {  	[tilespmem:s18], [sflag:$0x1] =	stream.indirect.gather [spmem:s1], $0x80, s23, s16, $0xb8;
	[tilespmem:$0x1EC00] =	vst v63  }
0xfa: {  	_ =	swait.ge [sflag:s25], $0x4000  }
0xfb: {  	[sflag:s25] =	ssyncset.done $0x0  }
0xfc: {  	s10 =	rddreg [dreg:$0x8];
	[sflag:s25] =	ssyncadd.s32 $0xFFFFC000  }
0xfd: {  	[hbm4b:s10+s3] =	stream.linear.scatter [tilespmem:s18], [sflag:$0x4], $0x4000, $0x38;
	[tilespmem:$0x1EC00] =	vst v63  }
0xfe: {  	_ =	swait.ge [sflag:s19], $0x4000  }
0xff: {  	s6 =	sadd.s32 $0x1, s6;
	s11 =	rddreg [dreg:$0x3]  }
0x100: {  	p0 =	sne.s32 s6, s11  }
.Ltmp4:
0x101: {  	_ = 	snop;
	(pc) =	sbr.rel @p0 .LBB2_1-.Ltmp4, $3  }
0x102: {  	_ =	sdelay $0x1  }
0x103: {  	[sflag:s19] =	ssyncset.done $0x0  }
0x104: {  	[sflag:s19] =	ssyncadd.s32 $0xFFFFC000  }
0x105: {  	_ =	sfence.sel $0x180000  }
0x106: {  	[bflag:$0x0] =	sbarrier.arrive $0xFFFF  }
0x107: {  	_ =	strace $0x9000004D  }
0x108: {  	s0 =	stileid.u32;
	[bflag:$0x2] =	sbarrier.arrive $0xFFFF  }
0x109: {  	p0 =	sne.s32 s0, $0x0;
	s0 =	rddreg [dreg:$0x2]  }
0x10a: {  	s0 =	sadd.s32 @!p0 $0x100000, s0  }
0x10b: {  	[sflag:s0] =	ssyncadd.tile.s32 @!p0 $0x1;
	_ =	shalt  }
.Lfunc_end2:
_tile_overlayer_lowered:
.L_overlay_start_2:
0x10c: {  	(tag) =	ssettag $0x2  }
0x10d: {  	s0 =	rddreg [dreg:$0x0];
	s2 =	stileid.u32  }
0x10e: {  	s1 =	rddreg [dreg:$0x1];
	p0 =	sne.s32 s2, $0x0  }
0x10f: {  	s3 =	rddreg [dreg:$0x2];
	[bflag:$0x3] =	sbarrier.arrive $0xFFFF;
	s2 =	simm.s32 @!p0 $0x1C04  }
0x110: {  	[timem:s3], [sflag:s2] =	dma.local @!p0 [hbm:s0], s1  }
0x111: {  	s0 =	simm.s32 @!p0 $0x4  }
0x112: {  	_ =	swait.ge @!p0 [sflag:s0], s1  }
0x113: {  	s1 =	ssub.s32 @!p0 $0x0, s1;
	[sflag:s0] =	ssyncset.done @!p0 $0x0  }
0x114: {  	[sflag:s0] =	ssyncadd.s32 @!p0 s1  }
0x115: {  	[bflag:$0x3] =	sbarrier.arrive $0xFFFF  }
0x116: {  	_ =	shalt  }

// kernel: kernel.9.cloned.1.call-start
scs
__scs_entry_jumppad:
0x0: {  	(pc) =	sbr.rel $0x88, $3  }
0x1: {  	(tag) =	ssettag $0x0;
	lr =	simm.s32 $0x1  }
0x2: {  	[smem:$0x3F9B] =	sst lr;
	_ =	strace $0xD0000000  }
0x3: {  	_ = 	snop  }
0x4: {  	_ = 	snop  }
0x5: {  	_ = 	snop  }
0x6: {  	_ = 	snop  }
0x7: {  	_ = 	snop  }
__scs_overlays_trampoline_lowered:
0x8: {  	[smem:$0x3FAA] =	sst s0  }
0x9: {  	[smem:$0x3FAB] =	sst s1  }
0xa: {  	[smem:$0x3FAC] =	sst s2  }
0xb: {  	[smem:$0x3FAD] =	sst s3  }
0xc: {  	[smem:$0x3FAE] =	sst s4  }
0xd: {  	[smem:$0x3FAF] =	sst s5  }
0xe: {  	[smem:$0x3FB0] =	sst s6  }
0xf: {  	[smem:$0x3FB1] =	sst s7  }
0x10: {  	[smem:$0x3FB2] =	sst s8  }
0x11: {  	[smem:$0x3FB3] =	sst s9;
	s0 =	simm.s32 @!p0 $0x0  }
0x12: {  	s1 =	sld [smem:$0x3F99];
	s0 =	simm.s32 @p0 $0x1  }
0x13: {  	[smem:$0x3FB4] =	sst s0;
	s0 =	simm.s32 @!p1 $0x0  }
0x14: {  	s2 =	sld [smem:$0x3F98];
	s0 =	simm.s32 @p1 $0x1  }
0x15: {  	[smem:$0x3FB5] =	sst s0;
	s0 =	simm.s32 @!p2 $0x0  }
0x16: {  	s3 =	sld [smem:$0x3FDB];
	s0 =	simm.s32 @p2 $0x1  }
0x17: {  	s4 =	simm.s32 $0x1BF5;
	[smem:$0x3FB7] =	sst s0  }
0x18: {  	s0 =	sld [smem:$0x3F9A];
	_ =	swait.ge [sflag:s4], $0x0  }
0x19: {  	s7 =	sld [smem:$0x3F9B]  }
0x1a: {  	s8 =	sadd.s32 $0xFFFFE003, lr  }
0x1b: {  	s9 =	sadd.s32 $0xFFFFFEF7, lr;
	s5 =	simm.s32 $0xFFFFFFFF;
	p2 =	slt.u32 s8, $0xFFFFF086  }
0x1c: {  	p1 =	slt.u32 s9, $0xF7A;
	s5 =	simm.s32 @!p2 $0x0  }
0x1d: {  	s5 =	simm.s32 @p1 $0x1;
	p0 =	seq.s32 s7, s2  }
0x1e: {  	s7 =	smul.u32 @!p0 $0xF7A, s2;
	p2 =	seq.s32 @!p0 s5, $0x0  }
0x1f: {  	s9 =	smul.u32 $0xF7A, s1;
	s8 =	simm.s32 @!p0 $0x1BF5;
	p2 =	por !p2, p0  }
0x20: {  	[sflag:s8] =	ssyncset.s32 @!p0 $0xFFFFF086;
	s6 =	sadd.s32 @!p0 s3, s7;
	s7 =	simm.s32 @!p0 $0x108  }
0x21: {  	s3 =	sadd.s32 s3, s9;
	s6 =	sadd.s32 @!p0 $0x88, s6;
	s7 =	simm.s32 @p2 $0x1082  }
0x22: {  	[simem:s7], [sflag:s8] =	dma.local @!p0 [hbm:s6], $0xF7A  }
0x23: {  	s9 =	sor.u32 $0xD0000000, s2;
	s6 =	simm.s32 $0x108;
	_ =	swait.ge @!p0 [sflag:s8], $0x0  }
0x24: {  	s3 =	sadd.s32 $0x88, s3;
	s6 =	simm.s32 @!p1 $0x1082;
	[sflag:s4] =	ssyncset.s32 $0xFFFFF086  }
0x25: {  	[simem:s6], [sflag:s4] =	dma.local [hbm:s3], $0xF7A  }
0x26: {  	[smem:$0x3F9B] =	sst s1;
	(tag) =	ssettag s2;
	_ =	strace s9  }
0x27: {  	s1 =	sld [smem:$0x3FAB]  }
0x28: {  	s2 =	sld [smem:$0x3FAC]  }
0x29: {  	s4 =	sld [smem:$0x3FAE]  }
0x2a: {  	p0 =	seq.s32 s5, $0x0;
	s5 =	sld [smem:$0x3FAF]  }
0x2b: {  	s6 =	sld [smem:$0x3FB0]  }
0x2c: {  	s7 =	sld [smem:$0x3FB1]  }
0x2d: {  	s3 =	simm.s32 $0x108;
	s8 =	sld [smem:$0x3FB2]  }
0x2e: {  	s3 =	simm.s32 @!p0 $0x1082;
	s9 =	sld [smem:$0x3FB3]  }
0x2f: {  	lr =	sadd.s32 s0, s3;
	s0 =	sld [smem:$0x3FAA]  }
0x30: {  	s3 =	sld [smem:$0x3FAD]  }
0x31: {  	[smem:$0x3FB6] =	sst s10  }
0x32: {  	s10 =	sld [smem:$0x3FB4];
	_ =	sdelay $0x3  }
0x33: {  	p0 =	seq.s32 s10, $0x1;
	s10 =	sld [smem:$0x3FB6];
	_ =	sdelay $0x3  }
0x34: {  	[smem:$0x3FB6] =	sst s10  }
0x35: {  	s10 =	sld [smem:$0x3FB5];
	_ =	sdelay $0x3  }
0x36: {  	p1 =	seq.s32 s10, $0x1;
	s10 =	sld [smem:$0x3FB6];
	_ =	sdelay $0x3  }
0x37: {  	[smem:$0x3FB6] =	sst s10  }
0x38: {  	s10 =	sld [smem:$0x3FB7]  }
0x39: {  	_ = 	snop;
	(pc) =	sbr.ind lr, $3  }
0x3a: {  	_ = 	snop  }
0x3b: {  	_ = 	snop  }
0x3c: {  	p2 =	seq.s32 s10, $0x1;
	s10 =	sld [smem:$0x3FB6]  }
0x3d: {  	_ =	shalt  }
0x3e: {  	_ =	shalt  }
0x3f: {  	_ =	shalt  }
0x40: {  	_ =	shalt  }
0x41: {  	_ =	shalt  }
0x42: {  	_ =	shalt  }
0x43: {  	_ =	shalt  }
0x44: {  	_ =	shalt  }
0x45: {  	_ =	shalt  }
0x46: {  	_ =	shalt  }
0x47: {  	_ =	shalt  }
0x48: {  	_ =	shalt  }
0x49: {  	_ =	shalt  }
0x4a: {  	_ =	shalt  }
0x4b: {  	_ =	shalt  }
0x4c: {  	_ =	shalt  }
0x4d: {  	_ =	shalt  }
0x4e: {  	_ =	shalt  }
0x4f: {  	_ =	shalt  }
0x50: {  	_ =	shalt  }
0x51: {  	_ =	shalt  }
0x52: {  	_ =	shalt  }
0x53: {  	_ =	shalt  }
0x54: {  	_ =	shalt  }
0x55: {  	_ =	shalt  }
0x56: {  	_ =	shalt  }
0x57: {  	_ =	shalt  }
0x58: {  	_ =	shalt  }
0x59: {  	_ =	shalt  }
0x5a: {  	_ =	shalt  }
0x5b: {  	_ =	shalt  }
0x5c: {  	_ =	shalt  }
0x5d: {  	_ =	shalt  }
0x5e: {  	_ =	shalt  }
0x5f: {  	_ =	shalt  }
0x60: {  	_ =	shalt  }
0x61: {  	_ =	shalt  }
0x62: {  	_ =	shalt  }
0x63: {  	_ =	shalt  }
0x64: {  	_ =	shalt  }
0x65: {  	_ =	shalt  }
0x66: {  	_ =	shalt  }
0x67: {  	_ =	shalt  }
0x68: {  	_ =	shalt  }
0x69: {  	_ =	shalt  }
0x6a: {  	_ =	shalt  }
0x6b: {  	_ =	shalt  }
0x6c: {  	_ =	shalt  }
0x6d: {  	_ =	shalt  }
0x6e: {  	_ =	shalt  }
0x6f: {  	_ =	shalt  }
0x70: {  	_ =	shalt  }
0x71: {  	_ =	shalt  }
0x72: {  	_ =	shalt  }
0x73: {  	_ =	shalt  }
0x74: {  	_ =	shalt  }
0x75: {  	_ =	shalt  }
0x76: {  	_ =	shalt  }
0x77: {  	_ =	shalt  }
0x78: {  	_ =	shalt  }
0x79: {  	_ =	shalt  }
0x7a: {  	_ =	shalt  }
0x7b: {  	_ =	shalt  }
0x7c: {  	_ =	shalt  }
0x7d: {  	_ =	shalt  }
0x7e: {  	_ =	shalt  }
0x7f: {  	_ =	shalt  }
0x80: {  	_ =	shalt  }
0x81: {  	_ =	shalt  }
0x82: {  	_ =	shalt  }
0x83: {  	_ =	shalt  }
0x84: {  	_ =	shalt  }
0x85: {  	_ =	shalt  }
0x86: {  	_ =	shalt  }
0x87: {  	_ =	shalt  }
.Lfunc_end0:
.L_simem_size_0:
called_computation_lowered:
.L_overlay_start_0:
0x88: {  	s2 =	sld [smem:$0x3FD9]  }
0x89: {  	s3 =	sld [smem:$0x3FFE];
	_ =	sdelay $0x1  }
0x8a: {  	s1 =	srdreg.scid  }
0x8b: {  	s0 =	sand.u32 $0x1, s1  }
0x8c: {  	s17 =	sshll.u32 s0, $0xA;
	s2 =	sadd.s32 s3, s2  }
0x8d: {  	s2 =	sadd.s32 s2, s17  }
0x8e: {  	[smem:$0x3FC2] =	sst s2  }
0x8f: {  	_ = 	snop  }
0x90: {  	s2 =	sld [smem:$0x3FD0];
	(tm) =	ssettm $0x1  }
0x91: {  	s18 =	sld [smem:$0x3FFB];
	_ =	sdelay $0x3  }
0x92: {  	_ =	strace s18  }
0x93: {  	s3 =	sld [smem:$0x3FFC];
	_ =	sdelay $0x3  }
0x94: {  	_ =	strace s3  }
0x95: {  	s3 =	sld [smem:$0x3FFD];
	_ =	sdelay $0x3  }
0x96: {  	_ =	strace s3  }
0x97: {  	_ =	strace $0x8FFFFFFF  }
0x98: {  	s19 =	sld [smem:$0x3FDB];
	_ =	sdelay $0x1  }
0x99: {  	s4 =	simm.s32 $_scs_section_size  }
0x9a: {  	s5 =	simm.s32 $_size__tile_overlayer_lowered;
	s6 =	simm.s32 $_tile_overlayer_lowered  }
0x9b: {  	s22 =	simm.s32 $0x1BFF;
	s21 =	sshll.u32 s6, $0x1;
	s3 =	sadd.s32 s4, s19  }
0x9c: {  	s7 =	simm.s32 $0x0;
	s20 =	sshll.u32 s5, $0x1;
	s5 =	sadd.s32 s21, s3  }
0x9d: {  	[timem:s7], [sflag:s22] =	dma.local [hbm:s5], s20  }
0x9e: {  	_ =	swait.ge [sflag:s22], s20  }
0x9f: {  	s4 =	ssub.s32 $0x0, s20;
	[sflag:s22] =	ssyncset.done $0x0  }
0xa0: {  	[sflag:s22] =	ssyncadd.s32 s4;
	_ =	sdelay $0x1  }
0xa1: {  	s23 =	simm.s32 $0x1B8B  }
0xa2: {  	_ =	swait.ge [sflag:s23], $0x1  }
0xa3: {  	[sflag:s23] =	ssyncset.done $0x0  }
0xa4: {  	s25 =	simm.s32 $0x1B8E;
	s24 =	sld [smem:$0x3FFE];
	[sflag:s23] =	ssyncadd.s32 $0xFFFFFFFF  }
0xa5: {  	s26 =	simm.s32 $execute0_lowered;
	[smem:$0x3FD2] =	sst s25  }
0xa6: {  	s5 =	sshll.u32 s26, $0x1;
	_ =	strace $0x80000046;
	[dreg:$0x1] =	wrdreg $0xFFFFFFFF  }
0xa7: {  	s28 =	simm.s32 $_size_execute0_lowered;
	s3 =	sadd.s32 s3, s5;
	[dreg:$0x0] =	wrdreg $0x0  }
0xa8: {  	s5 =	sshll.u32 s28, $0x1;
	[dreg:$0x2] =	wrdreg s3  }
0xa9: {  	[dreg:$0x3] =	wrdreg s5  }
0xaa: {  	[dreg:$0x4] =	wrdreg $0xC0  }
0xab: {  	_ =	task [dreg:s7], $0x5FFFF  }
0xac: {  	[dreg:$0x1] =	wrdreg $0xFFFFFFFF  }
0xad: {  	[dreg:$0x0] =	wrdreg $0x60  }
0xae: {  	[dreg:$0x2] =	wrdreg s2  }
0xaf: {  	[dreg:$0x3] =	wrdreg s24  }
0xb0: {  	[dreg:$0x4] =	wrdreg $0x0  }
0xb1: {  	[dreg:$0x5] =	wrdreg $0x9  }
0xb2: {  	_ =	task.clear_ibuf [dreg:s7], $0x6FFFF;
	_ =	strace $0x90000046  }
0xb3: {  	s29 =	simm.s32 $0x9;
	_ =	strace $0x80000048  }
0xb4: {  	_ =	swait.ge [sflag:s29], $0x1  }
0xb5: {  	[sflag:s29] =	ssyncadd.s32 $0xFFFFFFFF  }
0xb6: {  	_ =	strace $0x90000048  }
0xb7: {  	_ =	sfence  }
0xb8: {  	s30 =	sld [smem:$0x0];
	_ =	sdelay $0x2  }
0xb9: {  	s31 =	sshll.u32 s1, $0xD;
	s1 =	sshrl.u32 s1, $0x2  }
0xba: {  	s3 =	sand.u32 $0x4000, s31;
	s1 =	sadd.s32 s1, s30  }
0xbb: {  	s0 =	sor.u32 s3, s0;
	s1 =	sshll.u32 s1, $0x11  }
0xbc: {  	s0 =	sor.u32 s1, s0  }
0xbd: {  	s0 =	sadd.s32 $0x8F2B, s0  }
0xbe: {  	[sflag:s0] =	ssyncadd.remote.s32 $0x1  }
0xbf: {  	_ =	sfence.sel $0xFFFF  }
0xc0: {  	[dreg:$0x0] =	wrdreg $0xFFFFFFFF;
	(pc) =	sbr.abs _section_cstart, $3  }
0xc1: {  	[dreg:$0x1] =	wrdreg $0xFFFFFFFF  }
0xc2: {  	_ =	task.clear_ibuf [dreg:s7], $0x2FFFF;
	_ =	strace $0x9FFFFFFF  }
0xc3: {  	(tm) =	ssettm $0x7FFFFFFF  }
tec
execute0_lowered:
.L_overlay_start_1:
0x0: {  	(tag) =	ssettag $0x1  }
0x1: {  	s0 =	rddreg [dreg:$0x0]  }
0x2: {  	s1 =	rddreg [dreg:$0x1]  }
0x3: {  	s2 =	srdreg.scid;
	s3 =	rddreg [dreg:$0x2]  }
0x4: {  	s10 =	stileid.u32;
	s4 =	simm.s32 $0x0;
	s28 =	simm.s32 $0x16280  }
0x5: {  	s29 =	simm.s32 $0x16300;
	s2 =	sand.u32 $0x1, s2;
	s7 =	smul.u32 $0x14000, s10  }
0x6: {  	s30 =	simm.s32 $0x16380;
	s31 =	simm.s32 $0x16400;
	s6 =	smul.u32 $0x140000, s2  }
0x7: {  	s11 =	simm.s32 $0x18800;
	s12 =	simm.s32 $0x2;
	s8 =	ssub.s32 $0x2, s2  }
0x8: {  	s13 =	simm.s32 $0x3;
	s9 =	sshrl.u32 s8, $0x1;
	s6 =	sadd.s32 s7, s6  }
0x9: {  	[smem:$0x7FF] =	sst s4;
	s8 =	ssub.s32 s8, s9;
	s7 =	sshrl.u32 s6, $0x3  }
0xa: {  	s5 =	sadd.s32 $0x16400, s1;
	s17 =	smax.u32 s8, $0x1;
	s1 =	sadd.s32 s7, s1  }
0xb: {  	_ =	strace $0x80000047;
	[dreg:$0x4] =	wrdreg s17;
	s18 =	sadd.s32 $0x2A400, s1  }
0xc: {  	s14 =	simm.s32 $0x0;
	s19 =	sadd.s32 $0x2A800, s1;
	[dreg:$0x5] =	wrdreg s18  }
0xd: {  	s2 =	sshll.u32 s2, $0x4;
	s20 =	sadd.s32 $0x2AC00, s1;
	[dreg:$0x6] =	wrdreg s19  }
0xe: {  	s2 =	sor.u32 s10, s2;
	s21 =	sadd.s32 $0x2B000, s1;
	[dreg:$0x7] =	wrdreg s20  }
0xf: {  	s9 =	simm.s32 $0x15000;
	s22 =	sadd.s32 $0x2B400, s1;
	[dreg:$0x8] =	wrdreg s21  }
0x10: {  	s6 =	smul.u32 $0x280, s10;
	s23 =	sadd.s32 $0x2B800, s1;
	[dreg:$0x9] =	wrdreg s22  }
0x11: {  	s8 =	simm.s32 $0x1;
	s24 =	sadd.s32 $0x2BC00, s1;
	[dreg:$0xa] =	wrdreg s23  }
0x12: {  	s10 =	simm.s32 $0x16800;
	s25 =	sadd.s32 $0x2C000, s1;
	[dreg:$0xb] =	wrdreg s24  }
0x13: {  	s7 =	smul.u32 $0x5000, s2;
	s26 =	sadd.s32 $0x2C400, s1;
	[dreg:$0xc] =	wrdreg s25  }
0x14: {  	s2 =	simm.s32 $0x14000;
	s1 =	sadd.s32 $0x2C800, s1;
	[dreg:$0xd] =	wrdreg s26  }
0x15: {  	[dreg:$0xe] =	wrdreg s1;
	s19 =	simm.s32 $0x40;
	s18 =	simm.s32 $0x16000  }
0x16: {  	s21 =	simm.s32 $0x1A800;
	s22 =	simm.s32 $0x5;
	s25 =	simm.s32 $0x16080  }
0x17: {  	v0 =	vimm.f32 $1.000000000e+00;
	v1 =	vimm.f32 $0.0e+00;
	v2 =	vlaneseq.u32;
	s26 =	simm.s32 $0x16200;
	s1 =	simm.s32 $0x16480;
	s20 =	simm.s32 $0x4  }
.LBB2_1:
0x18: {  	s16 =	simm.s32 $0x0;
	s15 =	simm.s32 $0x200  }
.LBB2_2:
0x19: {  	p0 =	sne.s32 s15, $0x7E00;
	[tilespmem:s16+$0x18870] =	vst v0  }
0x1a: {  	[tilespmem:s16+$0x16800] =	vst v0  }
0x1b: {  	[tilespmem:s16+$0x18800] =	vst v1  }
0x1c: {  	[tilespmem:s16+$0x16810] =	vst v0  }
0x1d: {  	[tilespmem:s16+$0x18810] =	vst v1  }
0x1e: {  	[tilespmem:s16+$0x16820] =	vst v0  }
0x1f: {  	[tilespmem:s16+$0x18820] =	vst v1  }
0x20: {  	[tilespmem:s16+$0x16830] =	vst v0  }
0x21: {  	[tilespmem:s16+$0x18830] =	vst v1  }
0x22: {  	[tilespmem:s16+$0x16840] =	vst v1  }
0x23: {  	[tilespmem:s16+$0x18840] =	vst v0  }
.Ltmp0:
0x24: {  	[tilespmem:s16+$0x16850] =	vst v1;
	(pc) =	sbr.rel @p0 .LBB2_2-.Ltmp0, $4  }
0x25: {  	[tilespmem:s16+$0x18850] =	vst v0  }
0x26: {  	[tilespmem:s16+$0x16860] =	vst v1  }
0x27: {  	[tilespmem:s16+$0x18860] =	vst v0  }
0x28: {  	[tilespmem:s16+$0x16870] =	vst v1;
	s16 =	sshra.s32 s15, $0x2;
	s15 =	sadd.s32 $0x200, s15  }
0x29: {  	[tilespmem:s16+$0x18870] =	vst v0  }
0x2a: {  	[tilespmem:s16+$0x16800] =	vst v0  }
0x2b: {  	[tilespmem:s16+$0x18800] =	vst v1  }
0x2c: {  	[tilespmem:s16+$0x16810] =	vst v0  }
0x2d: {  	[tilespmem:s16+$0x18810] =	vst v1  }
0x2e: {  	[tilespmem:s16+$0x16820] =	vst v0  }
0x2f: {  	[tilespmem:s16+$0x18820] =	vst v1  }
0x30: {  	[tilespmem:s16+$0x16830] =	vst v0  }
0x31: {  	[tilespmem:s16+$0x18830] =	vst v1  }
0x32: {  	[tilespmem:s16+$0x16840] =	vst v1  }
0x33: {  	[tilespmem:s16+$0x18840] =	vst v0  }
0x34: {  	[tilespmem:s16+$0x16850] =	vst v1  }
0x35: {  	[tilespmem:s16+$0x18850] =	vst v0  }
0x36: {  	[tilespmem:s16+$0x16860] =	vst v1  }
0x37: {  	[tilespmem:s16+$0x18860] =	vst v0  }
0x38: {  	s15 =	simm.s32 $0x0;
	[tilespmem:s16+$0x16870] =	vst v1;
	s16 =	simm.s32 $0x0;
	s23 =	simm.s32 $0x200  }
.LBB2_4:
0x39: {  	p0 =	sne.s32 s23, $0x7E00;
	[tilespmem:s16+$0x1A870] =	vst v1  }
0x3a: {  	[tilespmem:s16+$0x1A800] =	vst v1  }
0x3b: {  	[tilespmem:s16+$0x1A810] =	vst v1  }
.Ltmp1:
0x3c: {  	[tilespmem:s16+$0x1A820] =	vst v1;
	(pc) =	sbr.rel @p0 .LBB2_4-.Ltmp1, $4  }
0x3d: {  	[tilespmem:s16+$0x1A830] =	vst v1  }
0x3e: {  	[tilespmem:s16+$0x1A840] =	vst v1  }
0x3f: {  	[tilespmem:s16+$0x1A850] =	vst v1  }
0x40: {  	[tilespmem:s16+$0x1A860] =	vst v1;
	s16 =	sshra.s32 s23, $0x2;
	s23 =	sadd.s32 $0x200, s23  }
0x41: {  	[tilespmem:s16+$0x1A870] =	vst v1  }
0x42: {  	[tilespmem:s16+$0x1A800] =	vst v1  }
0x43: {  	[tilespmem:s16+$0x1A810] =	vst v1  }
0x44: {  	[tilespmem:s16+$0x1A820] =	vst v1  }
0x45: {  	[tilespmem:s16+$0x1A830] =	vst v1  }
0x46: {  	[tilespmem:s16+$0x1A840] =	vst v1;
	s17 =	sand.u32 $0x1E00, s15  }
0x47: {  	[tilespmem:s16+$0x1A850] =	vst v1;
	s23 =	sand.u32 $0x30, s15;
	s24 =	sadd.s32 $0x0, s6;
	s17 =	sshrl.u32 s17, $0x2  }
0x48: {  	[tilespmem:s16+$0x1A860] =	vst v1;
	s16 =	simm.s32 $0x80;
	v3 =	vor.u32 s24, v2;
	s17 =	sor.u32 s23, s17  }
.LBB2_6:
0x49: {  	p0 =	sne.s32 s16, $0x1380  }
0x4a: {  	[tilespmem:s17+$0x16000] =	vst v3;
	s15 =	sadd.s32 $0x10, s15;
	s17 =	smov.u32 s16;
	s16 =	sadd.s32 $0x80, s16  }
.Ltmp2:
0x4b: {  	(pc) =	sbr.rel @p0 .LBB2_6-.Ltmp2, $4  }
0x4c: {  	_ = 	snop  }
0x4d: {  	s17 =	sand.u32 $0x1E00, s17  }
0x4e: {  	s23 =	sand.u32 $0x30, s15;
	s24 =	sadd.s32 s15, s6;
	s17 =	sshrl.u32 s17, $0x2  }
0x4f: {  	v3 =	vor.u32 s24, v2;
	s17 =	sor.u32 s23, s17  }
0x50: {  	[tilespmem:s17+$0x16000] =	vst v3  }
0x51: {  	[spmem:s3] =	stream.indirect.scatter [tilespmem:s21], [sflag:$0x5], $0x80, s18, s19, $0xb8;
	[tilespmem:$0x1C800] =	vst v63  }
0x52: {  	_ =	swait.ge [sflag:s22], $0x2000  }
0x53: {  	[sflag:s22] =	ssyncset.done $0x0  }
0x54: {  	[sflag:s22] =	ssyncadd.s32 $0xFFFFE000  }
0x55: {  	[spmem:s3] =	stream.indirect.scatter [tilespmem:s21], [sflag:$0x5], $0x80, s25, s19, $0xb8;
	[tilespmem:$0x1C800] =	vst v63  }
0x56: {  	_ =	swait.ge [sflag:s22], $0x2000  }
0x57: {  	[sflag:s22] =	ssyncset.done $0x0  }
0x58: {  	s15 =	simm.s32 $0x16100;
	[sflag:s22] =	ssyncadd.s32 $0xFFFFE000  }
0x59: {  	[spmem:s3] =	stream.indirect.scatter [tilespmem:s21], [sflag:$0x5], $0x80, s15, s19, $0xb8;
	[tilespmem:$0x1C800] =	vst v63  }
0x5a: {  	_ =	swait.ge [sflag:s22], $0x2000  }
0x5b: {  	[sflag:s22] =	ssyncset.done $0x0  }
0x5c: {  	s25 =	simm.s32 $0x16180;
	[sflag:s22] =	ssyncadd.s32 $0xFFFFE000  }
0x5d: {  	[spmem:s3] =	stream.indirect.scatter [tilespmem:s21], [sflag:$0x5], $0x80, s25, s19, $0xb8;
	[tilespmem:$0x1C800] =	vst v63  }
0x5e: {  	_ =	swait.ge [sflag:s22], $0x2000  }
0x5f: {  	[sflag:s22] =	ssyncset.done $0x0  }
0x60: {  	[sflag:s22] =	ssyncadd.s32 $0xFFFFE000  }
0x61: {  	[spmem:s3] =	stream.indirect.scatter [tilespmem:s21], [sflag:$0x5], $0x80, s26, s19, $0xb8;
	[tilespmem:$0x1C800] =	vst v63  }
0x62: {  	_ =	swait.ge [sflag:s22], $0x2000  }
0x63: {  	[sflag:s22] =	ssyncset.done $0x0  }
0x64: {  	[sflag:s22] =	ssyncadd.s32 $0xFFFFE000  }
0x65: {  	[spmem:s3] =	stream.indirect.scatter [tilespmem:s21], [sflag:$0x5], $0x80, s28, s19, $0xb8;
	[tilespmem:$0x1C800] =	vst v63  }
0x66: {  	_ =	swait.ge [sflag:s22], $0x2000  }
0x67: {  	[sflag:s22] =	ssyncset.done $0x0  }
0x68: {  	[sflag:s22] =	ssyncadd.s32 $0xFFFFE000  }
0x69: {  	[spmem:s3] =	stream.indirect.scatter [tilespmem:s21], [sflag:$0x5], $0x80, s29, s19, $0xb8;
	[tilespmem:$0x1C800] =	vst v63  }
0x6a: {  	_ =	swait.ge [sflag:s22], $0x2000  }
0x6b: {  	[sflag:s22] =	ssyncset.done $0x0  }
0x6c: {  	[sflag:s22] =	ssyncadd.s32 $0xFFFFE000  }
0x6d: {  	[spmem:s3] =	stream.indirect.scatter [tilespmem:s21], [sflag:$0x5], $0x80, s30, s19, $0xb8;
	[tilespmem:$0x1C800] =	vst v63  }
0x6e: {  	_ =	swait.ge [sflag:s22], $0x2000  }
0x6f: {  	[sflag:s22] =	ssyncset.done $0x0  }
0x70: {  	[sflag:s22] =	ssyncadd.s32 $0xFFFFE000  }
0x71: {  	[spmem:s3] =	stream.indirect.scatter [tilespmem:s21], [sflag:$0x5], $0x80, s31, s19, $0xb8;
	[tilespmem:$0x1C800] =	vst v63  }
0x72: {  	_ =	swait.ge [sflag:s22], $0x2000  }
0x73: {  	[sflag:s22] =	ssyncset.done $0x0  }
0x74: {  	[sflag:s22] =	ssyncadd.s32 $0xFFFFE000  }
0x75: {  	[spmem:s3] =	stream.indirect.scatter [tilespmem:s21], [sflag:$0x5], $0x80, s1, s19, $0xb8;
	[tilespmem:$0x1C800] =	vst v63  }
0x76: {  	_ =	swait.ge [sflag:s22], $0x2000  }
0x77: {  	[sflag:s22] =	ssyncset.done $0x0  }
0x78: {  	[sflag:s22] =	ssyncadd.s32 $0xFFFFE000  }
0x79: {  	s16 =	simm.s32 $0x0;
	s15 =	simm.s32 $0x0;
	[bflag:$0x0] =	sbarrier.arrive $0xFFFF  }
.LBB2_8:
0x7a: {  	s17 =	sshll.u32 s16, $0xC  }
0x7b: {  	s17 =	sadd.s32 s7, s17  }
0x7c: {  	s17 =	sshrl.u32 s17, $0x3  }
0x7d: {  	s23 =	sadd.s32 s0, s17  }
0x7e: {  	[tilespmem:s2], [sflag:$0x1] =	stream.linear.gather [hbm4b:s23+s15], $0x1000, $0x38;
	[tilespmem:$0x1C800] =	vst v63  }
0x7f: {  	_ =	swait.ge [sflag:s8], $0x1000  }
0x80: {  	[sflag:s8] =	ssyncset.done $0x0  }
0x81: {  	s17 =	sadd.s32 s5, s17;
	[sflag:s8] =	ssyncadd.s32 $0xFFFFF000  }
0x82: {  	[tilespmem:s9], [sflag:$0x1] =	stream.linear.gather [hbm4b:s17+s15], $0x1000, $0x38;
	[tilespmem:$0x1C800] =	vst v63  }
0x83: {  	_ =	swait.ge [sflag:s8], $0x1000  }
0x84: {  	[sflag:s8] =	ssyncset.done $0x0  }
0x85: {  	s18 =	simm.s32 $0x14000;
	[sflag:s8] =	ssyncadd.s32 $0xFFFFF000  }
0x86: {  	[spmem:s3] =	stream.indirect.scatter.add.f32 [tilespmem:s10], [sflag:$0x1], $0x80, s18, s19, $0xb8;
	[tilespmem:$0x1C800] =	vst v63  }
0x87: {  	s23 =	simm.s32 $0x15000  }
0x88: {  	[spmem:s3] =	stream.indirect.scatter.add.f32 [tilespmem:s11], [sflag:$0x2], $0x80, s23, s19, $0xb8;
	[tilespmem:$0x1C800] =	vst v63  }
0x89: {  	s24 =	simm.s32 $0x14080  }
0x8a: {  	[spmem:s3] =	stream.indirect.scatter.add.f32 [tilespmem:s10], [sflag:$0x3], $0x80, s24, s19, $0xb8;
	[tilespmem:$0x1C800] =	vst v63  }
0x8b: {  	s25 =	simm.s32 $0x15080  }
0x8c: {  	[spmem:s3] =	stream.indirect.scatter.add.f32 [tilespmem:s11], [sflag:$0x4], $0x80, s25, s19, $0xb8;
	[tilespmem:$0x1C800] =	vst v63  }
0x8d: {  	_ =	swait.ge [sflag:s8], $0x2000  }
0x8e: {  	[sflag:s8] =	ssyncset.done $0x0  }
0x8f: {  	[sflag:s8] =	ssyncadd.s32 $0xFFFFE000  }
0x90: {  	_ =	swait.ge [sflag:s12], $0x2000  }
0x91: {  	[sflag:s12] =	ssyncset.done $0x0  }
0x92: {  	[sflag:s12] =	ssyncadd.s32 $0xFFFFE000  }
0x93: {  	_ =	swait.ge [sflag:s13], $0x2000  }
0x94: {  	[sflag:s13] =	ssyncset.done $0x0  }
0x95: {  	[sflag:s13] =	ssyncadd.s32 $0xFFFFE000  }
0x96: {  	_ =	swait.ge [sflag:s20], $0x2000  }
0x97: {  	s17 =	simm.s32 $0x800;
	s23 =	simm.s32 $0x100;
	[sflag:s20] =	ssyncset.done $0x0  }
.LBB2_9:
0x98: {  	s24 =	sadd.s32 $0x14000, s23  }
0x99: {  	[sflag:s20] =	ssyncadd.s32 $0xFFFFE000;
	s18 =	smov.u32 s17;
	s25 =	sadd.s32 $0x400, s17  }
0x9a: {  	[spmem:s3] =	stream.indirect.scatter.add.f32 [tilespmem:s10], [sflag:$0x1], $0x80, s24, s19, $0xb8;
	[tilespmem:$0x1C800] =	vst v63  }
0x9b: {  	p0 =	sne.s32 s17, $0x3C00;
	s17 =	sadd.s32 $0x15000, s23  }
0x9c: {  	[spmem:s3] =	stream.indirect.scatter.add.f32 [tilespmem:s11], [sflag:$0x2], $0x80, s17, s19, $0xb8;
	[tilespmem:$0x1C800] =	vst v63  }
0x9d: {  	s17 =	sadd.s32 $0x14080, s23  }
0x9e: {  	[spmem:s3] =	stream.indirect.scatter.add.f32 [tilespmem:s10], [sflag:$0x3], $0x80, s17, s19, $0xb8;
	[tilespmem:$0x1C800] =	vst v63  }
0x9f: {  	s17 =	sadd.s32 $0x15080, s23  }
0xa0: {  	[spmem:s3] =	stream.indirect.scatter.add.f32 [tilespmem:s11], [sflag:$0x4], $0x80, s17, s19, $0xb8;
	[tilespmem:$0x1C800] =	vst v63  }
0xa1: {  	_ =	swait.ge [sflag:s8], $0x2000  }
0xa2: {  	[sflag:s8] =	ssyncset.done $0x0  }
0xa3: {  	[sflag:s8] =	ssyncadd.s32 $0xFFFFE000  }
0xa4: {  	_ =	swait.ge [sflag:s12], $0x2000  }
0xa5: {  	[sflag:s12] =	ssyncset.done $0x0  }
0xa6: {  	[sflag:s12] =	ssyncadd.s32 $0xFFFFE000  }
.Ltmp3:
0xa7: {  	_ =	swait.ge [sflag:s13], $0x2000;
	(pc) =	sbr.rel @p0 .LBB2_9-.Ltmp3, $4  }
0xa8: {  	[sflag:s13] =	ssyncset.done $0x0  }
0xa9: {  	[sflag:s13] =	ssyncadd.s32 $0xFFFFE000  }
0xaa: {  	_ =	swait.ge [sflag:s20], $0x2000  }
0xab: {  	s23 =	sshra.s32 s18, $0x2;
	s17 =	smov.u32 s25;
	[sflag:s20] =	ssyncset.done $0x0  }
0xac: {  	s17 =	sadd.s32 $0x14000, s23;
	[sflag:s20] =	ssyncadd.s32 $0xFFFFE000  }
0xad: {  	[spmem:s3] =	stream.indirect.scatter.add.f32 [tilespmem:s10], [sflag:$0x1], $0x80, s17, s19, $0xb8;
	[tilespmem:$0x1C800] =	vst v63  }
0xae: {  	s18 =	sadd.s32 $0x15000, s23  }
0xaf: {  	[spmem:s3] =	stream.indirect.scatter.add.f32 [tilespmem:s11], [sflag:$0x2], $0x80, s18, s19, $0xb8;
	[tilespmem:$0x1C800] =	vst v63  }
0xb0: {  	s24 =	sadd.s32 $0x14080, s23  }
0xb1: {  	[spmem:s3] =	stream.indirect.scatter.add.f32 [tilespmem:s10], [sflag:$0x3], $0x80, s24, s19, $0xb8;
	[tilespmem:$0x1C800] =	vst v63  }
0xb2: {  	s25 =	sadd.s32 $0x15080, s23  }
0xb3: {  	[spmem:s3] =	stream.indirect.scatter.add.f32 [tilespmem:s11], [sflag:$0x4], $0x80, s25, s19, $0xb8;
	[tilespmem:$0x1C800] =	vst v63  }
0xb4: {  	_ =	swait.ge [sflag:s8], $0x2000  }
0xb5: {  	[sflag:s8] =	ssyncset.done $0x0  }
0xb6: {  	[sflag:s8] =	ssyncadd.s32 $0xFFFFE000  }
0xb7: {  	_ =	swait.ge [sflag:s12], $0x2000  }
0xb8: {  	[sflag:s12] =	ssyncset.done $0x0  }
0xb9: {  	s16 =	sadd.s32 $0x1, s16;
	[sflag:s12] =	ssyncadd.s32 $0xFFFFE000  }
0xba: {  	p0 =	sne.s32 s16, $0x5;
	_ =	swait.ge [sflag:s13], $0x2000  }
.Ltmp4:
0xbb: {  	[sflag:s13] =	ssyncset.done $0x0;
	(pc) =	sbr.rel @p0 .LBB2_8-.Ltmp4, $4  }
0xbc: {  	[sflag:s13] =	ssyncadd.s32 $0xFFFFE000  }
0xbd: {  	_ =	swait.ge [sflag:s20], $0x2000  }
0xbe: {  	[sflag:s20] =	ssyncset.done $0x0  }
0xbf: {  	[sflag:s20] =	ssyncadd.s32 $0xFFFFE000  }
0xc0: {  	[bflag:$0x0] =	sbarrier.arrive $0xFFFF;
	s18 =	simm.s32 $0x16000  }
0xc1: {  	[tilespmem:s21], [sflag:$0x1] =	stream.indirect.gather [spmem:s3], $0x80, s18, s19, $0xb8;
	[tilespmem:$0x1C800] =	vst v63  }
0xc2: {  	_ =	swait.ge [sflag:s8], $0x2000  }
0xc3: {  	[sflag:s8] =	ssyncset.done $0x0  }
0xc4: {  	s15 =	rddreg [dreg:$0x5];
	[sflag:s8] =	ssyncadd.s32 $0xFFFFE000  }
0xc5: {  	[hbm4b:s15+s4] =	stream.linear.scatter [tilespmem:s21], [sflag:$0x5], $0x2000, $0x38;
	[tilespmem:$0x1C800] =	vst v63  }
0xc6: {  	_ =	swait.ge [sflag:s22], $0x2000  }
0xc7: {  	[sflag:s22] =	ssyncset.done $0x0  }
0xc8: {  	s25 =	simm.s32 $0x16080;
	[sflag:s22] =	ssyncadd.s32 $0xFFFFE000  }
0xc9: {  	[tilespmem:s21], [sflag:$0x1] =	stream.indirect.gather [spmem:s3], $0x80, s25, s19, $0xb8;
	[tilespmem:$0x1C800] =	vst v63  }
0xca: {  	_ =	swait.ge [sflag:s8], $0x2000  }
0xcb: {  	[sflag:s8] =	ssyncset.done $0x0  }
0xcc: {  	s16 =	rddreg [dreg:$0x6];
	[sflag:s8] =	ssyncadd.s32 $0xFFFFE000  }
0xcd: {  	[hbm4b:s16+s4] =	stream.linear.scatter [tilespmem:s21], [sflag:$0x5], $0x2000, $0x38;
	[tilespmem:$0x1C800] =	vst v63  }
0xce: {  	_ =	swait.ge [sflag:s22], $0x2000  }
0xcf: {  	[sflag:s22] =	ssyncset.done $0x0  }
0xd0: {  	s17 =	simm.s32 $0x16100;
	[sflag:s22] =	ssyncadd.s32 $0xFFFFE000  }
0xd1: {  	[tilespmem:s21], [sflag:$0x1] =	stream.indirect.gather [spmem:s3], $0x80, s17, s19, $0xb8;
	[tilespmem:$0x1C800] =	vst v63  }
0xd2: {  	_ =	swait.ge [sflag:s8], $0x2000  }
0xd3: {  	[sflag:s8] =	ssyncset.done $0x0  }
0xd4: {  	s23 =	rddreg [dreg:$0x7];
	[sflag:s8] =	ssyncadd.s32 $0xFFFFE000  }
0xd5: {  	[hbm4b:s23+s4] =	stream.linear.scatter [tilespmem:s21], [sflag:$0x5], $0x2000, $0x38;
	[tilespmem:$0x1C800] =	vst v63  }
0xd6: {  	_ =	swait.ge [sflag:s22], $0x2000  }
0xd7: {  	[sflag:s22] =	ssyncset.done $0x0  }
0xd8: {  	s24 =	simm.s32 $0x16180;
	[sflag:s22] =	ssyncadd.s32 $0xFFFFE000  }
0xd9: {  	[tilespmem:s21], [sflag:$0x1] =	stream.indirect.gather [spmem:s3], $0x80, s24, s19, $0xb8;
	[tilespmem:$0x1C800] =	vst v63  }
0xda: {  	_ =	swait.ge [sflag:s8], $0x2000  }
0xdb: {  	[sflag:s8] =	ssyncset.done $0x0  }
0xdc: {  	s16 =	rddreg [dreg:$0x8];
	[sflag:s8] =	ssyncadd.s32 $0xFFFFE000  }
0xdd: {  	[hbm4b:s16+s4] =	stream.linear.scatter [tilespmem:s21], [sflag:$0x5], $0x2000, $0x38;
	[tilespmem:$0x1C800] =	vst v63  }
0xde: {  	_ =	swait.ge [sflag:s22], $0x2000  }
0xdf: {  	[sflag:s22] =	ssyncset.done $0x0  }
0xe0: {  	[sflag:s22] =	ssyncadd.s32 $0xFFFFE000  }
0xe1: {  	[tilespmem:s21], [sflag:$0x1] =	stream.indirect.gather [spmem:s3], $0x80, s26, s19, $0xb8;
	[tilespmem:$0x1C800] =	vst v63  }
0xe2: {  	_ =	swait.ge [sflag:s8], $0x2000  }
0xe3: {  	[sflag:s8] =	ssyncset.done $0x0  }
0xe4: {  	s17 =	rddreg [dreg:$0x9];
	[sflag:s8] =	ssyncadd.s32 $0xFFFFE000  }
0xe5: {  	[hbm4b:s17+s4] =	stream.linear.scatter [tilespmem:s21], [sflag:$0x5], $0x2000, $0x38;
	[tilespmem:$0x1C800] =	vst v63  }
0xe6: {  	_ =	swait.ge [sflag:s22], $0x2000  }
0xe7: {  	[sflag:s22] =	ssyncset.done $0x0  }
0xe8: {  	[sflag:s22] =	ssyncadd.s32 $0xFFFFE000  }
0xe9: {  	[tilespmem:s21], [sflag:$0x1] =	stream.indirect.gather [spmem:s3], $0x80, s28, s19, $0xb8;
	[tilespmem:$0x1C800] =	vst v63  }
0xea: {  	_ =	swait.ge [sflag:s8], $0x2000  }
0xeb: {  	[sflag:s8] =	ssyncset.done $0x0  }
0xec: {  	s23 =	rddreg [dreg:$0xa];
	[sflag:s8] =	ssyncadd.s32 $0xFFFFE000  }
0xed: {  	[hbm4b:s23+s4] =	stream.linear.scatter [tilespmem:s21], [sflag:$0x5], $0x2000, $0x38;
	[tilespmem:$0x1C800] =	vst v63  }
0xee: {  	_ =	swait.ge [sflag:s22], $0x2000  }
0xef: {  	[sflag:s22] =	ssyncset.done $0x0  }
0xf0: {  	[sflag:s22] =	ssyncadd.s32 $0xFFFFE000  }
0xf1: {  	[tilespmem:s21], [sflag:$0x1] =	stream.indirect.gather [spmem:s3], $0x80, s29, s19, $0xb8;
	[tilespmem:$0x1C800] =	vst v63  }
0xf2: {  	_ =	swait.ge [sflag:s8], $0x2000  }
0xf3: {  	[sflag:s8] =	ssyncset.done $0x0  }
0xf4: {  	s24 =	rddreg [dreg:$0xb];
	[sflag:s8] =	ssyncadd.s32 $0xFFFFE000  }
0xf5: {  	[hbm4b:s24+s4] =	stream.linear.scatter [tilespmem:s21], [sflag:$0x5], $0x2000, $0x38;
	[tilespmem:$0x1C800] =	vst v63  }
0xf6: {  	_ =	swait.ge [sflag:s22], $0x2000  }
0xf7: {  	[sflag:s22] =	ssyncset.done $0x0  }
0xf8: {  	[sflag:s22] =	ssyncadd.s32 $0xFFFFE000  }
0xf9: {  	[tilespmem:s21], [sflag:$0x1] =	stream.indirect.gather [spmem:s3], $0x80, s30, s19, $0xb8;
	[tilespmem:$0x1C800] =	vst v63  }
0xfa: {  	_ =	swait.ge [sflag:s8], $0x2000  }
0xfb: {  	[sflag:s8] =	ssyncset.done $0x0  }
0xfc: {  	s16 =	rddreg [dreg:$0xc];
	[sflag:s8] =	ssyncadd.s32 $0xFFFFE000  }
0xfd: {  	[hbm4b:s16+s4] =	stream.linear.scatter [tilespmem:s21], [sflag:$0x5], $0x2000, $0x38;
	[tilespmem:$0x1C800] =	vst v63  }
0xfe: {  	_ =	swait.ge [sflag:s22], $0x2000  }
0xff: {  	[sflag:s22] =	ssyncset.done $0x0  }
0x100: {  	[sflag:s22] =	ssyncadd.s32 $0xFFFFE000  }
0x101: {  	[tilespmem:s21], [sflag:$0x1] =	stream.indirect.gather [spmem:s3], $0x80, s31, s19, $0xb8;
	[tilespmem:$0x1C800] =	vst v63  }
0x102: {  	_ =	swait.ge [sflag:s8], $0x2000  }
0x103: {  	[sflag:s8] =	ssyncset.done $0x0  }
0x104: {  	s17 =	rddreg [dreg:$0xd];
	[sflag:s8] =	ssyncadd.s32 $0xFFFFE000  }
0x105: {  	[hbm4b:s17+s4] =	stream.linear.scatter [tilespmem:s21], [sflag:$0x5], $0x2000, $0x38;
	[tilespmem:$0x1C800] =	vst v63  }
0x106: {  	_ =	swait.ge [sflag:s22], $0x2000  }
0x107: {  	[sflag:s22] =	ssyncset.done $0x0  }
0x108: {  	[sflag:s22] =	ssyncadd.s32 $0xFFFFE000  }
0x109: {  	[tilespmem:s21], [sflag:$0x1] =	stream.indirect.gather [spmem:s3], $0x80, s1, s19, $0xb8;
	[tilespmem:$0x1C800] =	vst v63  }
0x10a: {  	_ =	swait.ge [sflag:s8], $0x2000  }
0x10b: {  	[sflag:s8] =	ssyncset.done $0x0  }
0x10c: {  	s23 =	rddreg [dreg:$0xe];
	[sflag:s8] =	ssyncadd.s32 $0xFFFFE000  }
0x10d: {  	[hbm4b:s23+s4] =	stream.linear.scatter [tilespmem:s21], [sflag:$0x5], $0x2000, $0x38;
	[tilespmem:$0x1C800] =	vst v63  }
0x10e: {  	_ =	swait.ge [sflag:s22], $0x2000  }
0x10f: {  	s14 =	sadd.s32 $0x1, s14;
	s24 =	rddreg [dreg:$0x4]  }
0x110: {  	p0 =	sne.s32 s14, s24  }
.Ltmp5:
0x111: {  	_ = 	snop;
	(pc) =	sbr.rel @p0 .LBB2_1-.Ltmp5, $3  }
0x112: {  	_ =	sdelay $0x1  }
0x113: {  	[sflag:s22] =	ssyncset.done $0x0  }
0x114: {  	[sflag:s22] =	ssyncadd.s32 $0xFFFFE000  }
0x115: {  	_ =	sfence.sel $0x180000  }
0x116: {  	[bflag:$0x0] =	sbarrier.arrive $0xFFFF  }
0x117: {  	_ =	strace $0x90000047  }
0x118: {  	s0 =	stileid.u32;
	[bflag:$0x2] =	sbarrier.arrive $0xFFFF  }
0x119: {  	p0 =	sne.s32 s0, $0x0;
	s0 =	rddreg [dreg:$0x3]  }
0x11a: {  	s0 =	sadd.s32 @!p0 $0x100000, s0  }
0x11b: {  	[sflag:s0] =	ssyncadd.tile.s32 @!p0 $0x1;
	_ =	shalt  }
.Lfunc_end2:
_tile_overlayer_lowered:
.L_overlay_start_2:
0x11c: {  	(tag) =	ssettag $0x2  }
0x11d: {  	s0 =	rddreg [dreg:$0x0];
	s2 =	stileid.u32  }
0x11e: {  	s1 =	rddreg [dreg:$0x1];
	p0 =	sne.s32 s2, $0x0  }
0x11f: {  	s3 =	rddreg [dreg:$0x2];
	[bflag:$0x3] =	sbarrier.arrive $0xFFFF;
	s2 =	simm.s32 @!p0 $0x1C05  }
0x120: {  	[timem:s3], [sflag:s2] =	dma.local @!p0 [hbm:s0], s1  }
0x121: {  	s0 =	simm.s32 @!p0 $0x5  }
0x122: {  	_ =	swait.ge @!p0 [sflag:s0], s1  }
0x123: {  	s1 =	ssub.s32 @!p0 $0x0, s1;
	[sflag:s0] =	ssyncset.done @!p0 $0x0  }
0x124: {  	[sflag:s0] =	ssyncadd.s32 @!p0 s1  }
0x125: {  	[bflag:$0x3] =	sbarrier.arrive $0xFFFF  }
0x126: {  	_ =	shalt  }

</sc_bundles>
